<compile_context>
chip_gen: v7x
topology: tpu7x:2x2x1
jax: 0.10.2.dev20260603
libtpu: 0.0.44.dev20260713+nightly
codegen_flags: <defaults>
</compile_context>

<pallas_src>
import functools

import jax
import jax.numpy as jnp
from jax import lax
from jax.experimental import pallas as pl
from jax.experimental.pallas import tpu as pltpu
from jax.experimental.pallas import tpu_sc as plsc

B = 16384
F = 128
NC = 2
NS = 16
L = 16
NW = NC * NS
BPW = B // NW
CH = 128
NCH = BPW // CH


def _sc_body(user_hbm, item_hbm, uf_hbm, if_hbm, ub_hbm, ib_hbm, out_hbm,
             idx_u, idx_i, uf_v, if_v, ub_v, ib_v, out_v,
             gsem0, gsem1, osem):
    cid = lax.axis_index("c")
    sid = lax.axis_index("s")
    wid = sid * NC + cid
    base = wid * BPW
    gsems = [gsem0, gsem1]

    pltpu.sync_copy(user_hbm.at[pl.ds(base, BPW)], idx_u)
    pltpu.sync_copy(item_hbm.at[pl.ds(base, BPW)], idx_i)

    def fire(c):
        s = c % 2
        iu = idx_u.at[pl.ds(c * CH, CH)]
        ii = idx_i.at[pl.ds(c * CH, CH)]
        return [
            pltpu.async_copy(uf_hbm.at[iu], uf_v.at[s], gsems[s]),
            pltpu.async_copy(if_hbm.at[ii], if_v.at[s], gsems[s]),
            pltpu.async_copy(ub_hbm.at[iu], ub_v.at[s], gsems[s]),
            pltpu.async_copy(ib_hbm.at[ii], ib_v.at[s], gsems[s]),
        ]

    lane = lax.iota(jnp.int32, L)
    inflight = fire(0)
    out_cps = []
    for c in range(NCH):
        s = c % 2
        if c + 1 < NCH:
            nxt = fire(c + 1)
        for cp in inflight:
            cp.wait()
        if c + 1 < NCH:
            inflight = nxt
        @plsc.parallel_loop(0, CH // L)
        def gloop(g):

            def one_row(r):
                acc0 = uf_v[s, r, pl.ds(0, L)] * if_v[s, r, pl.ds(0, L)]
                acc1 = uf_v[s, r, pl.ds(L, L)] * if_v[s, r, pl.ds(L, L)]
                for j in range(2, F // L, 2):
                    acc0 += (uf_v[s, r, pl.ds(j * L, L)]
                             * if_v[s, r, pl.ds(j * L, L)])
                    acc1 += (uf_v[s, r, pl.ds((j + 1) * L, L)]
                             * if_v[s, r, pl.ds((j + 1) * L, L)])
                return jnp.sum(acc0 + acc1)

            def rbody(k, res):
                r = g * L + 2 * k
                t0 = one_row(r)
                t1 = one_row(r + 1)
                res = jnp.where(lane == 2 * k, t0, res)
                return jnp.where(lane == 2 * k + 1, t1, res)

            res = lax.fori_loop(0, L // 2, rbody,
                                jnp.zeros((L,), jnp.float32))
            sgm = pl.ds(g * L, L)
            pred = res + ub_v[s, sgm] + ib_v[s, sgm]
            out_v[c, sgm] = 1.0 / (1.0 + jnp.exp(-pred))
        out_cps.append(pltpu.async_copy(
            out_v.at[c], out_hbm.at[pl.ds(base + c * CH, CH)], osem))
    for cp in out_cps:
        cp.wait()


@functools.partial(
    pl.kernel,
    mesh=plsc.VectorSubcoreMesh(core_axis_name="c", subcore_axis_name="s"),
    out_type=jax.ShapeDtypeStruct((B,), jnp.float32),
    compiler_params=pltpu.CompilerParams(
        needs_layout_passes=False, use_tc_tiling_on_sc=False),
    scratch_types=[
        pltpu.VMEM((BPW,), jnp.int32),
        pltpu.VMEM((BPW,), jnp.int32),
        pltpu.VMEM((2, CH, F), jnp.float32),
        pltpu.VMEM((2, CH, F), jnp.float32),
        pltpu.VMEM((2, CH), jnp.float32),
        pltpu.VMEM((2, CH), jnp.float32),
        pltpu.VMEM((NCH, CH), jnp.float32),
        pltpu.SemaphoreType.DMA,
        pltpu.SemaphoreType.DMA,
        pltpu.SemaphoreType.DMA,
    ],
)
def _svdpp_sc(user_hbm, item_hbm, uf_hbm, if_hbm, ub_hbm, ib_hbm, out_hbm,
              idx_u, idx_i, uf_v, if_v, ub_v, ib_v, out_v,
              gsem0, gsem1, osem):
    _sc_body(user_hbm, item_hbm, uf_hbm, if_hbm, ub_hbm, ib_hbm, out_hbm,
             idx_u, idx_i, uf_v, if_v, ub_v, ib_v, out_v, gsem0, gsem1, osem)


def kernel(user, item, user_factors, item_factors, user_biases, item_biases,
           user_implicit):
    del user_implicit
    ub = jnp.pad(user_biases, ((0, -user_biases.shape[0] % 1024), (0, 0)))
    ib = jnp.pad(item_biases, ((0, -item_biases.shape[0] % 1024), (0, 0)))
    return _svdpp_sc(user, item, user_factors, item_factors,
                     ub.reshape(-1), ib.reshape(-1))

# --- scband reference (transcript-rebuilt; emitter-appended) ---
"""Pipeline reference for scband-svdpp-45329084842154 (READ-ONLY COPY).

The authoritative reference and input builder live on the scoring server;
editing this copy changes nothing except your own understanding.
"""

import jax, jax.numpy as jnp
import numpy as np

N_USERS = 1000000
N_ITEMS = 100000
N_FACTORS = 128
BATCH = 16384


def setup_inputs(seed: int = 0) -> dict:
    key = jax.random.key(seed)
    k_user, k_item, k_uf, k_if, k_ub, k_ib, k_ui = jax.random.split(key, 7)
    user = jax.random.randint(k_user, (BATCH,), 0, N_USERS, dtype=jnp.int64 if jax.config.jax_enable_x64 else jnp.int32)
    item = jax.random.randint(k_item, (BATCH,), 0, N_ITEMS, dtype=jnp.int64 if jax.config.jax_enable_x64 else jnp.int32)
    user_factors = jax.random.normal(k_uf, (N_USERS, N_FACTORS), dtype=jnp.float32) * 0.01
    item_factors = jax.random.normal(k_if, (N_ITEMS, N_FACTORS), dtype=jnp.float32) * 0.01
    user_biases = jax.random.normal(k_ub, (N_USERS, 1), dtype=jnp.float32) * 0.01
    item_biases = jax.random.normal(k_ib, (N_ITEMS, 1), dtype=jnp.float32) * 0.01
    user_implicit = jax.random.normal(k_ui, (N_USERS, N_FACTORS), dtype=jnp.float32) * 0.01
    return {
        "user": user,
        "item": item,
        "user_factors": user_factors,
        "item_factors": item_factors,
        "user_biases": user_biases,
        "item_biases": item_biases,
        "user_implicit": user_implicit,
    }


def reference(user, item, user_factors, item_factors, user_biases, item_biases, user_implicit):
    # Embedding lookups (gathers)
    user_factor = jnp.take(user_factors, user, axis=0)          # [B, F]
    item_factor = jnp.take(item_factors, item, axis=0)          # [B, F]
    user_bias = jnp.squeeze(jnp.take(user_biases, user, axis=0))  # [B]
    item_bias = jnp.squeeze(jnp.take(item_biases, item, axis=0))  # [B]
    user_implicit_factor = jnp.take(user_implicit, user, axis=0)  # [B, F] (looked up, unused in prediction, as in original)
    prediction = jnp.sum(user_factor * item_factor, axis=1) + user_bias + item_bias
    return jax.nn.sigmoid(prediction)

if __name__ == "__main__":
    import jax
    _d = setup_inputs()
    print(jax.jit(kernel)(*tuple(_d.values())))

</pallas_src>

<mosaic_0001>
#map = affine_map<(d0, d1) -> (0)>
#map1 = affine_map<(d0, d1) -> (0, 0)>
module attributes {stable_mosaic.version = 14 : i64} {
  func.func @_svdpp_sc(%arg0: i32, %arg1: i32, %arg2: memref<16384xi32, #tpu.memory_space<hbm>>, %arg3: memref<16384xi32, #tpu.memory_space<hbm>>, %arg4: memref<1000000x128xf32, #tpu.memory_space<hbm>>, %arg5: memref<100000x128xf32, #tpu.memory_space<hbm>>, %arg6: memref<1000448xf32, #tpu.memory_space<hbm>>, %arg7: memref<100352xf32, #tpu.memory_space<hbm>>, %arg8: memref<16384xf32, #tpu.memory_space<hbm>>, %arg9: memref<512xi32, #tpu.memory_space<vmem>>, %arg10: memref<512xi32, #tpu.memory_space<vmem>>, %arg11: memref<2x128x128xf32, #tpu.memory_space<vmem>>, %arg12: memref<2x128x128xf32, #tpu.memory_space<vmem>>, %arg13: memref<2x128xf32, #tpu.memory_space<vmem>>, %arg14: memref<2x128xf32, #tpu.memory_space<vmem>>, %arg15: memref<4x128xf32, #tpu.memory_space<vmem>>, %arg16: memref<!tpu.dma_semaphore, #tpu.memory_space<semaphore_mem>>, %arg17: memref<!tpu.dma_semaphore, #tpu.memory_space<semaphore_mem>>, %arg18: memref<!tpu.dma_semaphore, #tpu.memory_space<semaphore_mem>>) attributes {dimension_semantics = [#tpu.dimension_semantics<core_parallel>, #tpu.dimension_semantics<subcore_parallel>], iteration_bounds = array<i64: 2, 16>, scalar_prefetch = 0 : i64, scratch_operands = 10 : i64, tpu.core_type = #tpu.core_type<sc_vector_subcore>, window_params = [{transform_indices = #map}, {transform_indices = #map}, {transform_indices = #map1}, {transform_indices = #map1}, {transform_indices = #map}, {transform_indices = #map}, {transform_indices = #map}]} {
    %mul3A = arith.constant 2 : i32
    %mul3A_0 = arith.muli %arg1, %mul3A : i32
    %add3A = arith.addi %mul3A_0, %arg0 : i32
    %mul3A_1 = arith.constant 512 : i32
    %mul3A_2 = arith.muli %add3A, %mul3A_1 : i32
    "tpu.region"() ({
      %run_scoped3A = tpu.sem_alloc : memref<!tpu.dma_semaphore, #tpu.memory_space<semaphore_mem>>
      %dma_start3A_380 = tpu.memref_slice %arg2[%mul3A_2] : memref<16384xi32, #tpu.memory_space<hbm>> -> memref<512xi32, #tpu.memory_space<hbm>>
      %dma_start3A_381 = tpu.memref_slice %arg2[%mul3A_2] : memref<16384xi32, #tpu.memory_space<hbm>> -> memref<512xi32, #tpu.memory_space<hbm>>
      tpu.enqueue_dma source(%dma_start3A_381 : memref<512xi32, #tpu.memory_space<hbm>>) target(%arg9 : memref<512xi32, #tpu.memory_space<vmem>>) target_semaphore(%run_scoped3A : memref<!tpu.dma_semaphore, #tpu.memory_space<semaphore_mem>>)
      %dma_wait3A_382 = tpu.memref_slice %arg2[%mul3A_2] : memref<16384xi32, #tpu.memory_space<hbm>> -> memref<512xi32, #tpu.memory_space<hbm>>
      %dma_wait3A_383 = tpu.memref_slice %arg2[%mul3A_2] : memref<16384xi32, #tpu.memory_space<hbm>> -> memref<512xi32, #tpu.memory_space<hbm>>
      tpu.wait_dma2 semaphore(%run_scoped3A : memref<!tpu.dma_semaphore, #tpu.memory_space<semaphore_mem>>) src(%dma_wait3A_383 : memref<512xi32, #tpu.memory_space<hbm>>) dst(%arg9 : memref<512xi32, #tpu.memory_space<vmem>>)
      tpu.yield
    }) : () -> ()
    "tpu.region"() ({
      %run_scoped3A = tpu.sem_alloc : memref<!tpu.dma_semaphore, #tpu.memory_space<semaphore_mem>>
      %dma_start3A_380 = tpu.memref_slice %arg3[%mul3A_2] : memref<16384xi32, #tpu.memory_space<hbm>> -> memref<512xi32, #tpu.memory_space<hbm>>
      %dma_start3A_381 = tpu.memref_slice %arg3[%mul3A_2] : memref<16384xi32, #tpu.memory_space<hbm>> -> memref<512xi32, #tpu.memory_space<hbm>>
      tpu.enqueue_dma source(%dma_start3A_381 : memref<512xi32, #tpu.memory_space<hbm>>) target(%arg10 : memref<512xi32, #tpu.memory_space<vmem>>) target_semaphore(%run_scoped3A : memref<!tpu.dma_semaphore, #tpu.memory_space<semaphore_mem>>)
      %dma_wait3A_382 = tpu.memref_slice %arg3[%mul3A_2] : memref<16384xi32, #tpu.memory_space<hbm>> -> memref<512xi32, #tpu.memory_space<hbm>>
      %dma_wait3A_383 = tpu.memref_slice %arg3[%mul3A_2] : memref<16384xi32, #tpu.memory_space<hbm>> -> memref<512xi32, #tpu.memory_space<hbm>>
      tpu.wait_dma2 semaphore(%run_scoped3A : memref<!tpu.dma_semaphore, #tpu.memory_space<semaphore_mem>>) src(%dma_wait3A_383 : memref<512xi32, #tpu.memory_space<hbm>>) dst(%arg10 : memref<512xi32, #tpu.memory_space<vmem>>)
      tpu.yield
    }) : () -> ()
    %iota3A = tpu.iota {dimensions = array<i32: 0>} : vector<16xi32>
    %dma_start3A = arith.constant 0 : i32
    %dma_start3A_3 = arith.constant 0 : i32
    %dma_start3A_4 = arith.constant 0 : i32
    %dma_start3A_5 = tpu.memref_slice %arg11[%dma_start3A, %dma_start3A_3, %dma_start3A_4] : memref<2x128x128xf32, #tpu.memory_space<vmem>> -> memref<1x128x128xf32, #tpu.memory_space<vmem>>
    %dma_start3A_6 = tpu.memref_squeeze %dma_start3A_5 : memref<1x128x128xf32, #tpu.memory_space<vmem>> -> memref<128x128xf32, #tpu.memory_space<vmem>>
    %dma_start3A_7 = arith.constant 0 : i32
    %dma_start3A_8 = tpu.memref_slice %arg9[%dma_start3A_7] : memref<512xi32, #tpu.memory_space<vmem>> -> memref<128xi32, #tpu.memory_space<vmem>>
    %dma_start3A_9 = arith.constant 0 : i32
    %dma_start3A_10 = arith.constant 0 : i32
    %dma_start3A_11 = tpu.memref_slice %arg4[%dma_start3A_9, %dma_start3A_10] : memref<1000000x128xf32, #tpu.memory_space<hbm>> -> memref<1000000x128xf32, #tpu.memory_space<hbm>>
    tpu.enqueue_indirect_dma source(%dma_start3A_11 : memref<1000000x128xf32, #tpu.memory_space<hbm>>) target(%dma_start3A_6 : memref<128x128xf32, #tpu.memory_space<vmem>>) offsets(%dma_start3A_8 : memref<128xi32, #tpu.memory_space<vmem>>) semaphore(%arg16 : memref<!tpu.dma_semaphore, #tpu.memory_space<semaphore_mem>>)
    %dma_start3A_12 = arith.constant 0 : i32
    %dma_start3A_13 = arith.constant 0 : i32
    %dma_start3A_14 = arith.constant 0 : i32
    %dma_start3A_15 = tpu.memref_slice %arg12[%dma_start3A_12, %dma_start3A_13, %dma_start3A_14] : memref<2x128x128xf32, #tpu.memory_space<vmem>> -> memref<1x128x128xf32, #tpu.memory_space<vmem>>
    %dma_start3A_16 = tpu.memref_squeeze %dma_start3A_15 : memref<1x128x128xf32, #tpu.memory_space<vmem>> -> memref<128x128xf32, #tpu.memory_space<vmem>>
    %dma_start3A_17 = arith.constant 0 : i32
    %dma_start3A_18 = tpu.memref_slice %arg10[%dma_start3A_17] : memref<512xi32, #tpu.memory_space<vmem>> -> memref<128xi32, #tpu.memory_space<vmem>>
    %dma_start3A_19 = arith.constant 0 : i32
    %dma_start3A_20 = arith.constant 0 : i32
    %dma_start3A_21 = tpu.memref_slice %arg5[%dma_start3A_19, %dma_start3A_20] : memref<100000x128xf32, #tpu.memory_space<hbm>> -> memref<100000x128xf32, #tpu.memory_space<hbm>>
    tpu.enqueue_indirect_dma source(%dma_start3A_21 : memref<100000x128xf32, #tpu.memory_space<hbm>>) target(%dma_start3A_16 : memref<128x128xf32, #tpu.memory_space<vmem>>) offsets(%dma_start3A_18 : memref<128xi32, #tpu.memory_space<vmem>>) semaphore(%arg16 : memref<!tpu.dma_semaphore, #tpu.memory_space<semaphore_mem>>)
    %dma_start3A_22 = arith.constant 0 : i32
    %dma_start3A_23 = arith.constant 0 : i32
    %dma_start3A_24 = tpu.memref_slice %arg13[%dma_start3A_22, %dma_start3A_23] : memref<2x128xf32, #tpu.memory_space<vmem>> -> memref<1x128xf32, #tpu.memory_space<vmem>>
    %dma_start3A_25 = tpu.memref_squeeze %dma_start3A_24 : memref<1x128xf32, #tpu.memory_space<vmem>> -> memref<128xf32, #tpu.memory_space<vmem>>
    %dma_start3A_26 = arith.constant 0 : i32
    %dma_start3A_27 = tpu.memref_slice %arg9[%dma_start3A_26] : memref<512xi32, #tpu.memory_space<vmem>> -> memref<128xi32, #tpu.memory_space<vmem>>
    %dma_start3A_28 = arith.constant 0 : i32
    %dma_start3A_29 = tpu.memref_slice %arg6[%dma_start3A_28] : memref<1000448xf32, #tpu.memory_space<hbm>> -> memref<1000448xf32, #tpu.memory_space<hbm>>
    tpu.enqueue_indirect_dma source(%dma_start3A_29 : memref<1000448xf32, #tpu.memory_space<hbm>>) target(%dma_start3A_25 : memref<128xf32, #tpu.memory_space<vmem>>) offsets(%dma_start3A_27 : memref<128xi32, #tpu.memory_space<vmem>>) semaphore(%arg16 : memref<!tpu.dma_semaphore, #tpu.memory_space<semaphore_mem>>)
    %dma_start3A_30 = arith.constant 0 : i32
    %dma_start3A_31 = arith.constant 0 : i32
    %dma_start3A_32 = tpu.memref_slice %arg14[%dma_start3A_30, %dma_start3A_31] : memref<2x128xf32, #tpu.memory_space<vmem>> -> memref<1x128xf32, #tpu.memory_space<vmem>>
    %dma_start3A_33 = tpu.memref_squeeze %dma_start3A_32 : memref<1x128xf32, #tpu.memory_space<vmem>> -> memref<128xf32, #tpu.memory_space<vmem>>
    %dma_start3A_34 = arith.constant 0 : i32
    %dma_start3A_35 = tpu.memref_slice %arg10[%dma_start3A_34] : memref<512xi32, #tpu.memory_space<vmem>> -> memref<128xi32, #tpu.memory_space<vmem>>
    %dma_start3A_36 = arith.constant 0 : i32
    %dma_start3A_37 = tpu.memref_slice %arg7[%dma_start3A_36] : memref<100352xf32, #tpu.memory_space<hbm>> -> memref<100352xf32, #tpu.memory_space<hbm>>
    tpu.enqueue_indirect_dma source(%dma_start3A_37 : memref<100352xf32, #tpu.memory_space<hbm>>) target(%dma_start3A_33 : memref<128xf32, #tpu.memory_space<vmem>>) offsets(%dma_start3A_35 : memref<128xi32, #tpu.memory_space<vmem>>) semaphore(%arg16 : memref<!tpu.dma_semaphore, #tpu.memory_space<semaphore_mem>>)
    %dma_start3A_38 = arith.constant 1 : i32
    %dma_start3A_39 = arith.constant 0 : i32
    %dma_start3A_40 = arith.constant 0 : i32
    %dma_start3A_41 = tpu.memref_slice %arg11[%dma_start3A_38, %dma_start3A_39, %dma_start3A_40] : memref<2x128x128xf32, #tpu.memory_space<vmem>> -> memref<1x128x128xf32, #tpu.memory_space<vmem>>
    %dma_start3A_42 = tpu.memref_squeeze %dma_start3A_41 : memref<1x128x128xf32, #tpu.memory_space<vmem>> -> memref<128x128xf32, #tpu.memory_space<vmem>>
    %dma_start3A_43 = arith.constant 128 : i32
    %dma_start3A_44 = tpu.memref_slice %arg9[%dma_start3A_43] : memref<512xi32, #tpu.memory_space<vmem>> -> memref<128xi32, #tpu.memory_space<vmem>>
    %dma_start3A_45 = arith.constant 0 : i32
    %dma_start3A_46 = arith.constant 0 : i32
    %dma_start3A_47 = tpu.memref_slice %arg4[%dma_start3A_45, %dma_start3A_46] : memref<1000000x128xf32, #tpu.memory_space<hbm>> -> memref<1000000x128xf32, #tpu.memory_space<hbm>>
    tpu.enqueue_indirect_dma source(%dma_start3A_47 : memref<1000000x128xf32, #tpu.memory_space<hbm>>) target(%dma_start3A_42 : memref<128x128xf32, #tpu.memory_space<vmem>>) offsets(%dma_start3A_44 : memref<128xi32, #tpu.memory_space<vmem>>) semaphore(%arg17 : memref<!tpu.dma_semaphore, #tpu.memory_space<semaphore_mem>>)
    %dma_start3A_48 = arith.constant 1 : i32
    %dma_start3A_49 = arith.constant 0 : i32
    %dma_start3A_50 = arith.constant 0 : i32
    %dma_start3A_51 = tpu.memref_slice %arg12[%dma_start3A_48, %dma_start3A_49, %dma_start3A_50] : memref<2x128x128xf32, #tpu.memory_space<vmem>> -> memref<1x128x128xf32, #tpu.memory_space<vmem>>
    %dma_start3A_52 = tpu.memref_squeeze %dma_start3A_51 : memref<1x128x128xf32, #tpu.memory_space<vmem>> -> memref<128x128xf32, #tpu.memory_space<vmem>>
    %dma_start3A_53 = arith.constant 128 : i32
    %dma_start3A_54 = tpu.memref_slice %arg10[%dma_start3A_53] : memref<512xi32, #tpu.memory_space<vmem>> -> memref<128xi32, #tpu.memory_space<vmem>>
    %dma_start3A_55 = arith.constant 0 : i32
    %dma_start3A_56 = arith.constant 0 : i32
    %dma_start3A_57 = tpu.memref_slice %arg5[%dma_start3A_55, %dma_start3A_56] : memref<100000x128xf32, #tpu.memory_space<hbm>> -> memref<100000x128xf32, #tpu.memory_space<hbm>>
    tpu.enqueue_indirect_dma source(%dma_start3A_57 : memref<100000x128xf32, #tpu.memory_space<hbm>>) target(%dma_start3A_52 : memref<128x128xf32, #tpu.memory_space<vmem>>) offsets(%dma_start3A_54 : memref<128xi32, #tpu.memory_space<vmem>>) semaphore(%arg17 : memref<!tpu.dma_semaphore, #tpu.memory_space<semaphore_mem>>)
    %dma_start3A_58 = arith.constant 1 : i32
    %dma_start3A_59 = arith.constant 0 : i32
    %dma_start3A_60 = tpu.memref_slice %arg13[%dma_start3A_58, %dma_start3A_59] : memref<2x128xf32, #tpu.memory_space<vmem>> -> memref<1x128xf32, #tpu.memory_space<vmem>>
    %dma_start3A_61 = tpu.memref_squeeze %dma_start3A_60 : memref<1x128xf32, #tpu.memory_space<vmem>> -> memref<128xf32, #tpu.memory_space<vmem>>
    %dma_start3A_62 = arith.constant 128 : i32
    %dma_start3A_63 = tpu.memref_slice %arg9[%dma_start3A_62] : memref<512xi32, #tpu.memory_space<vmem>> -> memref<128xi32, #tpu.memory_space<vmem>>
    %dma_start3A_64 = arith.constant 0 : i32
    %dma_start3A_65 = tpu.memref_slice %arg6[%dma_start3A_64] : memref<1000448xf32, #tpu.memory_space<hbm>> -> memref<1000448xf32, #tpu.memory_space<hbm>>
    tpu.enqueue_indirect_dma source(%dma_start3A_65 : memref<1000448xf32, #tpu.memory_space<hbm>>) target(%dma_start3A_61 : memref<128xf32, #tpu.memory_space<vmem>>) offsets(%dma_start3A_63 : memref<128xi32, #tpu.memory_space<vmem>>) semaphore(%arg17 : memref<!tpu.dma_semaphore, #tpu.memory_space<semaphore_mem>>)
    %dma_start3A_66 = arith.constant 1 : i32
    %dma_start3A_67 = arith.constant 0 : i32
    %dma_start3A_68 = tpu.memref_slice %arg14[%dma_start3A_66, %dma_start3A_67] : memref<2x128xf32, #tpu.memory_space<vmem>> -> memref<1x128xf32, #tpu.memory_space<vmem>>
    %dma_start3A_69 = tpu.memref_squeeze %dma_start3A_68 : memref<1x128xf32, #tpu.memory_space<vmem>> -> memref<128xf32, #tpu.memory_space<vmem>>
    %dma_start3A_70 = arith.constant 128 : i32
    %dma_start3A_71 = tpu.memref_slice %arg10[%dma_start3A_70] : memref<512xi32, #tpu.memory_space<vmem>> -> memref<128xi32, #tpu.memory_space<vmem>>
    %dma_start3A_72 = arith.constant 0 : i32
    %dma_start3A_73 = tpu.memref_slice %arg7[%dma_start3A_72] : memref<100352xf32, #tpu.memory_space<hbm>> -> memref<100352xf32, #tpu.memory_space<hbm>>
    tpu.enqueue_indirect_dma source(%dma_start3A_73 : memref<100352xf32, #tpu.memory_space<hbm>>) target(%dma_start3A_69 : memref<128xf32, #tpu.memory_space<vmem>>) offsets(%dma_start3A_71 : memref<128xi32, #tpu.memory_space<vmem>>) semaphore(%arg17 : memref<!tpu.dma_semaphore, #tpu.memory_space<semaphore_mem>>)
    %dma_wait3A = arith.constant 0 : i32
    %dma_wait3A_74 = arith.constant 0 : i32
    %dma_wait3A_75 = arith.constant 0 : i32
    %dma_wait3A_76 = tpu.memref_slice %arg11[%dma_wait3A, %dma_wait3A_74, %dma_wait3A_75] : memref<2x128x128xf32, #tpu.memory_space<vmem>> -> memref<1x128x128xf32, #tpu.memory_space<vmem>>
    %dma_wait3A_77 = tpu.memref_squeeze %dma_wait3A_76 : memref<1x128x128xf32, #tpu.memory_space<vmem>> -> memref<128x128xf32, #tpu.memory_space<vmem>>
    %dma_wait3A_78 = arith.constant 0 : i32
    %dma_wait3A_79 = tpu.memref_slice %arg9[%dma_wait3A_78] : memref<512xi32, #tpu.memory_space<vmem>> -> memref<128xi32, #tpu.memory_space<vmem>>
    %dma_wait3A_80 = arith.constant 0 : i32
    %dma_wait3A_81 = arith.constant 0 : i32
    %dma_wait3A_82 = tpu.memref_slice %arg4[%dma_wait3A_80, %dma_wait3A_81] : memref<1000000x128xf32, #tpu.memory_space<hbm>> -> memref<1000000x128xf32, #tpu.memory_space<hbm>>
    tpu.wait_indirect_dma semaphore(%arg16 : memref<!tpu.dma_semaphore, #tpu.memory_space<semaphore_mem>>) src(%dma_wait3A_82 : memref<1000000x128xf32, #tpu.memory_space<hbm>>) dst(%dma_wait3A_77 : memref<128x128xf32, #tpu.memory_space<vmem>>)
    %dma_wait3A_83 = arith.constant 0 : i32
    %dma_wait3A_84 = arith.constant 0 : i32
    %dma_wait3A_85 = arith.constant 0 : i32
    %dma_wait3A_86 = tpu.memref_slice %arg12[%dma_wait3A_83, %dma_wait3A_84, %dma_wait3A_85] : memref<2x128x128xf32, #tpu.memory_space<vmem>> -> memref<1x128x128xf32, #tpu.memory_space<vmem>>
    %dma_wait3A_87 = tpu.memref_squeeze %dma_wait3A_86 : memref<1x128x128xf32, #tpu.memory_space<vmem>> -> memref<128x128xf32, #tpu.memory_space<vmem>>
    %dma_wait3A_88 = arith.constant 0 : i32
    %dma_wait3A_89 = tpu.memref_slice %arg10[%dma_wait3A_88] : memref<512xi32, #tpu.memory_space<vmem>> -> memref<128xi32, #tpu.memory_space<vmem>>
    %dma_wait3A_90 = arith.constant 0 : i32
    %dma_wait3A_91 = arith.constant 0 : i32
    %dma_wait3A_92 = tpu.memref_slice %arg5[%dma_wait3A_90, %dma_wait3A_91] : memref<100000x128xf32, #tpu.memory_space<hbm>> -> memref<100000x128xf32, #tpu.memory_space<hbm>>
    tpu.wait_indirect_dma semaphore(%arg16 : memref<!tpu.dma_semaphore, #tpu.memory_space<semaphore_mem>>) src(%dma_wait3A_92 : memref<100000x128xf32, #tpu.memory_space<hbm>>) dst(%dma_wait3A_87 : memref<128x128xf32, #tpu.memory_space<vmem>>)
    %dma_wait3A_93 = arith.constant 0 : i32
    %dma_wait3A_94 = arith.constant 0 : i32
    %dma_wait3A_95 = tpu.memref_slice %arg13[%dma_wait3A_93, %dma_wait3A_94] : memref<2x128xf32, #tpu.memory_space<vmem>> -> memref<1x128xf32, #tpu.memory_space<vmem>>
    %dma_wait3A_96 = tpu.memref_squeeze %dma_wait3A_95 : memref<1x128xf32, #tpu.memory_space<vmem>> -> memref<128xf32, #tpu.memory_space<vmem>>
    %dma_wait3A_97 = arith.constant 0 : i32
    %dma_wait3A_98 = tpu.memref_slice %arg9[%dma_wait3A_97] : memref<512xi32, #tpu.memory_space<vmem>> -> memref<128xi32, #tpu.memory_space<vmem>>
    %dma_wait3A_99 = arith.constant 0 : i32
    %dma_wait3A_100 = tpu.memref_slice %arg6[%dma_wait3A_99] : memref<1000448xf32, #tpu.memory_space<hbm>> -> memref<1000448xf32, #tpu.memory_space<hbm>>
    tpu.wait_indirect_dma semaphore(%arg16 : memref<!tpu.dma_semaphore, #tpu.memory_space<semaphore_mem>>) src(%dma_wait3A_100 : memref<1000448xf32, #tpu.memory_space<hbm>>) dst(%dma_wait3A_96 : memref<128xf32, #tpu.memory_space<vmem>>)
    %dma_wait3A_101 = arith.constant 0 : i32
    %dma_wait3A_102 = arith.constant 0 : i32
    %dma_wait3A_103 = tpu.memref_slice %arg14[%dma_wait3A_101, %dma_wait3A_102] : memref<2x128xf32, #tpu.memory_space<vmem>> -> memref<1x128xf32, #tpu.memory_space<vmem>>
    %dma_wait3A_104 = tpu.memref_squeeze %dma_wait3A_103 : memref<1x128xf32, #tpu.memory_space<vmem>> -> memref<128xf32, #tpu.memory_space<vmem>>
    %dma_wait3A_105 = arith.constant 0 : i32
    %dma_wait3A_106 = tpu.memref_slice %arg10[%dma_wait3A_105] : memref<512xi32, #tpu.memory_space<vmem>> -> memref<128xi32, #tpu.memory_space<vmem>>
    %dma_wait3A_107 = arith.constant 0 : i32
    %dma_wait3A_108 = tpu.memref_slice %arg7[%dma_wait3A_107] : memref<100352xf32, #tpu.memory_space<hbm>> -> memref<100352xf32, #tpu.memory_space<hbm>>
    tpu.wait_indirect_dma semaphore(%arg16 : memref<!tpu.dma_semaphore, #tpu.memory_space<semaphore_mem>>) src(%dma_wait3A_108 : memref<100352xf32, #tpu.memory_space<hbm>>) dst(%dma_wait3A_104 : memref<128xf32, #tpu.memory_space<vmem>>)
    %parallel_loop3A = arith.constant 0 : i32
    %parallel_loop3A_109 = arith.constant 8 : i32
    %parallel_loop3A_110 = arith.constant 1 : i32
    scf.for %parallel_loop3A_380 = %parallel_loop3A to %parallel_loop3A_109 step %parallel_loop3A_110  : i32 {
      %parallel_loop3A_381 = arith.constant 0.000000e+00 : f32
      %parallel_loop3A_382 = vector.broadcast %parallel_loop3A_381 : f32 to vector<16xf32>
      %parallel_loop3A_383 = arith.constant 0 : i32
      %parallel_loop3A_384 = arith.constant 8 : i32
      %parallel_loop3A_385 = arith.addi %parallel_loop3A_383, %parallel_loop3A_384 : i32
      %parallel_loop3A_386 = arith.constant 1 : i32
      %parallel_loop3A_387 = scf.for %scan3A = %parallel_loop3A_383 to %parallel_loop3A_385 step %parallel_loop3A_386 iter_args(%scan3A_415 = %parallel_loop3A_382) -> (vector<16xf32>)  : i32 {
        %parallel_loop3A_416 = arith.constant 16 : i32
        %parallel_loop3A_417 = arith.muli %parallel_loop3A_380, %parallel_loop3A_416 : i32
        %parallel_loop3A_418 = arith.constant 2 : i32
        %parallel_loop3A_419 = arith.muli %parallel_loop3A_418, %scan3A : i32
        %parallel_loop3A_420 = arith.addi %parallel_loop3A_417, %parallel_loop3A_419 : i32
        %parallel_loop3A_421 = arith.constant 0 : i32
        %parallel_loop3A_422 = arith.index_cast %parallel_loop3A_421 : i32 to index
        %parallel_loop3A_423 = arith.index_cast %parallel_loop3A_420 : i32 to index
        %parallel_loop3A_424 = arith.constant 0 : index
        %parallel_loop3A_425 = tpu.vector_load %arg11[%parallel_loop3A_422, %parallel_loop3A_423, %parallel_loop3A_424] {strides = array<i32>} : memref<2x128x128xf32, #tpu.memory_space<vmem>>, vector<16xf32>,
        %parallel_loop3A_426 = arith.constant 0 : i32
        %parallel_loop3A_427 = arith.index_cast %parallel_loop3A_426 : i32 to index
        %parallel_loop3A_428 = arith.index_cast %parallel_loop3A_420 : i32 to index
        %parallel_loop3A_429 = arith.constant 0 : index
        %parallel_loop3A_430 = tpu.vector_load %arg12[%parallel_loop3A_427, %parallel_loop3A_428, %parallel_loop3A_429] {strides = array<i32>} : memref<2x128x128xf32, #tpu.memory_space<vmem>>, vector<16xf32>,
        %parallel_loop3A_431 = arith.mulf %parallel_loop3A_425, %parallel_loop3A_430 : vector<16xf32>
        %parallel_loop3A_432 = arith.constant 0 : i32
        %parallel_loop3A_433 = arith.index_cast %parallel_loop3A_432 : i32 to index
        %parallel_loop3A_434 = arith.index_cast %parallel_loop3A_420 : i32 to index
        %parallel_loop3A_435 = arith.constant 16 : index
        %parallel_loop3A_436 = tpu.vector_load %arg11[%parallel_loop3A_433, %parallel_loop3A_434, %parallel_loop3A_435] {strides = array<i32>} : memref<2x128x128xf32, #tpu.memory_space<vmem>>, vector<16xf32>,
        %parallel_loop3A_437 = arith.constant 0 : i32
        %parallel_loop3A_438 = arith.index_cast %parallel_loop3A_437 : i32 to index
        %parallel_loop3A_439 = arith.index_cast %parallel_loop3A_420 : i32 to index
        %parallel_loop3A_440 = arith.constant 16 : index
        %parallel_loop3A_441 = tpu.vector_load %arg12[%parallel_loop3A_438, %parallel_loop3A_439, %parallel_loop3A_440] {strides = array<i32>} : memref<2x128x128xf32, #tpu.memory_space<vmem>>, vector<16xf32>,
        %parallel_loop3A_442 = arith.mulf %parallel_loop3A_436, %parallel_loop3A_441 : vector<16xf32>
        %parallel_loop3A_443 = arith.constant 0 : i32
        %parallel_loop3A_444 = arith.index_cast %parallel_loop3A_443 : i32 to index
        %parallel_loop3A_445 = arith.index_cast %parallel_loop3A_420 : i32 to index
        %parallel_loop3A_446 = arith.constant 32 : index
        %parallel_loop3A_447 = tpu.vector_load %arg11[%parallel_loop3A_444, %parallel_loop3A_445, %parallel_loop3A_446] {strides = array<i32>} : memref<2x128x128xf32, #tpu.memory_space<vmem>>, vector<16xf32>,
        %parallel_loop3A_448 = arith.constant 0 : i32
        %parallel_loop3A_449 = arith.index_cast %parallel_loop3A_448 : i32 to index
        %parallel_loop3A_450 = arith.index_cast %parallel_loop3A_420 : i32 to index
        %parallel_loop3A_451 = arith.constant 32 : index
        %parallel_loop3A_452 = tpu.vector_load %arg12[%parallel_loop3A_449, %parallel_loop3A_450, %parallel_loop3A_451] {strides = array<i32>} : memref<2x128x128xf32, #tpu.memory_space<vmem>>, vector<16xf32>,
        %parallel_loop3A_453 = arith.mulf %parallel_loop3A_447, %parallel_loop3A_452 : vector<16xf32>
        %parallel_loop3A_454 = arith.addf %parallel_loop3A_431, %parallel_loop3A_453 : vector<16xf32>
        %parallel_loop3A_455 = arith.constant 0 : i32
        %parallel_loop3A_456 = arith.index_cast %parallel_loop3A_455 : i32 to index
        %parallel_loop3A_457 = arith.index_cast %parallel_loop3A_420 : i32 to index
        %parallel_loop3A_458 = arith.constant 48 : index
        %parallel_loop3A_459 = tpu.vector_load %arg11[%parallel_loop3A_456, %parallel_loop3A_457, %parallel_loop3A_458] {strides = array<i32>} : memref<2x128x128xf32, #tpu.memory_space<vmem>>, vector<16xf32>,
        %parallel_loop3A_460 = arith.constant 0 : i32
        %parallel_loop3A_461 = arith.index_cast %parallel_loop3A_460 : i32 to index
        %parallel_loop3A_462 = arith.index_cast %parallel_loop3A_420 : i32 to index
        %parallel_loop3A_463 = arith.constant 48 : index
        %parallel_loop3A_464 = tpu.vector_load %arg12[%parallel_loop3A_461, %parallel_loop3A_462, %parallel_loop3A_463] {strides = array<i32>} : memref<2x128x128xf32, #tpu.memory_space<vmem>>, vector<16xf32>,
        %parallel_loop3A_465 = arith.mulf %parallel_loop3A_459, %parallel_loop3A_464 : vector<16xf32>
        %parallel_loop3A_466 = arith.addf %parallel_loop3A_442, %parallel_loop3A_465 : vector<16xf32>
        %parallel_loop3A_467 = arith.constant 0 : i32
        %parallel_loop3A_468 = arith.index_cast %parallel_loop3A_467 : i32 to index
        %parallel_loop3A_469 = arith.index_cast %parallel_loop3A_420 : i32 to index
        %parallel_loop3A_470 = arith.constant 64 : index
        %parallel_loop3A_471 = tpu.vector_load %arg11[%parallel_loop3A_468, %parallel_loop3A_469, %parallel_loop3A_470] {strides = array<i32>} : memref<2x128x128xf32, #tpu.memory_space<vmem>>, vector<16xf32>,
        %parallel_loop3A_472 = arith.constant 0 : i32
        %parallel_loop3A_473 = arith.index_cast %parallel_loop3A_472 : i32 to index
        %parallel_loop3A_474 = arith.index_cast %parallel_loop3A_420 : i32 to index
        %parallel_loop3A_475 = arith.constant 64 : index
        %parallel_loop3A_476 = tpu.vector_load %arg12[%parallel_loop3A_473, %parallel_loop3A_474, %parallel_loop3A_475] {strides = array<i32>} : memref<2x128x128xf32, #tpu.memory_space<vmem>>, vector<16xf32>,
        %parallel_loop3A_477 = arith.mulf %parallel_loop3A_471, %parallel_loop3A_476 : vector<16xf32>
        %parallel_loop3A_478 = arith.addf %parallel_loop3A_454, %parallel_loop3A_477 : vector<16xf32>
        %parallel_loop3A_479 = arith.constant 0 : i32
        %parallel_loop3A_480 = arith.index_cast %parallel_loop3A_479 : i32 to index
        %parallel_loop3A_481 = arith.index_cast %parallel_loop3A_420 : i32 to index
        %parallel_loop3A_482 = arith.constant 80 : index
        %parallel_loop3A_483 = tpu.vector_load %arg11[%parallel_loop3A_480, %parallel_loop3A_481, %parallel_loop3A_482] {strides = array<i32>} : memref<2x128x128xf32, #tpu.memory_space<vmem>>, vector<16xf32>,
        %parallel_loop3A_484 = arith.constant 0 : i32
        %parallel_loop3A_485 = arith.index_cast %parallel_loop3A_484 : i32 to index
        %parallel_loop3A_486 = arith.index_cast %parallel_loop3A_420 : i32 to index
        %parallel_loop3A_487 = arith.constant 80 : index
        %parallel_loop3A_488 = tpu.vector_load %arg12[%parallel_loop3A_485, %parallel_loop3A_486, %parallel_loop3A_487] {strides = array<i32>} : memref<2x128x128xf32, #tpu.memory_space<vmem>>, vector<16xf32>,
        %parallel_loop3A_489 = arith.mulf %parallel_loop3A_483, %parallel_loop3A_488 : vector<16xf32>
        %parallel_loop3A_490 = arith.addf %parallel_loop3A_466, %parallel_loop3A_489 : vector<16xf32>
        %parallel_loop3A_491 = arith.constant 0 : i32
        %parallel_loop3A_492 = arith.index_cast %parallel_loop3A_491 : i32 to index
        %parallel_loop3A_493 = arith.index_cast %parallel_loop3A_420 : i32 to index
        %parallel_loop3A_494 = arith.constant 96 : index
        %parallel_loop3A_495 = tpu.vector_load %arg11[%parallel_loop3A_492, %parallel_loop3A_493, %parallel_loop3A_494] {strides = array<i32>} : memref<2x128x128xf32, #tpu.memory_space<vmem>>, vector<16xf32>,
        %parallel_loop3A_496 = arith.constant 0 : i32
        %parallel_loop3A_497 = arith.index_cast %parallel_loop3A_496 : i32 to index
        %parallel_loop3A_498 = arith.index_cast %parallel_loop3A_420 : i32 to index
        %parallel_loop3A_499 = arith.constant 96 : index
        %parallel_loop3A_500 = tpu.vector_load %arg12[%parallel_loop3A_497, %parallel_loop3A_498, %parallel_loop3A_499] {strides = array<i32>} : memref<2x128x128xf32, #tpu.memory_space<vmem>>, vector<16xf32>,
        %parallel_loop3A_501 = arith.mulf %parallel_loop3A_495, %parallel_loop3A_500 : vector<16xf32>
        %parallel_loop3A_502 = arith.addf %parallel_loop3A_478, %parallel_loop3A_501 : vector<16xf32>
        %parallel_loop3A_503 = arith.constant 0 : i32
        %parallel_loop3A_504 = arith.index_cast %parallel_loop3A_503 : i32 to index
        %parallel_loop3A_505 = arith.index_cast %parallel_loop3A_420 : i32 to index
        %parallel_loop3A_506 = arith.constant 112 : index
        %parallel_loop3A_507 = tpu.vector_load %arg11[%parallel_loop3A_504, %parallel_loop3A_505, %parallel_loop3A_506] {strides = array<i32>} : memref<2x128x128xf32, #tpu.memory_space<vmem>>, vector<16xf32>,
        %parallel_loop3A_508 = arith.constant 0 : i32
        %parallel_loop3A_509 = arith.index_cast %parallel_loop3A_508 : i32 to index
        %parallel_loop3A_510 = arith.index_cast %parallel_loop3A_420 : i32 to index
        %parallel_loop3A_511 = arith.constant 112 : index
        %parallel_loop3A_512 = tpu.vector_load %arg12[%parallel_loop3A_509, %parallel_loop3A_510, %parallel_loop3A_511] {strides = array<i32>} : memref<2x128x128xf32, #tpu.memory_space<vmem>>, vector<16xf32>,
        %parallel_loop3A_513 = arith.mulf %parallel_loop3A_507, %parallel_loop3A_512 : vector<16xf32>
        %parallel_loop3A_514 = arith.addf %parallel_loop3A_490, %parallel_loop3A_513 : vector<16xf32>
        %parallel_loop3A_515 = arith.addf %parallel_loop3A_502, %parallel_loop3A_514 : vector<16xf32>
        %parallel_loop3A_516 = arith.constant true
        %parallel_loop3A_517 = vector.broadcast %parallel_loop3A_516 : i1 to vector<16xi1>
        %parallel_loop3A_518 = tpu.scan <sum>, %parallel_loop3A_515 masked %parallel_loop3A_517 : vector<16xf32>, vector<16xi1> -> vector<16xf32>
        %parallel_loop3A_519 = vector.extract %parallel_loop3A_518[15] : f32 from vector<16xf32>
        %parallel_loop3A_520 = arith.constant 1 : i32
        %parallel_loop3A_521 = arith.addi %parallel_loop3A_420, %parallel_loop3A_520 : i32
        %parallel_loop3A_522 = arith.constant 0 : i32
        %parallel_loop3A_523 = arith.index_cast %parallel_loop3A_522 : i32 to index
        %parallel_loop3A_524 = arith.index_cast %parallel_loop3A_521 : i32 to index
        %parallel_loop3A_525 = arith.constant 0 : index
        %parallel_loop3A_526 = tpu.vector_load %arg11[%parallel_loop3A_523, %parallel_loop3A_524, %parallel_loop3A_525] {strides = array<i32>} : memref<2x128x128xf32, #tpu.memory_space<vmem>>, vector<16xf32>,
        %parallel_loop3A_527 = arith.constant 0 : i32
        %parallel_loop3A_528 = arith.index_cast %parallel_loop3A_527 : i32 to index
        %parallel_loop3A_529 = arith.index_cast %parallel_loop3A_521 : i32 to index
        %parallel_loop3A_530 = arith.constant 0 : index
        %parallel_loop3A_531 = tpu.vector_load %arg12[%parallel_loop3A_528, %parallel_loop3A_529, %parallel_loop3A_530] {strides = array<i32>} : memref<2x128x128xf32, #tpu.memory_space<vmem>>, vector<16xf32>,
        %parallel_loop3A_532 = arith.mulf %parallel_loop3A_526, %parallel_loop3A_531 : vector<16xf32>
        %parallel_loop3A_533 = arith.constant 0 : i32
        %parallel_loop3A_534 = arith.index_cast %parallel_loop3A_533 : i32 to index
        %parallel_loop3A_535 = arith.index_cast %parallel_loop3A_521 : i32 to index
        %parallel_loop3A_536 = arith.constant 16 : index
        %parallel_loop3A_537 = tpu.vector_load %arg11[%parallel_loop3A_534, %parallel_loop3A_535, %parallel_loop3A_536] {strides = array<i32>} : memref<2x128x128xf32, #tpu.memory_space<vmem>>, vector<16xf32>,
        %parallel_loop3A_538 = arith.constant 0 : i32
        %parallel_loop3A_539 = arith.index_cast %parallel_loop3A_538 : i32 to index
        %parallel_loop3A_540 = arith.index_cast %parallel_loop3A_521 : i32 to index
        %parallel_loop3A_541 = arith.constant 16 : index
        %parallel_loop3A_542 = tpu.vector_load %arg12[%parallel_loop3A_539, %parallel_loop3A_540, %parallel_loop3A_541] {strides = array<i32>} : memref<2x128x128xf32, #tpu.memory_space<vmem>>, vector<16xf32>,
        %parallel_loop3A_543 = arith.mulf %parallel_loop3A_537, %parallel_loop3A_542 : vector<16xf32>
        %parallel_loop3A_544 = arith.constant 0 : i32
        %parallel_loop3A_545 = arith.index_cast %parallel_loop3A_544 : i32 to index
        %parallel_loop3A_546 = arith.index_cast %parallel_loop3A_521 : i32 to index
        %parallel_loop3A_547 = arith.constant 32 : index
        %parallel_loop3A_548 = tpu.vector_load %arg11[%parallel_loop3A_545, %parallel_loop3A_546, %parallel_loop3A_547] {strides = array<i32>} : memref<2x128x128xf32, #tpu.memory_space<vmem>>, vector<16xf32>,
        %parallel_loop3A_549 = arith.constant 0 : i32
        %parallel_loop3A_550 = arith.index_cast %parallel_loop3A_549 : i32 to index
        %parallel_loop3A_551 = arith.index_cast %parallel_loop3A_521 : i32 to index
        %parallel_loop3A_552 = arith.constant 32 : index
        %parallel_loop3A_553 = tpu.vector_load %arg12[%parallel_loop3A_550, %parallel_loop3A_551, %parallel_loop3A_552] {strides = array<i32>} : memref<2x128x128xf32, #tpu.memory_space<vmem>>, vector<16xf32>,
        %parallel_loop3A_554 = arith.mulf %parallel_loop3A_548, %parallel_loop3A_553 : vector<16xf32>
        %parallel_loop3A_555 = arith.addf %parallel_loop3A_532, %parallel_loop3A_554 : vector<16xf32>
        %parallel_loop3A_556 = arith.constant 0 : i32
        %parallel_loop3A_557 = arith.index_cast %parallel_loop3A_556 : i32 to index
        %parallel_loop3A_558 = arith.index_cast %parallel_loop3A_521 : i32 to index
        %parallel_loop3A_559 = arith.constant 48 : index
        %parallel_loop3A_560 = tpu.vector_load %arg11[%parallel_loop3A_557, %parallel_loop3A_558, %parallel_loop3A_559] {strides = array<i32>} : memref<2x128x128xf32, #tpu.memory_space<vmem>>, vector<16xf32>,
        %parallel_loop3A_561 = arith.constant 0 : i32
        %parallel_loop3A_562 = arith.index_cast %parallel_loop3A_561 : i32 to index
        %parallel_loop3A_563 = arith.index_cast %parallel_loop3A_521 : i32 to index
        %parallel_loop3A_564 = arith.constant 48 : index
        %parallel_loop3A_565 = tpu.vector_load %arg12[%parallel_loop3A_562, %parallel_loop3A_563, %parallel_loop3A_564] {strides = array<i32>} : memref<2x128x128xf32, #tpu.memory_space<vmem>>, vector<16xf32>,
        %parallel_loop3A_566 = arith.mulf %parallel_loop3A_560, %parallel_loop3A_565 : vector<16xf32>
        %parallel_loop3A_567 = arith.addf %parallel_loop3A_543, %parallel_loop3A_566 : vector<16xf32>
        %parallel_loop3A_568 = arith.constant 0 : i32
        %parallel_loop3A_569 = arith.index_cast %parallel_loop3A_568 : i32 to index
        %parallel_loop3A_570 = arith.index_cast %parallel_loop3A_521 : i32 to index
        %parallel_loop3A_571 = arith.constant 64 : index
        %parallel_loop3A_572 = tpu.vector_load %arg11[%parallel_loop3A_569, %parallel_loop3A_570, %parallel_loop3A_571] {strides = array<i32>} : memref<2x128x128xf32, #tpu.memory_space<vmem>>, vector<16xf32>,
        %parallel_loop3A_573 = arith.constant 0 : i32
        %parallel_loop3A_574 = arith.index_cast %parallel_loop3A_573 : i32 to index
        %parallel_loop3A_575 = arith.index_cast %parallel_loop3A_521 : i32 to index
        %parallel_loop3A_576 = arith.constant 64 : index
        %parallel_loop3A_577 = tpu.vector_load %arg12[%parallel_loop3A_574, %parallel_loop3A_575, %parallel_loop3A_576] {strides = array<i32>} : memref<2x128x128xf32, #tpu.memory_space<vmem>>, vector<16xf32>,
        %parallel_loop3A_578 = arith.mulf %parallel_loop3A_572, %parallel_loop3A_577 : vector<16xf32>
        %parallel_loop3A_579 = arith.addf %parallel_loop3A_555, %parallel_loop3A_578 : vector<16xf32>
        %parallel_loop3A_580 = arith.constant 0 : i32
        %parallel_loop3A_581 = arith.index_cast %parallel_loop3A_580 : i32 to index
        %parallel_loop3A_582 = arith.index_cast %parallel_loop3A_521 : i32 to index
        %parallel_loop3A_583 = arith.constant 80 : index
        %parallel_loop3A_584 = tpu.vector_load %arg11[%parallel_loop3A_581, %parallel_loop3A_582, %parallel_loop3A_583] {strides = array<i32>} : memref<2x128x128xf32, #tpu.memory_space<vmem>>, vector<16xf32>,
        %parallel_loop3A_585 = arith.constant 0 : i32
        %parallel_loop3A_586 = arith.index_cast %parallel_loop3A_585 : i32 to index
        %parallel_loop3A_587 = arith.index_cast %parallel_loop3A_521 : i32 to index
        %parallel_loop3A_588 = arith.constant 80 : index
        %parallel_loop3A_589 = tpu.vector_load %arg12[%parallel_loop3A_586, %parallel_loop3A_587, %parallel_loop3A_588] {strides = array<i32>} : memref<2x128x128xf32, #tpu.memory_space<vmem>>, vector<16xf32>,
        %parallel_loop3A_590 = arith.mulf %parallel_loop3A_584, %parallel_loop3A_589 : vector<16xf32>
        %parallel_loop3A_591 = arith.addf %parallel_loop3A_567, %parallel_loop3A_590 : vector<16xf32>
        %parallel_loop3A_592 = arith.constant 0 : i32
        %parallel_loop3A_593 = arith.index_cast %parallel_loop3A_592 : i32 to index
        %parallel_loop3A_594 = arith.index_cast %parallel_loop3A_521 : i32 to index
        %parallel_loop3A_595 = arith.constant 96 : index
        %parallel_loop3A_596 = tpu.vector_load %arg11[%parallel_loop3A_593, %parallel_loop3A_594, %parallel_loop3A_595] {strides = array<i32>} : memref<2x128x128xf32, #tpu.memory_space<vmem>>, vector<16xf32>,
        %parallel_loop3A_597 = arith.constant 0 : i32
        %parallel_loop3A_598 = arith.index_cast %parallel_loop3A_597 : i32 to index
        %parallel_loop3A_599 = arith.index_cast %parallel_loop3A_521 : i32 to index
        %parallel_loop3A_600 = arith.constant 96 : index
        %parallel_loop3A_601 = tpu.vector_load %arg12[%parallel_loop3A_598, %parallel_loop3A_599, %parallel_loop3A_600] {strides = array<i32>} : memref<2x128x128xf32, #tpu.memory_space<vmem>>, vector<16xf32>,
        %parallel_loop3A_602 = arith.mulf %parallel_loop3A_596, %parallel_loop3A_601 : vector<16xf32>
        %parallel_loop3A_603 = arith.addf %parallel_loop3A_579, %parallel_loop3A_602 : vector<16xf32>
        %parallel_loop3A_604 = arith.constant 0 : i32
        %parallel_loop3A_605 = arith.index_cast %parallel_loop3A_604 : i32 to index
        %parallel_loop3A_606 = arith.index_cast %parallel_loop3A_521 : i32 to index
        %parallel_loop3A_607 = arith.constant 112 : index
        %parallel_loop3A_608 = tpu.vector_load %arg11[%parallel_loop3A_605, %parallel_loop3A_606, %parallel_loop3A_607] {strides = array<i32>} : memref<2x128x128xf32, #tpu.memory_space<vmem>>, vector<16xf32>,
        %parallel_loop3A_609 = arith.constant 0 : i32
        %parallel_loop3A_610 = arith.index_cast %parallel_loop3A_609 : i32 to index
        %parallel_loop3A_611 = arith.index_cast %parallel_loop3A_521 : i32 to index
        %parallel_loop3A_612 = arith.constant 112 : index
        %parallel_loop3A_613 = tpu.vector_load %arg12[%parallel_loop3A_610, %parallel_loop3A_611, %parallel_loop3A_612] {strides = array<i32>} : memref<2x128x128xf32, #tpu.memory_space<vmem>>, vector<16xf32>,
        %parallel_loop3A_614 = arith.mulf %parallel_loop3A_608, %parallel_loop3A_613 : vector<16xf32>
        %parallel_loop3A_615 = arith.addf %parallel_loop3A_591, %parallel_loop3A_614 : vector<16xf32>
        %parallel_loop3A_616 = arith.addf %parallel_loop3A_603, %parallel_loop3A_615 : vector<16xf32>
        %parallel_loop3A_617 = arith.constant true
        %parallel_loop3A_618 = vector.broadcast %parallel_loop3A_617 : i1 to vector<16xi1>
        %parallel_loop3A_619 = tpu.scan <sum>, %parallel_loop3A_616 masked %parallel_loop3A_618 : vector<16xf32>, vector<16xi1> -> vector<16xf32>
        %parallel_loop3A_620 = vector.extract %parallel_loop3A_619[15] : f32 from vector<16xf32>
        %parallel_loop3A_621 = arith.constant 2 : i32
        %parallel_loop3A_622 = arith.muli %parallel_loop3A_621, %scan3A : i32
        %parallel_loop3A_623 = vector.broadcast %parallel_loop3A_622 : i32 to vector<16xi32>
        %parallel_loop3A_624 = arith.cmpi eq, %iota3A, %parallel_loop3A_623 : vector<16xi32>
        %parallel_loop3A_625 = vector.broadcast %parallel_loop3A_519 : f32 to vector<16xf32>
        %parallel_loop3A_626 = arith.select %parallel_loop3A_624, %parallel_loop3A_625, %scan3A_415 : vector<16xi1>, vector<16xf32>
        %parallel_loop3A_627 = arith.constant 2 : i32
        %parallel_loop3A_628 = arith.muli %parallel_loop3A_627, %scan3A : i32
        %parallel_loop3A_629 = arith.constant 1 : i32
        %parallel_loop3A_630 = arith.addi %parallel_loop3A_628, %parallel_loop3A_629 : i32
        %parallel_loop3A_631 = vector.broadcast %parallel_loop3A_630 : i32 to vector<16xi32>
        %parallel_loop3A_632 = arith.cmpi eq, %iota3A, %parallel_loop3A_631 : vector<16xi32>
        %parallel_loop3A_633 = vector.broadcast %parallel_loop3A_620 : f32 to vector<16xf32>
        %parallel_loop3A_634 = arith.select %parallel_loop3A_632, %parallel_loop3A_633, %parallel_loop3A_626 : vector<16xi1>, vector<16xf32>
        scf.yield %parallel_loop3A_634 : vector<16xf32>
      }
      %parallel_loop3A_388 = arith.constant 8 : i32
      %parallel_loop3A_389 = arith.constant 16 : i32
      %parallel_loop3A_390 = arith.muli %parallel_loop3A_380, %parallel_loop3A_389 : i32
      %parallel_loop3A_391 = arith.constant 0 : i32
      %parallel_loop3A_392 = arith.index_cast %parallel_loop3A_391 : i32 to index
      %parallel_loop3A_393 = arith.index_cast %parallel_loop3A_390 : i32 to index
      %parallel_loop3A_394 = tpu.vector_load %arg13[%parallel_loop3A_392, %parallel_loop3A_393] {strides = array<i32>} : memref<2x128xf32, #tpu.memory_space<vmem>>, vector<16xf32>,
      %parallel_loop3A_395 = arith.addf %parallel_loop3A_387, %parallel_loop3A_394 : vector<16xf32>
      %parallel_loop3A_396 = arith.constant 0 : i32
      %parallel_loop3A_397 = arith.index_cast %parallel_loop3A_396 : i32 to index
      %parallel_loop3A_398 = arith.index_cast %parallel_loop3A_390 : i32 to index
      %parallel_loop3A_399 = tpu.vector_load %arg14[%parallel_loop3A_397, %parallel_loop3A_398] {strides = array<i32>} : memref<2x128xf32, #tpu.memory_space<vmem>>, vector<16xf32>,
      %parallel_loop3A_400 = arith.addf %parallel_loop3A_395, %parallel_loop3A_399 : vector<16xf32>
      %parallel_loop3A_401 = arith.constant 0.000000e+00 : f32
      %parallel_loop3A_402 = vector.broadcast %parallel_loop3A_401 : f32 to vector<16xf32>
      %parallel_loop3A_403 = arith.subf %parallel_loop3A_402, %parallel_loop3A_400 : vector<16xf32>
      %parallel_loop3A_404 = math.exp %parallel_loop3A_403 : vector<16xf32>
      %parallel_loop3A_405 = arith.constant 1.000000e+00 : f32
      %parallel_loop3A_406 = vector.broadcast %parallel_loop3A_405 : f32 to vector<16xf32>
      %parallel_loop3A_407 = arith.addf %parallel_loop3A_406, %parallel_loop3A_404 : vector<16xf32>
      %parallel_loop3A_408 = arith.constant 1.000000e+00 : f32
      %parallel_loop3A_409 = vector.broadcast %parallel_loop3A_408 : f32 to vector<16xf32>
      %parallel_loop3A_410 = arith.divf %parallel_loop3A_409, %parallel_loop3A_407 : vector<16xf32>
      %parallel_loop3A_411 = arith.constant 0 : i32
      %parallel_loop3A_412 = arith.index_cast %parallel_loop3A_411 : i32 to index
      %parallel_loop3A_413 = arith.index_cast %parallel_loop3A_390 : i32 to index
      %parallel_loop3A_414 = tpu.vector_load %arg15[%parallel_loop3A_412, %parallel_loop3A_413] {strides = array<i32>} : memref<4x128xf32, #tpu.memory_space<vmem>>, vector<16xf32>,
      tpu.vector_store %arg15[%parallel_loop3A_412, %parallel_loop3A_413], %parallel_loop3A_410 {strides = array<i32>} : memref<4x128xf32, #tpu.memory_space<vmem>>, vector<16xf32>,
    } {sc.loop_unroll_factor = 1 : i64, sc.parallel_access}
    %add3A_111 = arith.constant 0 : i32
    %add3A_112 = arith.addi %mul3A_2, %add3A_111 : i32
    %dma_start3A_113 = arith.constant 0 : i32
    %dma_start3A_114 = arith.constant 0 : i32
    %dma_start3A_115 = tpu.memref_slice %arg15[%dma_start3A_113, %dma_start3A_114] : memref<4x128xf32, #tpu.memory_space<vmem>> -> memref<1x128xf32, #tpu.memory_space<vmem>>
    %dma_start3A_116 = tpu.memref_squeeze %dma_start3A_115 : memref<1x128xf32, #tpu.memory_space<vmem>> -> memref<128xf32, #tpu.memory_space<vmem>>
    %dma_start3A_117 = tpu.memref_slice %arg8[%add3A_112] : memref<16384xf32, #tpu.memory_space<hbm>> -> memref<128xf32, #tpu.memory_space<hbm>>
    %dma_start3A_118 = tpu.memref_slice %arg8[%add3A_112] : memref<16384xf32, #tpu.memory_space<hbm>> -> memref<128xf32, #tpu.memory_space<hbm>>
    %dma_start3A_119 = arith.constant 0 : i32
    %dma_start3A_120 = tpu.memref_slice %arg15[%dma_start3A_113, %dma_start3A_119] : memref<4x128xf32, #tpu.memory_space<vmem>> -> memref<1x128xf32, #tpu.memory_space<vmem>>
    %dma_start3A_121 = tpu.memref_squeeze %dma_start3A_120 : memref<1x128xf32, #tpu.memory_space<vmem>> -> memref<128xf32, #tpu.memory_space<vmem>>
    tpu.enqueue_dma source(%dma_start3A_121 : memref<128xf32, #tpu.memory_space<vmem>>) target(%dma_start3A_118 : memref<128xf32, #tpu.memory_space<hbm>>) target_semaphore(%arg18 : memref<!tpu.dma_semaphore, #tpu.memory_space<semaphore_mem>>)
    %dma_start3A_122 = arith.constant 0 : i32
    %dma_start3A_123 = arith.constant 0 : i32
    %dma_start3A_124 = arith.constant 0 : i32
    %dma_start3A_125 = tpu.memref_slice %arg11[%dma_start3A_122, %dma_start3A_123, %dma_start3A_124] : memref<2x128x128xf32, #tpu.memory_space<vmem>> -> memref<1x128x128xf32, #tpu.memory_space<vmem>>
    %dma_start3A_126 = tpu.memref_squeeze %dma_start3A_125 : memref<1x128x128xf32, #tpu.memory_space<vmem>> -> memref<128x128xf32, #tpu.memory_space<vmem>>
    %dma_start3A_127 = arith.constant 256 : i32
    %dma_start3A_128 = tpu.memref_slice %arg9[%dma_start3A_127] : memref<512xi32, #tpu.memory_space<vmem>> -> memref<128xi32, #tpu.memory_space<vmem>>
    %dma_start3A_129 = arith.constant 0 : i32
    %dma_start3A_130 = arith.constant 0 : i32
    %dma_start3A_131 = tpu.memref_slice %arg4[%dma_start3A_129, %dma_start3A_130] : memref<1000000x128xf32, #tpu.memory_space<hbm>> -> memref<1000000x128xf32, #tpu.memory_space<hbm>>
    tpu.enqueue_indirect_dma source(%dma_start3A_131 : memref<1000000x128xf32, #tpu.memory_space<hbm>>) target(%dma_start3A_126 : memref<128x128xf32, #tpu.memory_space<vmem>>) offsets(%dma_start3A_128 : memref<128xi32, #tpu.memory_space<vmem>>) semaphore(%arg16 : memref<!tpu.dma_semaphore, #tpu.memory_space<semaphore_mem>>)
    %dma_start3A_132 = arith.constant 0 : i32
    %dma_start3A_133 = arith.constant 0 : i32
    %dma_start3A_134 = arith.constant 0 : i32
    %dma_start3A_135 = tpu.memref_slice %arg12[%dma_start3A_132, %dma_start3A_133, %dma_start3A_134] : memref<2x128x128xf32, #tpu.memory_space<vmem>> -> memref<1x128x128xf32, #tpu.memory_space<vmem>>
    %dma_start3A_136 = tpu.memref_squeeze %dma_start3A_135 : memref<1x128x128xf32, #tpu.memory_space<vmem>> -> memref<128x128xf32, #tpu.memory_space<vmem>>
    %dma_start3A_137 = arith.constant 256 : i32
    %dma_start3A_138 = tpu.memref_slice %arg10[%dma_start3A_137] : memref<512xi32, #tpu.memory_space<vmem>> -> memref<128xi32, #tpu.memory_space<vmem>>
    %dma_start3A_139 = arith.constant 0 : i32
    %dma_start3A_140 = arith.constant 0 : i32
    %dma_start3A_141 = tpu.memref_slice %arg5[%dma_start3A_139, %dma_start3A_140] : memref<100000x128xf32, #tpu.memory_space<hbm>> -> memref<100000x128xf32, #tpu.memory_space<hbm>>
    tpu.enqueue_indirect_dma source(%dma_start3A_141 : memref<100000x128xf32, #tpu.memory_space<hbm>>) target(%dma_start3A_136 : memref<128x128xf32, #tpu.memory_space<vmem>>) offsets(%dma_start3A_138 : memref<128xi32, #tpu.memory_space<vmem>>) semaphore(%arg16 : memref<!tpu.dma_semaphore, #tpu.memory_space<semaphore_mem>>)
    %dma_start3A_142 = arith.constant 0 : i32
    %dma_start3A_143 = arith.constant 0 : i32
    %dma_start3A_144 = tpu.memref_slice %arg13[%dma_start3A_142, %dma_start3A_143] : memref<2x128xf32, #tpu.memory_space<vmem>> -> memref<1x128xf32, #tpu.memory_space<vmem>>
    %dma_start3A_145 = tpu.memref_squeeze %dma_start3A_144 : memref<1x128xf32, #tpu.memory_space<vmem>> -> memref<128xf32, #tpu.memory_space<vmem>>
    %dma_start3A_146 = arith.constant 256 : i32
    %dma_start3A_147 = tpu.memref_slice %arg9[%dma_start3A_146] : memref<512xi32, #tpu.memory_space<vmem>> -> memref<128xi32, #tpu.memory_space<vmem>>
    %dma_start3A_148 = arith.constant 0 : i32
    %dma_start3A_149 = tpu.memref_slice %arg6[%dma_start3A_148] : memref<1000448xf32, #tpu.memory_space<hbm>> -> memref<1000448xf32, #tpu.memory_space<hbm>>
    tpu.enqueue_indirect_dma source(%dma_start3A_149 : memref<1000448xf32, #tpu.memory_space<hbm>>) target(%dma_start3A_145 : memref<128xf32, #tpu.memory_space<vmem>>) offsets(%dma_start3A_147 : memref<128xi32, #tpu.memory_space<vmem>>) semaphore(%arg16 : memref<!tpu.dma_semaphore, #tpu.memory_space<semaphore_mem>>)
    %dma_start3A_150 = arith.constant 0 : i32
    %dma_start3A_151 = arith.constant 0 : i32
    %dma_start3A_152 = tpu.memref_slice %arg14[%dma_start3A_150, %dma_start3A_151] : memref<2x128xf32, #tpu.memory_space<vmem>> -> memref<1x128xf32, #tpu.memory_space<vmem>>
    %dma_start3A_153 = tpu.memref_squeeze %dma_start3A_152 : memref<1x128xf32, #tpu.memory_space<vmem>> -> memref<128xf32, #tpu.memory_space<vmem>>
    %dma_start3A_154 = arith.constant 256 : i32
    %dma_start3A_155 = tpu.memref_slice %arg10[%dma_start3A_154] : memref<512xi32, #tpu.memory_space<vmem>> -> memref<128xi32, #tpu.memory_space<vmem>>
    %dma_start3A_156 = arith.constant 0 : i32
    %dma_start3A_157 = tpu.memref_slice %arg7[%dma_start3A_156] : memref<100352xf32, #tpu.memory_space<hbm>> -> memref<100352xf32, #tpu.memory_space<hbm>>
    tpu.enqueue_indirect_dma source(%dma_start3A_157 : memref<100352xf32, #tpu.memory_space<hbm>>) target(%dma_start3A_153 : memref<128xf32, #tpu.memory_space<vmem>>) offsets(%dma_start3A_155 : memref<128xi32, #tpu.memory_space<vmem>>) semaphore(%arg16 : memref<!tpu.dma_semaphore, #tpu.memory_space<semaphore_mem>>)
    %dma_wait3A_158 = arith.constant 1 : i32
    %dma_wait3A_159 = arith.constant 0 : i32
    %dma_wait3A_160 = arith.constant 0 : i32
    %dma_wait3A_161 = tpu.memref_slice %arg11[%dma_wait3A_158, %dma_wait3A_159, %dma_wait3A_160] : memref<2x128x128xf32, #tpu.memory_space<vmem>> -> memref<1x128x128xf32, #tpu.memory_space<vmem>>
    %dma_wait3A_162 = tpu.memref_squeeze %dma_wait3A_161 : memref<1x128x128xf32, #tpu.memory_space<vmem>> -> memref<128x128xf32, #tpu.memory_space<vmem>>
    %dma_wait3A_163 = arith.constant 128 : i32
    %dma_wait3A_164 = tpu.memref_slice %arg9[%dma_wait3A_163] : memref<512xi32, #tpu.memory_space<vmem>> -> memref<128xi32, #tpu.memory_space<vmem>>
    %dma_wait3A_165 = arith.constant 0 : i32
    %dma_wait3A_166 = arith.constant 0 : i32
    %dma_wait3A_167 = tpu.memref_slice %arg4[%dma_wait3A_165, %dma_wait3A_166] : memref<1000000x128xf32, #tpu.memory_space<hbm>> -> memref<1000000x128xf32, #tpu.memory_space<hbm>>
    tpu.wait_indirect_dma semaphore(%arg17 : memref<!tpu.dma_semaphore, #tpu.memory_space<semaphore_mem>>) src(%dma_wait3A_167 : memref<1000000x128xf32, #tpu.memory_space<hbm>>) dst(%dma_wait3A_162 : memref<128x128xf32, #tpu.memory_space<vmem>>)
    %dma_wait3A_168 = arith.constant 1 : i32
    %dma_wait3A_169 = arith.constant 0 : i32
    %dma_wait3A_170 = arith.constant 0 : i32
    %dma_wait3A_171 = tpu.memref_slice %arg12[%dma_wait3A_168, %dma_wait3A_169, %dma_wait3A_170] : memref<2x128x128xf32, #tpu.memory_space<vmem>> -> memref<1x128x128xf32, #tpu.memory_space<vmem>>
    %dma_wait3A_172 = tpu.memref_squeeze %dma_wait3A_171 : memref<1x128x128xf32, #tpu.memory_space<vmem>> -> memref<128x128xf32, #tpu.memory_space<vmem>>
    %dma_wait3A_173 = arith.constant 128 : i32
    %dma_wait3A_174 = tpu.memref_slice %arg10[%dma_wait3A_173] : memref<512xi32, #tpu.memory_space<vmem>> -> memref<128xi32, #tpu.memory_space<vmem>>
    %dma_wait3A_175 = arith.constant 0 : i32
    %dma_wait3A_176 = arith.constant 0 : i32
    %dma_wait3A_177 = tpu.memref_slice %arg5[%dma_wait3A_175, %dma_wait3A_176] : memref<100000x128xf32, #tpu.memory_space<hbm>> -> memref<100000x128xf32, #tpu.memory_space<hbm>>
    tpu.wait_indirect_dma semaphore(%arg17 : memref<!tpu.dma_semaphore, #tpu.memory_space<semaphore_mem>>) src(%dma_wait3A_177 : memref<100000x128xf32, #tpu.memory_space<hbm>>) dst(%dma_wait3A_172 : memref<128x128xf32, #tpu.memory_space<vmem>>)
    %dma_wait3A_178 = arith.constant 1 : i32
    %dma_wait3A_179 = arith.constant 0 : i32
    %dma_wait3A_180 = tpu.memref_slice %arg13[%dma_wait3A_178, %dma_wait3A_179] : memref<2x128xf32, #tpu.memory_space<vmem>> -> memref<1x128xf32, #tpu.memory_space<vmem>>
    %dma_wait3A_181 = tpu.memref_squeeze %dma_wait3A_180 : memref<1x128xf32, #tpu.memory_space<vmem>> -> memref<128xf32, #tpu.memory_space<vmem>>
    %dma_wait3A_182 = arith.constant 128 : i32
    %dma_wait3A_183 = tpu.memref_slice %arg9[%dma_wait3A_182] : memref<512xi32, #tpu.memory_space<vmem>> -> memref<128xi32, #tpu.memory_space<vmem>>
    %dma_wait3A_184 = arith.constant 0 : i32
    %dma_wait3A_185 = tpu.memref_slice %arg6[%dma_wait3A_184] : memref<1000448xf32, #tpu.memory_space<hbm>> -> memref<1000448xf32, #tpu.memory_space<hbm>>
    tpu.wait_indirect_dma semaphore(%arg17 : memref<!tpu.dma_semaphore, #tpu.memory_space<semaphore_mem>>) src(%dma_wait3A_185 : memref<1000448xf32, #tpu.memory_space<hbm>>) dst(%dma_wait3A_181 : memref<128xf32, #tpu.memory_space<vmem>>)
    %dma_wait3A_186 = arith.constant 1 : i32
    %dma_wait3A_187 = arith.constant 0 : i32
    %dma_wait3A_188 = tpu.memref_slice %arg14[%dma_wait3A_186, %dma_wait3A_187] : memref<2x128xf32, #tpu.memory_space<vmem>> -> memref<1x128xf32, #tpu.memory_space<vmem>>
    %dma_wait3A_189 = tpu.memref_squeeze %dma_wait3A_188 : memref<1x128xf32, #tpu.memory_space<vmem>> -> memref<128xf32, #tpu.memory_space<vmem>>
    %dma_wait3A_190 = arith.constant 128 : i32
    %dma_wait3A_191 = tpu.memref_slice %arg10[%dma_wait3A_190] : memref<512xi32, #tpu.memory_space<vmem>> -> memref<128xi32, #tpu.memory_space<vmem>>
    %dma_wait3A_192 = arith.constant 0 : i32
    %dma_wait3A_193 = tpu.memref_slice %arg7[%dma_wait3A_192] : memref<100352xf32, #tpu.memory_space<hbm>> -> memref<100352xf32, #tpu.memory_space<hbm>>
    tpu.wait_indirect_dma semaphore(%arg17 : memref<!tpu.dma_semaphore, #tpu.memory_space<semaphore_mem>>) src(%dma_wait3A_193 : memref<100352xf32, #tpu.memory_space<hbm>>) dst(%dma_wait3A_189 : memref<128xf32, #tpu.memory_space<vmem>>)
    %parallel_loop3A_194 = arith.constant 0 : i32
    %parallel_loop3A_195 = arith.constant 8 : i32
    %parallel_loop3A_196 = arith.constant 1 : i32
    scf.for %parallel_loop3A_380 = %parallel_loop3A_194 to %parallel_loop3A_195 step %parallel_loop3A_196  : i32 {
      %parallel_loop3A_381 = arith.constant 0.000000e+00 : f32
      %parallel_loop3A_382 = vector.broadcast %parallel_loop3A_381 : f32 to vector<16xf32>
      %parallel_loop3A_383 = arith.constant 0 : i32
      %parallel_loop3A_384 = arith.constant 8 : i32
      %parallel_loop3A_385 = arith.addi %parallel_loop3A_383, %parallel_loop3A_384 : i32
      %parallel_loop3A_386 = arith.constant 1 : i32
      %parallel_loop3A_387 = scf.for %scan3A = %parallel_loop3A_383 to %parallel_loop3A_385 step %parallel_loop3A_386 iter_args(%scan3A_415 = %parallel_loop3A_382) -> (vector<16xf32>)  : i32 {
        %parallel_loop3A_416 = arith.constant 16 : i32
        %parallel_loop3A_417 = arith.muli %parallel_loop3A_380, %parallel_loop3A_416 : i32
        %parallel_loop3A_418 = arith.constant 2 : i32
        %parallel_loop3A_419 = arith.muli %parallel_loop3A_418, %scan3A : i32
        %parallel_loop3A_420 = arith.addi %parallel_loop3A_417, %parallel_loop3A_419 : i32
        %parallel_loop3A_421 = arith.constant 1 : i32
        %parallel_loop3A_422 = arith.index_cast %parallel_loop3A_421 : i32 to index
        %parallel_loop3A_423 = arith.index_cast %parallel_loop3A_420 : i32 to index
        %parallel_loop3A_424 = arith.constant 0 : index
        %parallel_loop3A_425 = tpu.vector_load %arg11[%parallel_loop3A_422, %parallel_loop3A_423, %parallel_loop3A_424] {strides = array<i32>} : memref<2x128x128xf32, #tpu.memory_space<vmem>>, vector<16xf32>,
        %parallel_loop3A_426 = arith.constant 1 : i32
        %parallel_loop3A_427 = arith.index_cast %parallel_loop3A_426 : i32 to index
        %parallel_loop3A_428 = arith.index_cast %parallel_loop3A_420 : i32 to index
        %parallel_loop3A_429 = arith.constant 0 : index
        %parallel_loop3A_430 = tpu.vector_load %arg12[%parallel_loop3A_427, %parallel_loop3A_428, %parallel_loop3A_429] {strides = array<i32>} : memref<2x128x128xf32, #tpu.memory_space<vmem>>, vector<16xf32>,
        %parallel_loop3A_431 = arith.mulf %parallel_loop3A_425, %parallel_loop3A_430 : vector<16xf32>
        %parallel_loop3A_432 = arith.constant 1 : i32
        %parallel_loop3A_433 = arith.index_cast %parallel_loop3A_432 : i32 to index
        %parallel_loop3A_434 = arith.index_cast %parallel_loop3A_420 : i32 to index
        %parallel_loop3A_435 = arith.constant 16 : index
        %parallel_loop3A_436 = tpu.vector_load %arg11[%parallel_loop3A_433, %parallel_loop3A_434, %parallel_loop3A_435] {strides = array<i32>} : memref<2x128x128xf32, #tpu.memory_space<vmem>>, vector<16xf32>,
        %parallel_loop3A_437 = arith.constant 1 : i32
        %parallel_loop3A_438 = arith.index_cast %parallel_loop3A_437 : i32 to index
        %parallel_loop3A_439 = arith.index_cast %parallel_loop3A_420 : i32 to index
        %parallel_loop3A_440 = arith.constant 16 : index
        %parallel_loop3A_441 = tpu.vector_load %arg12[%parallel_loop3A_438, %parallel_loop3A_439, %parallel_loop3A_440] {strides = array<i32>} : memref<2x128x128xf32, #tpu.memory_space<vmem>>, vector<16xf32>,
        %parallel_loop3A_442 = arith.mulf %parallel_loop3A_436, %parallel_loop3A_441 : vector<16xf32>
        %parallel_loop3A_443 = arith.constant 1 : i32
        %parallel_loop3A_444 = arith.index_cast %parallel_loop3A_443 : i32 to index
        %parallel_loop3A_445 = arith.index_cast %parallel_loop3A_420 : i32 to index
        %parallel_loop3A_446 = arith.constant 32 : index
        %parallel_loop3A_447 = tpu.vector_load %arg11[%parallel_loop3A_444, %parallel_loop3A_445, %parallel_loop3A_446] {strides = array<i32>} : memref<2x128x128xf32, #tpu.memory_space<vmem>>, vector<16xf32>,
        %parallel_loop3A_448 = arith.constant 1 : i32
        %parallel_loop3A_449 = arith.index_cast %parallel_loop3A_448 : i32 to index
        %parallel_loop3A_450 = arith.index_cast %parallel_loop3A_420 : i32 to index
        %parallel_loop3A_451 = arith.constant 32 : index
        %parallel_loop3A_452 = tpu.vector_load %arg12[%parallel_loop3A_449, %parallel_loop3A_450, %parallel_loop3A_451] {strides = array<i32>} : memref<2x128x128xf32, #tpu.memory_space<vmem>>, vector<16xf32>,
        %parallel_loop3A_453 = arith.mulf %parallel_loop3A_447, %parallel_loop3A_452 : vector<16xf32>
        %parallel_loop3A_454 = arith.addf %parallel_loop3A_431, %parallel_loop3A_453 : vector<16xf32>
        %parallel_loop3A_455 = arith.constant 1 : i32
        %parallel_loop3A_456 = arith.index_cast %parallel_loop3A_455 : i32 to index
        %parallel_loop3A_457 = arith.index_cast %parallel_loop3A_420 : i32 to index
        %parallel_loop3A_458 = arith.constant 48 : index
        %parallel_loop3A_459 = tpu.vector_load %arg11[%parallel_loop3A_456, %parallel_loop3A_457, %parallel_loop3A_458] {strides = array<i32>} : memref<2x128x128xf32, #tpu.memory_space<vmem>>, vector<16xf32>,
        %parallel_loop3A_460 = arith.constant 1 : i32
        %parallel_loop3A_461 = arith.index_cast %parallel_loop3A_460 : i32 to index
        %parallel_loop3A_462 = arith.index_cast %parallel_loop3A_420 : i32 to index
        %parallel_loop3A_463 = arith.constant 48 : index
        %parallel_loop3A_464 = tpu.vector_load %arg12[%parallel_loop3A_461, %parallel_loop3A_462, %parallel_loop3A_463] {strides = array<i32>} : memref<2x128x128xf32, #tpu.memory_space<vmem>>, vector<16xf32>,
        %parallel_loop3A_465 = arith.mulf %parallel_loop3A_459, %parallel_loop3A_464 : vector<16xf32>
        %parallel_loop3A_466 = arith.addf %parallel_loop3A_442, %parallel_loop3A_465 : vector<16xf32>
        %parallel_loop3A_467 = arith.constant 1 : i32
        %parallel_loop3A_468 = arith.index_cast %parallel_loop3A_467 : i32 to index
        %parallel_loop3A_469 = arith.index_cast %parallel_loop3A_420 : i32 to index
        %parallel_loop3A_470 = arith.constant 64 : index
        %parallel_loop3A_471 = tpu.vector_load %arg11[%parallel_loop3A_468, %parallel_loop3A_469, %parallel_loop3A_470] {strides = array<i32>} : memref<2x128x128xf32, #tpu.memory_space<vmem>>, vector<16xf32>,
        %parallel_loop3A_472 = arith.constant 1 : i32
        %parallel_loop3A_473 = arith.index_cast %parallel_loop3A_472 : i32 to index
        %parallel_loop3A_474 = arith.index_cast %parallel_loop3A_420 : i32 to index
        %parallel_loop3A_475 = arith.constant 64 : index
        %parallel_loop3A_476 = tpu.vector_load %arg12[%parallel_loop3A_473, %parallel_loop3A_474, %parallel_loop3A_475] {strides = array<i32>} : memref<2x128x128xf32, #tpu.memory_space<vmem>>, vector<16xf32>,
        %parallel_loop3A_477 = arith.mulf %parallel_loop3A_471, %parallel_loop3A_476 : vector<16xf32>
        %parallel_loop3A_478 = arith.addf %parallel_loop3A_454, %parallel_loop3A_477 : vector<16xf32>
        %parallel_loop3A_479 = arith.constant 1 : i32
        %parallel_loop3A_480 = arith.index_cast %parallel_loop3A_479 : i32 to index
        %parallel_loop3A_481 = arith.index_cast %parallel_loop3A_420 : i32 to index
        %parallel_loop3A_482 = arith.constant 80 : index
        %parallel_loop3A_483 = tpu.vector_load %arg11[%parallel_loop3A_480, %parallel_loop3A_481, %parallel_loop3A_482] {strides = array<i32>} : memref<2x128x128xf32, #tpu.memory_space<vmem>>, vector<16xf32>,
        %parallel_loop3A_484 = arith.constant 1 : i32
        %parallel_loop3A_485 = arith.index_cast %parallel_loop3A_484 : i32 to index
        %parallel_loop3A_486 = arith.index_cast %parallel_loop3A_420 : i32 to index
        %parallel_loop3A_487 = arith.constant 80 : index
        %parallel_loop3A_488 = tpu.vector_load %arg12[%parallel_loop3A_485, %parallel_loop3A_486, %parallel_loop3A_487] {strides = array<i32>} : memref<2x128x128xf32, #tpu.memory_space<vmem>>, vector<16xf32>,
        %parallel_loop3A_489 = arith.mulf %parallel_loop3A_483, %parallel_loop3A_488 : vector<16xf32>
        %parallel_loop3A_490 = arith.addf %parallel_loop3A_466, %parallel_loop3A_489 : vector<16xf32>
        %parallel_loop3A_491 = arith.constant 1 : i32
        %parallel_loop3A_492 = arith.index_cast %parallel_loop3A_491 : i32 to index
        %parallel_loop3A_493 = arith.index_cast %parallel_loop3A_420 : i32 to index
        %parallel_loop3A_494 = arith.constant 96 : index
        %parallel_loop3A_495 = tpu.vector_load %arg11[%parallel_loop3A_492, %parallel_loop3A_493, %parallel_loop3A_494] {strides = array<i32>} : memref<2x128x128xf32, #tpu.memory_space<vmem>>, vector<16xf32>,
        %parallel_loop3A_496 = arith.constant 1 : i32
        %parallel_loop3A_497 = arith.index_cast %parallel_loop3A_496 : i32 to index
        %parallel_loop3A_498 = arith.index_cast %parallel_loop3A_420 : i32 to index
        %parallel_loop3A_499 = arith.constant 96 : index
        %parallel_loop3A_500 = tpu.vector_load %arg12[%parallel_loop3A_497, %parallel_loop3A_498, %parallel_loop3A_499] {strides = array<i32>} : memref<2x128x128xf32, #tpu.memory_space<vmem>>, vector<16xf32>,
        %parallel_loop3A_501 = arith.mulf %parallel_loop3A_495, %parallel_loop3A_500 : vector<16xf32>
        %parallel_loop3A_502 = arith.addf %parallel_loop3A_478, %parallel_loop3A_501 : vector<16xf32>
        %parallel_loop3A_503 = arith.constant 1 : i32
        %parallel_loop3A_504 = arith.index_cast %parallel_loop3A_503 : i32 to index
        %parallel_loop3A_505 = arith.index_cast %parallel_loop3A_420 : i32 to index
        %parallel_loop3A_506 = arith.constant 112 : index
        %parallel_loop3A_507 = tpu.vector_load %arg11[%parallel_loop3A_504, %parallel_loop3A_505, %parallel_loop3A_506] {strides = array<i32>} : memref<2x128x128xf32, #tpu.memory_space<vmem>>, vector<16xf32>,
        %parallel_loop3A_508 = arith.constant 1 : i32
        %parallel_loop3A_509 = arith.index_cast %parallel_loop3A_508 : i32 to index
        %parallel_loop3A_510 = arith.index_cast %parallel_loop3A_420 : i32 to index
        %parallel_loop3A_511 = arith.constant 112 : index
        %parallel_loop3A_512 = tpu.vector_load %arg12[%parallel_loop3A_509, %parallel_loop3A_510, %parallel_loop3A_511] {strides = array<i32>} : memref<2x128x128xf32, #tpu.memory_space<vmem>>, vector<16xf32>,
        %parallel_loop3A_513 = arith.mulf %parallel_loop3A_507, %parallel_loop3A_512 : vector<16xf32>
        %parallel_loop3A_514 = arith.addf %parallel_loop3A_490, %parallel_loop3A_513 : vector<16xf32>
        %parallel_loop3A_515 = arith.addf %parallel_loop3A_502, %parallel_loop3A_514 : vector<16xf32>
        %parallel_loop3A_516 = arith.constant true
        %parallel_loop3A_517 = vector.broadcast %parallel_loop3A_516 : i1 to vector<16xi1>
        %parallel_loop3A_518 = tpu.scan <sum>, %parallel_loop3A_515 masked %parallel_loop3A_517 : vector<16xf32>, vector<16xi1> -> vector<16xf32>
        %parallel_loop3A_519 = vector.extract %parallel_loop3A_518[15] : f32 from vector<16xf32>
        %parallel_loop3A_520 = arith.constant 1 : i32
        %parallel_loop3A_521 = arith.addi %parallel_loop3A_420, %parallel_loop3A_520 : i32
        %parallel_loop3A_522 = arith.constant 1 : i32
        %parallel_loop3A_523 = arith.index_cast %parallel_loop3A_522 : i32 to index
        %parallel_loop3A_524 = arith.index_cast %parallel_loop3A_521 : i32 to index
        %parallel_loop3A_525 = arith.constant 0 : index
        %parallel_loop3A_526 = tpu.vector_load %arg11[%parallel_loop3A_523, %parallel_loop3A_524, %parallel_loop3A_525] {strides = array<i32>} : memref<2x128x128xf32, #tpu.memory_space<vmem>>, vector<16xf32>,
        %parallel_loop3A_527 = arith.constant 1 : i32
        %parallel_loop3A_528 = arith.index_cast %parallel_loop3A_527 : i32 to index
        %parallel_loop3A_529 = arith.index_cast %parallel_loop3A_521 : i32 to index
        %parallel_loop3A_530 = arith.constant 0 : index
        %parallel_loop3A_531 = tpu.vector_load %arg12[%parallel_loop3A_528, %parallel_loop3A_529, %parallel_loop3A_530] {strides = array<i32>} : memref<2x128x128xf32, #tpu.memory_space<vmem>>, vector<16xf32>,
        %parallel_loop3A_532 = arith.mulf %parallel_loop3A_526, %parallel_loop3A_531 : vector<16xf32>
        %parallel_loop3A_533 = arith.constant 1 : i32
        %parallel_loop3A_534 = arith.index_cast %parallel_loop3A_533 : i32 to index
        %parallel_loop3A_535 = arith.index_cast %parallel_loop3A_521 : i32 to index
        %parallel_loop3A_536 = arith.constant 16 : index
        %parallel_loop3A_537 = tpu.vector_load %arg11[%parallel_loop3A_534, %parallel_loop3A_535, %parallel_loop3A_536] {strides = array<i32>} : memref<2x128x128xf32, #tpu.memory_space<vmem>>, vector<16xf32>,
        %parallel_loop3A_538 = arith.constant 1 : i32
        %parallel_loop3A_539 = arith.index_cast %parallel_loop3A_538 : i32 to index
        %parallel_loop3A_540 = arith.index_cast %parallel_loop3A_521 : i32 to index
        %parallel_loop3A_541 = arith.constant 16 : index
        %parallel_loop3A_542 = tpu.vector_load %arg12[%parallel_loop3A_539, %parallel_loop3A_540, %parallel_loop3A_541] {strides = array<i32>} : memref<2x128x128xf32, #tpu.memory_space<vmem>>, vector<16xf32>,
        %parallel_loop3A_543 = arith.mulf %parallel_loop3A_537, %parallel_loop3A_542 : vector<16xf32>
        %parallel_loop3A_544 = arith.constant 1 : i32
        %parallel_loop3A_545 = arith.index_cast %parallel_loop3A_544 : i32 to index
        %parallel_loop3A_546 = arith.index_cast %parallel_loop3A_521 : i32 to index
        %parallel_loop3A_547 = arith.constant 32 : index
        %parallel_loop3A_548 = tpu.vector_load %arg11[%parallel_loop3A_545, %parallel_loop3A_546, %parallel_loop3A_547] {strides = array<i32>} : memref<2x128x128xf32, #tpu.memory_space<vmem>>, vector<16xf32>,
        %parallel_loop3A_549 = arith.constant 1 : i32
        %parallel_loop3A_550 = arith.index_cast %parallel_loop3A_549 : i32 to index
        %parallel_loop3A_551 = arith.index_cast %parallel_loop3A_521 : i32 to index
        %parallel_loop3A_552 = arith.constant 32 : index
        %parallel_loop3A_553 = tpu.vector_load %arg12[%parallel_loop3A_550, %parallel_loop3A_551, %parallel_loop3A_552] {strides = array<i32>} : memref<2x128x128xf32, #tpu.memory_space<vmem>>, vector<16xf32>,
        %parallel_loop3A_554 = arith.mulf %parallel_loop3A_548, %parallel_loop3A_553 : vector<16xf32>
        %parallel_loop3A_555 = arith.addf %parallel_loop3A_532, %parallel_loop3A_554 : vector<16xf32>
        %parallel_loop3A_556 = arith.constant 1 : i32
        %parallel_loop3A_557 = arith.index_cast %parallel_loop3A_556 : i32 to index
        %parallel_loop3A_558 = arith.index_cast %parallel_loop3A_521 : i32 to index
        %parallel_loop3A_559 = arith.constant 48 : index
        %parallel_loop3A_560 = tpu.vector_load %arg11[%parallel_loop3A_557, %parallel_loop3A_558, %parallel_loop3A_559] {strides = array<i32>} : memref<2x128x128xf32, #tpu.memory_space<vmem>>, vector<16xf32>,
        %parallel_loop3A_561 = arith.constant 1 : i32
        %parallel_loop3A_562 = arith.index_cast %parallel_loop3A_561 : i32 to index
        %parallel_loop3A_563 = arith.index_cast %parallel_loop3A_521 : i32 to index
        %parallel_loop3A_564 = arith.constant 48 : index
        %parallel_loop3A_565 = tpu.vector_load %arg12[%parallel_loop3A_562, %parallel_loop3A_563, %parallel_loop3A_564] {strides = array<i32>} : memref<2x128x128xf32, #tpu.memory_space<vmem>>, vector<16xf32>,
        %parallel_loop3A_566 = arith.mulf %parallel_loop3A_560, %parallel_loop3A_565 : vector<16xf32>
        %parallel_loop3A_567 = arith.addf %parallel_loop3A_543, %parallel_loop3A_566 : vector<16xf32>
        %parallel_loop3A_568 = arith.constant 1 : i32
        %parallel_loop3A_569 = arith.index_cast %parallel_loop3A_568 : i32 to index
        %parallel_loop3A_570 = arith.index_cast %parallel_loop3A_521 : i32 to index
        %parallel_loop3A_571 = arith.constant 64 : index
        %parallel_loop3A_572 = tpu.vector_load %arg11[%parallel_loop3A_569, %parallel_loop3A_570, %parallel_loop3A_571] {strides = array<i32>} : memref<2x128x128xf32, #tpu.memory_space<vmem>>, vector<16xf32>,
        %parallel_loop3A_573 = arith.constant 1 : i32
        %parallel_loop3A_574 = arith.index_cast %parallel_loop3A_573 : i32 to index
        %parallel_loop3A_575 = arith.index_cast %parallel_loop3A_521 : i32 to index
        %parallel_loop3A_576 = arith.constant 64 : index
        %parallel_loop3A_577 = tpu.vector_load %arg12[%parallel_loop3A_574, %parallel_loop3A_575, %parallel_loop3A_576] {strides = array<i32>} : memref<2x128x128xf32, #tpu.memory_space<vmem>>, vector<16xf32>,
        %parallel_loop3A_578 = arith.mulf %parallel_loop3A_572, %parallel_loop3A_577 : vector<16xf32>
        %parallel_loop3A_579 = arith.addf %parallel_loop3A_555, %parallel_loop3A_578 : vector<16xf32>
        %parallel_loop3A_580 = arith.constant 1 : i32
        %parallel_loop3A_581 = arith.index_cast %parallel_loop3A_580 : i32 to index
        %parallel_loop3A_582 = arith.index_cast %parallel_loop3A_521 : i32 to index
        %parallel_loop3A_583 = arith.constant 80 : index
        %parallel_loop3A_584 = tpu.vector_load %arg11[%parallel_loop3A_581, %parallel_loop3A_582, %parallel_loop3A_583] {strides = array<i32>} : memref<2x128x128xf32, #tpu.memory_space<vmem>>, vector<16xf32>,
        %parallel_loop3A_585 = arith.constant 1 : i32
        %parallel_loop3A_586 = arith.index_cast %parallel_loop3A_585 : i32 to index
        %parallel_loop3A_587 = arith.index_cast %parallel_loop3A_521 : i32 to index
        %parallel_loop3A_588 = arith.constant 80 : index
        %parallel_loop3A_589 = tpu.vector_load %arg12[%parallel_loop3A_586, %parallel_loop3A_587, %parallel_loop3A_588] {strides = array<i32>} : memref<2x128x128xf32, #tpu.memory_space<vmem>>, vector<16xf32>,
        %parallel_loop3A_590 = arith.mulf %parallel_loop3A_584, %parallel_loop3A_589 : vector<16xf32>
        %parallel_loop3A_591 = arith.addf %parallel_loop3A_567, %parallel_loop3A_590 : vector<16xf32>
        %parallel_loop3A_592 = arith.constant 1 : i32
        %parallel_loop3A_593 = arith.index_cast %parallel_loop3A_592 : i32 to index
        %parallel_loop3A_594 = arith.index_cast %parallel_loop3A_521 : i32 to index
        %parallel_loop3A_595 = arith.constant 96 : index
        %parallel_loop3A_596 = tpu.vector_load %arg11[%parallel_loop3A_593, %parallel_loop3A_594, %parallel_loop3A_595] {strides = array<i32>} : memref<2x128x128xf32, #tpu.memory_space<vmem>>, vector<16xf32>,
        %parallel_loop3A_597 = arith.constant 1 : i32
        %parallel_loop3A_598 = arith.index_cast %parallel_loop3A_597 : i32 to index
        %parallel_loop3A_599 = arith.index_cast %parallel_loop3A_521 : i32 to index
        %parallel_loop3A_600 = arith.constant 96 : index
        %parallel_loop3A_601 = tpu.vector_load %arg12[%parallel_loop3A_598, %parallel_loop3A_599, %parallel_loop3A_600] {strides = array<i32>} : memref<2x128x128xf32, #tpu.memory_space<vmem>>, vector<16xf32>,
        %parallel_loop3A_602 = arith.mulf %parallel_loop3A_596, %parallel_loop3A_601 : vector<16xf32>
        %parallel_loop3A_603 = arith.addf %parallel_loop3A_579, %parallel_loop3A_602 : vector<16xf32>
        %parallel_loop3A_604 = arith.constant 1 : i32
        %parallel_loop3A_605 = arith.index_cast %parallel_loop3A_604 : i32 to index
        %parallel_loop3A_606 = arith.index_cast %parallel_loop3A_521 : i32 to index
        %parallel_loop3A_607 = arith.constant 112 : index
        %parallel_loop3A_608 = tpu.vector_load %arg11[%parallel_loop3A_605, %parallel_loop3A_606, %parallel_loop3A_607] {strides = array<i32>} : memref<2x128x128xf32, #tpu.memory_space<vmem>>, vector<16xf32>,
        %parallel_loop3A_609 = arith.constant 1 : i32
        %parallel_loop3A_610 = arith.index_cast %parallel_loop3A_609 : i32 to index
        %parallel_loop3A_611 = arith.index_cast %parallel_loop3A_521 : i32 to index
        %parallel_loop3A_612 = arith.constant 112 : index
        %parallel_loop3A_613 = tpu.vector_load %arg12[%parallel_loop3A_610, %parallel_loop3A_611, %parallel_loop3A_612] {strides = array<i32>} : memref<2x128x128xf32, #tpu.memory_space<vmem>>, vector<16xf32>,
        %parallel_loop3A_614 = arith.mulf %parallel_loop3A_608, %parallel_loop3A_613 : vector<16xf32>
        %parallel_loop3A_615 = arith.addf %parallel_loop3A_591, %parallel_loop3A_614 : vector<16xf32>
        %parallel_loop3A_616 = arith.addf %parallel_loop3A_603, %parallel_loop3A_615 : vector<16xf32>
        %parallel_loop3A_617 = arith.constant true
        %parallel_loop3A_618 = vector.broadcast %parallel_loop3A_617 : i1 to vector<16xi1>
        %parallel_loop3A_619 = tpu.scan <sum>, %parallel_loop3A_616 masked %parallel_loop3A_618 : vector<16xf32>, vector<16xi1> -> vector<16xf32>
        %parallel_loop3A_620 = vector.extract %parallel_loop3A_619[15] : f32 from vector<16xf32>
        %parallel_loop3A_621 = arith.constant 2 : i32
        %parallel_loop3A_622 = arith.muli %parallel_loop3A_621, %scan3A : i32
        %parallel_loop3A_623 = vector.broadcast %parallel_loop3A_622 : i32 to vector<16xi32>
        %parallel_loop3A_624 = arith.cmpi eq, %iota3A, %parallel_loop3A_623 : vector<16xi32>
        %parallel_loop3A_625 = vector.broadcast %parallel_loop3A_519 : f32 to vector<16xf32>
        %parallel_loop3A_626 = arith.select %parallel_loop3A_624, %parallel_loop3A_625, %scan3A_415 : vector<16xi1>, vector<16xf32>
        %parallel_loop3A_627 = arith.constant 2 : i32
        %parallel_loop3A_628 = arith.muli %parallel_loop3A_627, %scan3A : i32
        %parallel_loop3A_629 = arith.constant 1 : i32
        %parallel_loop3A_630 = arith.addi %parallel_loop3A_628, %parallel_loop3A_629 : i32
        %parallel_loop3A_631 = vector.broadcast %parallel_loop3A_630 : i32 to vector<16xi32>
        %parallel_loop3A_632 = arith.cmpi eq, %iota3A, %parallel_loop3A_631 : vector<16xi32>
        %parallel_loop3A_633 = vector.broadcast %parallel_loop3A_620 : f32 to vector<16xf32>
        %parallel_loop3A_634 = arith.select %parallel_loop3A_632, %parallel_loop3A_633, %parallel_loop3A_626 : vector<16xi1>, vector<16xf32>
        scf.yield %parallel_loop3A_634 : vector<16xf32>
      }
      %parallel_loop3A_388 = arith.constant 8 : i32
      %parallel_loop3A_389 = arith.constant 16 : i32
      %parallel_loop3A_390 = arith.muli %parallel_loop3A_380, %parallel_loop3A_389 : i32
      %parallel_loop3A_391 = arith.constant 1 : i32
      %parallel_loop3A_392 = arith.index_cast %parallel_loop3A_391 : i32 to index
      %parallel_loop3A_393 = arith.index_cast %parallel_loop3A_390 : i32 to index
      %parallel_loop3A_394 = tpu.vector_load %arg13[%parallel_loop3A_392, %parallel_loop3A_393] {strides = array<i32>} : memref<2x128xf32, #tpu.memory_space<vmem>>, vector<16xf32>,
      %parallel_loop3A_395 = arith.addf %parallel_loop3A_387, %parallel_loop3A_394 : vector<16xf32>
      %parallel_loop3A_396 = arith.constant 1 : i32
      %parallel_loop3A_397 = arith.index_cast %parallel_loop3A_396 : i32 to index
      %parallel_loop3A_398 = arith.index_cast %parallel_loop3A_390 : i32 to index
      %parallel_loop3A_399 = tpu.vector_load %arg14[%parallel_loop3A_397, %parallel_loop3A_398] {strides = array<i32>} : memref<2x128xf32, #tpu.memory_space<vmem>>, vector<16xf32>,
      %parallel_loop3A_400 = arith.addf %parallel_loop3A_395, %parallel_loop3A_399 : vector<16xf32>
      %parallel_loop3A_401 = arith.constant 0.000000e+00 : f32
      %parallel_loop3A_402 = vector.broadcast %parallel_loop3A_401 : f32 to vector<16xf32>
      %parallel_loop3A_403 = arith.subf %parallel_loop3A_402, %parallel_loop3A_400 : vector<16xf32>
      %parallel_loop3A_404 = math.exp %parallel_loop3A_403 : vector<16xf32>
      %parallel_loop3A_405 = arith.constant 1.000000e+00 : f32
      %parallel_loop3A_406 = vector.broadcast %parallel_loop3A_405 : f32 to vector<16xf32>
      %parallel_loop3A_407 = arith.addf %parallel_loop3A_406, %parallel_loop3A_404 : vector<16xf32>
      %parallel_loop3A_408 = arith.constant 1.000000e+00 : f32
      %parallel_loop3A_409 = vector.broadcast %parallel_loop3A_408 : f32 to vector<16xf32>
      %parallel_loop3A_410 = arith.divf %parallel_loop3A_409, %parallel_loop3A_407 : vector<16xf32>
      %parallel_loop3A_411 = arith.constant 1 : i32
      %parallel_loop3A_412 = arith.index_cast %parallel_loop3A_411 : i32 to index
      %parallel_loop3A_413 = arith.index_cast %parallel_loop3A_390 : i32 to index
      %parallel_loop3A_414 = tpu.vector_load %arg15[%parallel_loop3A_412, %parallel_loop3A_413] {strides = array<i32>} : memref<4x128xf32, #tpu.memory_space<vmem>>, vector<16xf32>,
      tpu.vector_store %arg15[%parallel_loop3A_412, %parallel_loop3A_413], %parallel_loop3A_410 {strides = array<i32>} : memref<4x128xf32, #tpu.memory_space<vmem>>, vector<16xf32>,
    } {sc.loop_unroll_factor = 1 : i64, sc.parallel_access}
    %add3A_197 = arith.constant 128 : i32
    %add3A_198 = arith.addi %mul3A_2, %add3A_197 : i32
    %dma_start3A_199 = arith.constant 1 : i32
    %dma_start3A_200 = arith.constant 0 : i32
    %dma_start3A_201 = tpu.memref_slice %arg15[%dma_start3A_199, %dma_start3A_200] : memref<4x128xf32, #tpu.memory_space<vmem>> -> memref<1x128xf32, #tpu.memory_space<vmem>>
    %dma_start3A_202 = tpu.memref_squeeze %dma_start3A_201 : memref<1x128xf32, #tpu.memory_space<vmem>> -> memref<128xf32, #tpu.memory_space<vmem>>
    %dma_start3A_203 = tpu.memref_slice %arg8[%add3A_198] : memref<16384xf32, #tpu.memory_space<hbm>> -> memref<128xf32, #tpu.memory_space<hbm>>
    %dma_start3A_204 = tpu.memref_slice %arg8[%add3A_198] : memref<16384xf32, #tpu.memory_space<hbm>> -> memref<128xf32, #tpu.memory_space<hbm>>
    %dma_start3A_205 = arith.constant 0 : i32
    %dma_start3A_206 = tpu.memref_slice %arg15[%dma_start3A_199, %dma_start3A_205] : memref<4x128xf32, #tpu.memory_space<vmem>> -> memref<1x128xf32, #tpu.memory_space<vmem>>
    %dma_start3A_207 = tpu.memref_squeeze %dma_start3A_206 : memref<1x128xf32, #tpu.memory_space<vmem>> -> memref<128xf32, #tpu.memory_space<vmem>>
    tpu.enqueue_dma source(%dma_start3A_207 : memref<128xf32, #tpu.memory_space<vmem>>) target(%dma_start3A_204 : memref<128xf32, #tpu.memory_space<hbm>>) target_semaphore(%arg18 : memref<!tpu.dma_semaphore, #tpu.memory_space<semaphore_mem>>)
    %dma_start3A_208 = arith.constant 1 : i32
    %dma_start3A_209 = arith.constant 0 : i32
    %dma_start3A_210 = arith.constant 0 : i32
    %dma_start3A_211 = tpu.memref_slice %arg11[%dma_start3A_208, %dma_start3A_209, %dma_start3A_210] : memref<2x128x128xf32, #tpu.memory_space<vmem>> -> memref<1x128x128xf32, #tpu.memory_space<vmem>>
    %dma_start3A_212 = tpu.memref_squeeze %dma_start3A_211 : memref<1x128x128xf32, #tpu.memory_space<vmem>> -> memref<128x128xf32, #tpu.memory_space<vmem>>
    %dma_start3A_213 = arith.constant 384 : i32
    %dma_start3A_214 = tpu.memref_slice %arg9[%dma_start3A_213] : memref<512xi32, #tpu.memory_space<vmem>> -> memref<128xi32, #tpu.memory_space<vmem>>
    %dma_start3A_215 = arith.constant 0 : i32
    %dma_start3A_216 = arith.constant 0 : i32
    %dma_start3A_217 = tpu.memref_slice %arg4[%dma_start3A_215, %dma_start3A_216] : memref<1000000x128xf32, #tpu.memory_space<hbm>> -> memref<1000000x128xf32, #tpu.memory_space<hbm>>
    tpu.enqueue_indirect_dma source(%dma_start3A_217 : memref<1000000x128xf32, #tpu.memory_space<hbm>>) target(%dma_start3A_212 : memref<128x128xf32, #tpu.memory_space<vmem>>) offsets(%dma_start3A_214 : memref<128xi32, #tpu.memory_space<vmem>>) semaphore(%arg17 : memref<!tpu.dma_semaphore, #tpu.memory_space<semaphore_mem>>)
    %dma_start3A_218 = arith.constant 1 : i32
    %dma_start3A_219 = arith.constant 0 : i32
    %dma_start3A_220 = arith.constant 0 : i32
    %dma_start3A_221 = tpu.memref_slice %arg12[%dma_start3A_218, %dma_start3A_219, %dma_start3A_220] : memref<2x128x128xf32, #tpu.memory_space<vmem>> -> memref<1x128x128xf32, #tpu.memory_space<vmem>>
    %dma_start3A_222 = tpu.memref_squeeze %dma_start3A_221 : memref<1x128x128xf32, #tpu.memory_space<vmem>> -> memref<128x128xf32, #tpu.memory_space<vmem>>
    %dma_start3A_223 = arith.constant 384 : i32
    %dma_start3A_224 = tpu.memref_slice %arg10[%dma_start3A_223] : memref<512xi32, #tpu.memory_space<vmem>> -> memref<128xi32, #tpu.memory_space<vmem>>
    %dma_start3A_225 = arith.constant 0 : i32
    %dma_start3A_226 = arith.constant 0 : i32
    %dma_start3A_227 = tpu.memref_slice %arg5[%dma_start3A_225, %dma_start3A_226] : memref<100000x128xf32, #tpu.memory_space<hbm>> -> memref<100000x128xf32, #tpu.memory_space<hbm>>
    tpu.enqueue_indirect_dma source(%dma_start3A_227 : memref<100000x128xf32, #tpu.memory_space<hbm>>) target(%dma_start3A_222 : memref<128x128xf32, #tpu.memory_space<vmem>>) offsets(%dma_start3A_224 : memref<128xi32, #tpu.memory_space<vmem>>) semaphore(%arg17 : memref<!tpu.dma_semaphore, #tpu.memory_space<semaphore_mem>>)
    %dma_start3A_228 = arith.constant 1 : i32
    %dma_start3A_229 = arith.constant 0 : i32
    %dma_start3A_230 = tpu.memref_slice %arg13[%dma_start3A_228, %dma_start3A_229] : memref<2x128xf32, #tpu.memory_space<vmem>> -> memref<1x128xf32, #tpu.memory_space<vmem>>
    %dma_start3A_231 = tpu.memref_squeeze %dma_start3A_230 : memref<1x128xf32, #tpu.memory_space<vmem>> -> memref<128xf32, #tpu.memory_space<vmem>>
    %dma_start3A_232 = arith.constant 384 : i32
    %dma_start3A_233 = tpu.memref_slice %arg9[%dma_start3A_232] : memref<512xi32, #tpu.memory_space<vmem>> -> memref<128xi32, #tpu.memory_space<vmem>>
    %dma_start3A_234 = arith.constant 0 : i32
    %dma_start3A_235 = tpu.memref_slice %arg6[%dma_start3A_234] : memref<1000448xf32, #tpu.memory_space<hbm>> -> memref<1000448xf32, #tpu.memory_space<hbm>>
    tpu.enqueue_indirect_dma source(%dma_start3A_235 : memref<1000448xf32, #tpu.memory_space<hbm>>) target(%dma_start3A_231 : memref<128xf32, #tpu.memory_space<vmem>>) offsets(%dma_start3A_233 : memref<128xi32, #tpu.memory_space<vmem>>) semaphore(%arg17 : memref<!tpu.dma_semaphore, #tpu.memory_space<semaphore_mem>>)
    %dma_start3A_236 = arith.constant 1 : i32
    %dma_start3A_237 = arith.constant 0 : i32
    %dma_start3A_238 = tpu.memref_slice %arg14[%dma_start3A_236, %dma_start3A_237] : memref<2x128xf32, #tpu.memory_space<vmem>> -> memref<1x128xf32, #tpu.memory_space<vmem>>
    %dma_start3A_239 = tpu.memref_squeeze %dma_start3A_238 : memref<1x128xf32, #tpu.memory_space<vmem>> -> memref<128xf32, #tpu.memory_space<vmem>>
    %dma_start3A_240 = arith.constant 384 : i32
    %dma_start3A_241 = tpu.memref_slice %arg10[%dma_start3A_240] : memref<512xi32, #tpu.memory_space<vmem>> -> memref<128xi32, #tpu.memory_space<vmem>>
    %dma_start3A_242 = arith.constant 0 : i32
    %dma_start3A_243 = tpu.memref_slice %arg7[%dma_start3A_242] : memref<100352xf32, #tpu.memory_space<hbm>> -> memref<100352xf32, #tpu.memory_space<hbm>>
    tpu.enqueue_indirect_dma source(%dma_start3A_243 : memref<100352xf32, #tpu.memory_space<hbm>>) target(%dma_start3A_239 : memref<128xf32, #tpu.memory_space<vmem>>) offsets(%dma_start3A_241 : memref<128xi32, #tpu.memory_space<vmem>>) semaphore(%arg17 : memref<!tpu.dma_semaphore, #tpu.memory_space<semaphore_mem>>)
    %dma_wait3A_244 = arith.constant 0 : i32
    %dma_wait3A_245 = arith.constant 0 : i32
    %dma_wait3A_246 = arith.constant 0 : i32
    %dma_wait3A_247 = tpu.memref_slice %arg11[%dma_wait3A_244, %dma_wait3A_245, %dma_wait3A_246] : memref<2x128x128xf32, #tpu.memory_space<vmem>> -> memref<1x128x128xf32, #tpu.memory_space<vmem>>
    %dma_wait3A_248 = tpu.memref_squeeze %dma_wait3A_247 : memref<1x128x128xf32, #tpu.memory_space<vmem>> -> memref<128x128xf32, #tpu.memory_space<vmem>>
    %dma_wait3A_249 = arith.constant 256 : i32
    %dma_wait3A_250 = tpu.memref_slice %arg9[%dma_wait3A_249] : memref<512xi32, #tpu.memory_space<vmem>> -> memref<128xi32, #tpu.memory_space<vmem>>
    %dma_wait3A_251 = arith.constant 0 : i32
    %dma_wait3A_252 = arith.constant 0 : i32
    %dma_wait3A_253 = tpu.memref_slice %arg4[%dma_wait3A_251, %dma_wait3A_252] : memref<1000000x128xf32, #tpu.memory_space<hbm>> -> memref<1000000x128xf32, #tpu.memory_space<hbm>>
    tpu.wait_indirect_dma semaphore(%arg16 : memref<!tpu.dma_semaphore, #tpu.memory_space<semaphore_mem>>) src(%dma_wait3A_253 : memref<1000000x128xf32, #tpu.memory_space<hbm>>) dst(%dma_wait3A_248 : memref<128x128xf32, #tpu.memory_space<vmem>>)
    %dma_wait3A_254 = arith.constant 0 : i32
    %dma_wait3A_255 = arith.constant 0 : i32
    %dma_wait3A_256 = arith.constant 0 : i32
    %dma_wait3A_257 = tpu.memref_slice %arg12[%dma_wait3A_254, %dma_wait3A_255, %dma_wait3A_256] : memref<2x128x128xf32, #tpu.memory_space<vmem>> -> memref<1x128x128xf32, #tpu.memory_space<vmem>>
    %dma_wait3A_258 = tpu.memref_squeeze %dma_wait3A_257 : memref<1x128x128xf32, #tpu.memory_space<vmem>> -> memref<128x128xf32, #tpu.memory_space<vmem>>
    %dma_wait3A_259 = arith.constant 256 : i32
    %dma_wait3A_260 = tpu.memref_slice %arg10[%dma_wait3A_259] : memref<512xi32, #tpu.memory_space<vmem>> -> memref<128xi32, #tpu.memory_space<vmem>>
    %dma_wait3A_261 = arith.constant 0 : i32
    %dma_wait3A_262 = arith.constant 0 : i32
    %dma_wait3A_263 = tpu.memref_slice %arg5[%dma_wait3A_261, %dma_wait3A_262] : memref<100000x128xf32, #tpu.memory_space<hbm>> -> memref<100000x128xf32, #tpu.memory_space<hbm>>
    tpu.wait_indirect_dma semaphore(%arg16 : memref<!tpu.dma_semaphore, #tpu.memory_space<semaphore_mem>>) src(%dma_wait3A_263 : memref<100000x128xf32, #tpu.memory_space<hbm>>) dst(%dma_wait3A_258 : memref<128x128xf32, #tpu.memory_space<vmem>>)
    %dma_wait3A_264 = arith.constant 0 : i32
    %dma_wait3A_265 = arith.constant 0 : i32
    %dma_wait3A_266 = tpu.memref_slice %arg13[%dma_wait3A_264, %dma_wait3A_265] : memref<2x128xf32, #tpu.memory_space<vmem>> -> memref<1x128xf32, #tpu.memory_space<vmem>>
    %dma_wait3A_267 = tpu.memref_squeeze %dma_wait3A_266 : memref<1x128xf32, #tpu.memory_space<vmem>> -> memref<128xf32, #tpu.memory_space<vmem>>
    %dma_wait3A_268 = arith.constant 256 : i32
    %dma_wait3A_269 = tpu.memref_slice %arg9[%dma_wait3A_268] : memref<512xi32, #tpu.memory_space<vmem>> -> memref<128xi32, #tpu.memory_space<vmem>>
    %dma_wait3A_270 = arith.constant 0 : i32
    %dma_wait3A_271 = tpu.memref_slice %arg6[%dma_wait3A_270] : memref<1000448xf32, #tpu.memory_space<hbm>> -> memref<1000448xf32, #tpu.memory_space<hbm>>
    tpu.wait_indirect_dma semaphore(%arg16 : memref<!tpu.dma_semaphore, #tpu.memory_space<semaphore_mem>>) src(%dma_wait3A_271 : memref<1000448xf32, #tpu.memory_space<hbm>>) dst(%dma_wait3A_267 : memref<128xf32, #tpu.memory_space<vmem>>)
    %dma_wait3A_272 = arith.constant 0 : i32
    %dma_wait3A_273 = arith.constant 0 : i32
    %dma_wait3A_274 = tpu.memref_slice %arg14[%dma_wait3A_272, %dma_wait3A_273] : memref<2x128xf32, #tpu.memory_space<vmem>> -> memref<1x128xf32, #tpu.memory_space<vmem>>
    %dma_wait3A_275 = tpu.memref_squeeze %dma_wait3A_274 : memref<1x128xf32, #tpu.memory_space<vmem>> -> memref<128xf32, #tpu.memory_space<vmem>>
    %dma_wait3A_276 = arith.constant 256 : i32
    %dma_wait3A_277 = tpu.memref_slice %arg10[%dma_wait3A_276] : memref<512xi32, #tpu.memory_space<vmem>> -> memref<128xi32, #tpu.memory_space<vmem>>
    %dma_wait3A_278 = arith.constant 0 : i32
    %dma_wait3A_279 = tpu.memref_slice %arg7[%dma_wait3A_278] : memref<100352xf32, #tpu.memory_space<hbm>> -> memref<100352xf32, #tpu.memory_space<hbm>>
    tpu.wait_indirect_dma semaphore(%arg16 : memref<!tpu.dma_semaphore, #tpu.memory_space<semaphore_mem>>) src(%dma_wait3A_279 : memref<100352xf32, #tpu.memory_space<hbm>>) dst(%dma_wait3A_275 : memref<128xf32, #tpu.memory_space<vmem>>)
    %parallel_loop3A_280 = arith.constant 0 : i32
    %parallel_loop3A_281 = arith.constant 8 : i32
    %parallel_loop3A_282 = arith.constant 1 : i32
    scf.for %parallel_loop3A_380 = %parallel_loop3A_280 to %parallel_loop3A_281 step %parallel_loop3A_282  : i32 {
      %parallel_loop3A_381 = arith.constant 0.000000e+00 : f32
      %parallel_loop3A_382 = vector.broadcast %parallel_loop3A_381 : f32 to vector<16xf32>
      %parallel_loop3A_383 = arith.constant 0 : i32
      %parallel_loop3A_384 = arith.constant 8 : i32
      %parallel_loop3A_385 = arith.addi %parallel_loop3A_383, %parallel_loop3A_384 : i32
      %parallel_loop3A_386 = arith.constant 1 : i32
      %parallel_loop3A_387 = scf.for %scan3A = %parallel_loop3A_383 to %parallel_loop3A_385 step %parallel_loop3A_386 iter_args(%scan3A_415 = %parallel_loop3A_382) -> (vector<16xf32>)  : i32 {
        %parallel_loop3A_416 = arith.constant 16 : i32
        %parallel_loop3A_417 = arith.muli %parallel_loop3A_380, %parallel_loop3A_416 : i32
        %parallel_loop3A_418 = arith.constant 2 : i32
        %parallel_loop3A_419 = arith.muli %parallel_loop3A_418, %scan3A : i32
        %parallel_loop3A_420 = arith.addi %parallel_loop3A_417, %parallel_loop3A_419 : i32
        %parallel_loop3A_421 = arith.constant 0 : i32
        %parallel_loop3A_422 = arith.index_cast %parallel_loop3A_421 : i32 to index
        %parallel_loop3A_423 = arith.index_cast %parallel_loop3A_420 : i32 to index
        %parallel_loop3A_424 = arith.constant 0 : index
        %parallel_loop3A_425 = tpu.vector_load %arg11[%parallel_loop3A_422, %parallel_loop3A_423, %parallel_loop3A_424] {strides = array<i32>} : memref<2x128x128xf32, #tpu.memory_space<vmem>>, vector<16xf32>,
        %parallel_loop3A_426 = arith.constant 0 : i32
        %parallel_loop3A_427 = arith.index_cast %parallel_loop3A_426 : i32 to index
        %parallel_loop3A_428 = arith.index_cast %parallel_loop3A_420 : i32 to index
        %parallel_loop3A_429 = arith.constant 0 : index
        %parallel_loop3A_430 = tpu.vector_load %arg12[%parallel_loop3A_427, %parallel_loop3A_428, %parallel_loop3A_429] {strides = array<i32>} : memref<2x128x128xf32, #tpu.memory_space<vmem>>, vector<16xf32>,
        %parallel_loop3A_431 = arith.mulf %parallel_loop3A_425, %parallel_loop3A_430 : vector<16xf32>
        %parallel_loop3A_432 = arith.constant 0 : i32
        %parallel_loop3A_433 = arith.index_cast %parallel_loop3A_432 : i32 to index
        %parallel_loop3A_434 = arith.index_cast %parallel_loop3A_420 : i32 to index
        %parallel_loop3A_435 = arith.constant 16 : index
        %parallel_loop3A_436 = tpu.vector_load %arg11[%parallel_loop3A_433, %parallel_loop3A_434, %parallel_loop3A_435] {strides = array<i32>} : memref<2x128x128xf32, #tpu.memory_space<vmem>>, vector<16xf32>,
        %parallel_loop3A_437 = arith.constant 0 : i32
        %parallel_loop3A_438 = arith.index_cast %parallel_loop3A_437 : i32 to index
        %parallel_loop3A_439 = arith.index_cast %parallel_loop3A_420 : i32 to index
        %parallel_loop3A_440 = arith.constant 16 : index
        %parallel_loop3A_441 = tpu.vector_load %arg12[%parallel_loop3A_438, %parallel_loop3A_439, %parallel_loop3A_440] {strides = array<i32>} : memref<2x128x128xf32, #tpu.memory_space<vmem>>, vector<16xf32>,
        %parallel_loop3A_442 = arith.mulf %parallel_loop3A_436, %parallel_loop3A_441 : vector<16xf32>
        %parallel_loop3A_443 = arith.constant 0 : i32
        %parallel_loop3A_444 = arith.index_cast %parallel_loop3A_443 : i32 to index
        %parallel_loop3A_445 = arith.index_cast %parallel_loop3A_420 : i32 to index
        %parallel_loop3A_446 = arith.constant 32 : index
        %parallel_loop3A_447 = tpu.vector_load %arg11[%parallel_loop3A_444, %parallel_loop3A_445, %parallel_loop3A_446] {strides = array<i32>} : memref<2x128x128xf32, #tpu.memory_space<vmem>>, vector<16xf32>,
        %parallel_loop3A_448 = arith.constant 0 : i32
        %parallel_loop3A_449 = arith.index_cast %parallel_loop3A_448 : i32 to index
        %parallel_loop3A_450 = arith.index_cast %parallel_loop3A_420 : i32 to index
        %parallel_loop3A_451 = arith.constant 32 : index
        %parallel_loop3A_452 = tpu.vector_load %arg12[%parallel_loop3A_449, %parallel_loop3A_450, %parallel_loop3A_451] {strides = array<i32>} : memref<2x128x128xf32, #tpu.memory_space<vmem>>, vector<16xf32>,
        %parallel_loop3A_453 = arith.mulf %parallel_loop3A_447, %parallel_loop3A_452 : vector<16xf32>
        %parallel_loop3A_454 = arith.addf %parallel_loop3A_431, %parallel_loop3A_453 : vector<16xf32>
        %parallel_loop3A_455 = arith.constant 0 : i32
        %parallel_loop3A_456 = arith.index_cast %parallel_loop3A_455 : i32 to index
        %parallel_loop3A_457 = arith.index_cast %parallel_loop3A_420 : i32 to index
        %parallel_loop3A_458 = arith.constant 48 : index
        %parallel_loop3A_459 = tpu.vector_load %arg11[%parallel_loop3A_456, %parallel_loop3A_457, %parallel_loop3A_458] {strides = array<i32>} : memref<2x128x128xf32, #tpu.memory_space<vmem>>, vector<16xf32>,
        %parallel_loop3A_460 = arith.constant 0 : i32
        %parallel_loop3A_461 = arith.index_cast %parallel_loop3A_460 : i32 to index
        %parallel_loop3A_462 = arith.index_cast %parallel_loop3A_420 : i32 to index
        %parallel_loop3A_463 = arith.constant 48 : index
        %parallel_loop3A_464 = tpu.vector_load %arg12[%parallel_loop3A_461, %parallel_loop3A_462, %parallel_loop3A_463] {strides = array<i32>} : memref<2x128x128xf32, #tpu.memory_space<vmem>>, vector<16xf32>,
        %parallel_loop3A_465 = arith.mulf %parallel_loop3A_459, %parallel_loop3A_464 : vector<16xf32>
        %parallel_loop3A_466 = arith.addf %parallel_loop3A_442, %parallel_loop3A_465 : vector<16xf32>
        %parallel_loop3A_467 = arith.constant 0 : i32
        %parallel_loop3A_468 = arith.index_cast %parallel_loop3A_467 : i32 to index
        %parallel_loop3A_469 = arith.index_cast %parallel_loop3A_420 : i32 to index
        %parallel_loop3A_470 = arith.constant 64 : index
        %parallel_loop3A_471 = tpu.vector_load %arg11[%parallel_loop3A_468, %parallel_loop3A_469, %parallel_loop3A_470] {strides = array<i32>} : memref<2x128x128xf32, #tpu.memory_space<vmem>>, vector<16xf32>,
        %parallel_loop3A_472 = arith.constant 0 : i32
        %parallel_loop3A_473 = arith.index_cast %parallel_loop3A_472 : i32 to index
        %parallel_loop3A_474 = arith.index_cast %parallel_loop3A_420 : i32 to index
        %parallel_loop3A_475 = arith.constant 64 : index
        %parallel_loop3A_476 = tpu.vector_load %arg12[%parallel_loop3A_473, %parallel_loop3A_474, %parallel_loop3A_475] {strides = array<i32>} : memref<2x128x128xf32, #tpu.memory_space<vmem>>, vector<16xf32>,
        %parallel_loop3A_477 = arith.mulf %parallel_loop3A_471, %parallel_loop3A_476 : vector<16xf32>
        %parallel_loop3A_478 = arith.addf %parallel_loop3A_454, %parallel_loop3A_477 : vector<16xf32>
        %parallel_loop3A_479 = arith.constant 0 : i32
        %parallel_loop3A_480 = arith.index_cast %parallel_loop3A_479 : i32 to index
        %parallel_loop3A_481 = arith.index_cast %parallel_loop3A_420 : i32 to index
        %parallel_loop3A_482 = arith.constant 80 : index
        %parallel_loop3A_483 = tpu.vector_load %arg11[%parallel_loop3A_480, %parallel_loop3A_481, %parallel_loop3A_482] {strides = array<i32>} : memref<2x128x128xf32, #tpu.memory_space<vmem>>, vector<16xf32>,
        %parallel_loop3A_484 = arith.constant 0 : i32
        %parallel_loop3A_485 = arith.index_cast %parallel_loop3A_484 : i32 to index
        %parallel_loop3A_486 = arith.index_cast %parallel_loop3A_420 : i32 to index
        %parallel_loop3A_487 = arith.constant 80 : index
        %parallel_loop3A_488 = tpu.vector_load %arg12[%parallel_loop3A_485, %parallel_loop3A_486, %parallel_loop3A_487] {strides = array<i32>} : memref<2x128x128xf32, #tpu.memory_space<vmem>>, vector<16xf32>,
        %parallel_loop3A_489 = arith.mulf %parallel_loop3A_483, %parallel_loop3A_488 : vector<16xf32>
        %parallel_loop3A_490 = arith.addf %parallel_loop3A_466, %parallel_loop3A_489 : vector<16xf32>
        %parallel_loop3A_491 = arith.constant 0 : i32
        %parallel_loop3A_492 = arith.index_cast %parallel_loop3A_491 : i32 to index
        %parallel_loop3A_493 = arith.index_cast %parallel_loop3A_420 : i32 to index
        %parallel_loop3A_494 = arith.constant 96 : index
        %parallel_loop3A_495 = tpu.vector_load %arg11[%parallel_loop3A_492, %parallel_loop3A_493, %parallel_loop3A_494] {strides = array<i32>} : memref<2x128x128xf32, #tpu.memory_space<vmem>>, vector<16xf32>,
        %parallel_loop3A_496 = arith.constant 0 : i32
        %parallel_loop3A_497 = arith.index_cast %parallel_loop3A_496 : i32 to index
        %parallel_loop3A_498 = arith.index_cast %parallel_loop3A_420 : i32 to index
        %parallel_loop3A_499 = arith.constant 96 : index
        %parallel_loop3A_500 = tpu.vector_load %arg12[%parallel_loop3A_497, %parallel_loop3A_498, %parallel_loop3A_499] {strides = array<i32>} : memref<2x128x128xf32, #tpu.memory_space<vmem>>, vector<16xf32>,
        %parallel_loop3A_501 = arith.mulf %parallel_loop3A_495, %parallel_loop3A_500 : vector<16xf32>
        %parallel_loop3A_502 = arith.addf %parallel_loop3A_478, %parallel_loop3A_501 : vector<16xf32>
        %parallel_loop3A_503 = arith.constant 0 : i32
        %parallel_loop3A_504 = arith.index_cast %parallel_loop3A_503 : i32 to index
        %parallel_loop3A_505 = arith.index_cast %parallel_loop3A_420 : i32 to index
        %parallel_loop3A_506 = arith.constant 112 : index
        %parallel_loop3A_507 = tpu.vector_load %arg11[%parallel_loop3A_504, %parallel_loop3A_505, %parallel_loop3A_506] {strides = array<i32>} : memref<2x128x128xf32, #tpu.memory_space<vmem>>, vector<16xf32>,
        %parallel_loop3A_508 = arith.constant 0 : i32
        %parallel_loop3A_509 = arith.index_cast %parallel_loop3A_508 : i32 to index
        %parallel_loop3A_510 = arith.index_cast %parallel_loop3A_420 : i32 to index
        %parallel_loop3A_511 = arith.constant 112 : index
        %parallel_loop3A_512 = tpu.vector_load %arg12[%parallel_loop3A_509, %parallel_loop3A_510, %parallel_loop3A_511] {strides = array<i32>} : memref<2x128x128xf32, #tpu.memory_space<vmem>>, vector<16xf32>,
        %parallel_loop3A_513 = arith.mulf %parallel_loop3A_507, %parallel_loop3A_512 : vector<16xf32>
        %parallel_loop3A_514 = arith.addf %parallel_loop3A_490, %parallel_loop3A_513 : vector<16xf32>
        %parallel_loop3A_515 = arith.addf %parallel_loop3A_502, %parallel_loop3A_514 : vector<16xf32>
        %parallel_loop3A_516 = arith.constant true
        %parallel_loop3A_517 = vector.broadcast %parallel_loop3A_516 : i1 to vector<16xi1>
        %parallel_loop3A_518 = tpu.scan <sum>, %parallel_loop3A_515 masked %parallel_loop3A_517 : vector<16xf32>, vector<16xi1> -> vector<16xf32>
        %parallel_loop3A_519 = vector.extract %parallel_loop3A_518[15] : f32 from vector<16xf32>
        %parallel_loop3A_520 = arith.constant 1 : i32
        %parallel_loop3A_521 = arith.addi %parallel_loop3A_420, %parallel_loop3A_520 : i32
        %parallel_loop3A_522 = arith.constant 0 : i32
        %parallel_loop3A_523 = arith.index_cast %parallel_loop3A_522 : i32 to index
        %parallel_loop3A_524 = arith.index_cast %parallel_loop3A_521 : i32 to index
        %parallel_loop3A_525 = arith.constant 0 : index
        %parallel_loop3A_526 = tpu.vector_load %arg11[%parallel_loop3A_523, %parallel_loop3A_524, %parallel_loop3A_525] {strides = array<i32>} : memref<2x128x128xf32, #tpu.memory_space<vmem>>, vector<16xf32>,
        %parallel_loop3A_527 = arith.constant 0 : i32
        %parallel_loop3A_528 = arith.index_cast %parallel_loop3A_527 : i32 to index
        %parallel_loop3A_529 = arith.index_cast %parallel_loop3A_521 : i32 to index
        %parallel_loop3A_530 = arith.constant 0 : index
        %parallel_loop3A_531 = tpu.vector_load %arg12[%parallel_loop3A_528, %parallel_loop3A_529, %parallel_loop3A_530] {strides = array<i32>} : memref<2x128x128xf32, #tpu.memory_space<vmem>>, vector<16xf32>,
        %parallel_loop3A_532 = arith.mulf %parallel_loop3A_526, %parallel_loop3A_531 : vector<16xf32>
        %parallel_loop3A_533 = arith.constant 0 : i32
        %parallel_loop3A_534 = arith.index_cast %parallel_loop3A_533 : i32 to index
        %parallel_loop3A_535 = arith.index_cast %parallel_loop3A_521 : i32 to index
        %parallel_loop3A_536 = arith.constant 16 : index
        %parallel_loop3A_537 = tpu.vector_load %arg11[%parallel_loop3A_534, %parallel_loop3A_535, %parallel_loop3A_536] {strides = array<i32>} : memref<2x128x128xf32, #tpu.memory_space<vmem>>, vector<16xf32>,
        %parallel_loop3A_538 = arith.constant 0 : i32
        %parallel_loop3A_539 = arith.index_cast %parallel_loop3A_538 : i32 to index
        %parallel_loop3A_540 = arith.index_cast %parallel_loop3A_521 : i32 to index
        %parallel_loop3A_541 = arith.constant 16 : index
        %parallel_loop3A_542 = tpu.vector_load %arg12[%parallel_loop3A_539, %parallel_loop3A_540, %parallel_loop3A_541] {strides = array<i32>} : memref<2x128x128xf32, #tpu.memory_space<vmem>>, vector<16xf32>,
        %parallel_loop3A_543 = arith.mulf %parallel_loop3A_537, %parallel_loop3A_542 : vector<16xf32>
        %parallel_loop3A_544 = arith.constant 0 : i32
        %parallel_loop3A_545 = arith.index_cast %parallel_loop3A_544 : i32 to index
        %parallel_loop3A_546 = arith.index_cast %parallel_loop3A_521 : i32 to index
        %parallel_loop3A_547 = arith.constant 32 : index
        %parallel_loop3A_548 = tpu.vector_load %arg11[%parallel_loop3A_545, %parallel_loop3A_546, %parallel_loop3A_547] {strides = array<i32>} : memref<2x128x128xf32, #tpu.memory_space<vmem>>, vector<16xf32>,
        %parallel_loop3A_549 = arith.constant 0 : i32
        %parallel_loop3A_550 = arith.index_cast %parallel_loop3A_549 : i32 to index
        %parallel_loop3A_551 = arith.index_cast %parallel_loop3A_521 : i32 to index
        %parallel_loop3A_552 = arith.constant 32 : index
        %parallel_loop3A_553 = tpu.vector_load %arg12[%parallel_loop3A_550, %parallel_loop3A_551, %parallel_loop3A_552] {strides = array<i32>} : memref<2x128x128xf32, #tpu.memory_space<vmem>>, vector<16xf32>,
        %parallel_loop3A_554 = arith.mulf %parallel_loop3A_548, %parallel_loop3A_553 : vector<16xf32>
        %parallel_loop3A_555 = arith.addf %parallel_loop3A_532, %parallel_loop3A_554 : vector<16xf32>
        %parallel_loop3A_556 = arith.constant 0 : i32
        %parallel_loop3A_557 = arith.index_cast %parallel_loop3A_556 : i32 to index
        %parallel_loop3A_558 = arith.index_cast %parallel_loop3A_521 : i32 to index
        %parallel_loop3A_559 = arith.constant 48 : index
        %parallel_loop3A_560 = tpu.vector_load %arg11[%parallel_loop3A_557, %parallel_loop3A_558, %parallel_loop3A_559] {strides = array<i32>} : memref<2x128x128xf32, #tpu.memory_space<vmem>>, vector<16xf32>,
        %parallel_loop3A_561 = arith.constant 0 : i32
        %parallel_loop3A_562 = arith.index_cast %parallel_loop3A_561 : i32 to index
        %parallel_loop3A_563 = arith.index_cast %parallel_loop3A_521 : i32 to index
        %parallel_loop3A_564 = arith.constant 48 : index
        %parallel_loop3A_565 = tpu.vector_load %arg12[%parallel_loop3A_562, %parallel_loop3A_563, %parallel_loop3A_564] {strides = array<i32>} : memref<2x128x128xf32, #tpu.memory_space<vmem>>, vector<16xf32>,
        %parallel_loop3A_566 = arith.mulf %parallel_loop3A_560, %parallel_loop3A_565 : vector<16xf32>
        %parallel_loop3A_567 = arith.addf %parallel_loop3A_543, %parallel_loop3A_566 : vector<16xf32>
        %parallel_loop3A_568 = arith.constant 0 : i32
        %parallel_loop3A_569 = arith.index_cast %parallel_loop3A_568 : i32 to index
        %parallel_loop3A_570 = arith.index_cast %parallel_loop3A_521 : i32 to index
        %parallel_loop3A_571 = arith.constant 64 : index
        %parallel_loop3A_572 = tpu.vector_load %arg11[%parallel_loop3A_569, %parallel_loop3A_570, %parallel_loop3A_571] {strides = array<i32>} : memref<2x128x128xf32, #tpu.memory_space<vmem>>, vector<16xf32>,
        %parallel_loop3A_573 = arith.constant 0 : i32
        %parallel_loop3A_574 = arith.index_cast %parallel_loop3A_573 : i32 to index
        %parallel_loop3A_575 = arith.index_cast %parallel_loop3A_521 : i32 to index
        %parallel_loop3A_576 = arith.constant 64 : index
        %parallel_loop3A_577 = tpu.vector_load %arg12[%parallel_loop3A_574, %parallel_loop3A_575, %parallel_loop3A_576] {strides = array<i32>} : memref<2x128x128xf32, #tpu.memory_space<vmem>>, vector<16xf32>,
        %parallel_loop3A_578 = arith.mulf %parallel_loop3A_572, %parallel_loop3A_577 : vector<16xf32>
        %parallel_loop3A_579 = arith.addf %parallel_loop3A_555, %parallel_loop3A_578 : vector<16xf32>
        %parallel_loop3A_580 = arith.constant 0 : i32
        %parallel_loop3A_581 = arith.index_cast %parallel_loop3A_580 : i32 to index
        %parallel_loop3A_582 = arith.index_cast %parallel_loop3A_521 : i32 to index
        %parallel_loop3A_583 = arith.constant 80 : index
        %parallel_loop3A_584 = tpu.vector_load %arg11[%parallel_loop3A_581, %parallel_loop3A_582, %parallel_loop3A_583] {strides = array<i32>} : memref<2x128x128xf32, #tpu.memory_space<vmem>>, vector<16xf32>,
        %parallel_loop3A_585 = arith.constant 0 : i32
        %parallel_loop3A_586 = arith.index_cast %parallel_loop3A_585 : i32 to index
        %parallel_loop3A_587 = arith.index_cast %parallel_loop3A_521 : i32 to index
        %parallel_loop3A_588 = arith.constant 80 : index
        %parallel_loop3A_589 = tpu.vector_load %arg12[%parallel_loop3A_586, %parallel_loop3A_587, %parallel_loop3A_588] {strides = array<i32>} : memref<2x128x128xf32, #tpu.memory_space<vmem>>, vector<16xf32>,
        %parallel_loop3A_590 = arith.mulf %parallel_loop3A_584, %parallel_loop3A_589 : vector<16xf32>
        %parallel_loop3A_591 = arith.addf %parallel_loop3A_567, %parallel_loop3A_590 : vector<16xf32>
        %parallel_loop3A_592 = arith.constant 0 : i32
        %parallel_loop3A_593 = arith.index_cast %parallel_loop3A_592 : i32 to index
        %parallel_loop3A_594 = arith.index_cast %parallel_loop3A_521 : i32 to index
        %parallel_loop3A_595 = arith.constant 96 : index
        %parallel_loop3A_596 = tpu.vector_load %arg11[%parallel_loop3A_593, %parallel_loop3A_594, %parallel_loop3A_595] {strides = array<i32>} : memref<2x128x128xf32, #tpu.memory_space<vmem>>, vector<16xf32>,
        %parallel_loop3A_597 = arith.constant 0 : i32
        %parallel_loop3A_598 = arith.index_cast %parallel_loop3A_597 : i32 to index
        %parallel_loop3A_599 = arith.index_cast %parallel_loop3A_521 : i32 to index
        %parallel_loop3A_600 = arith.constant 96 : index
        %parallel_loop3A_601 = tpu.vector_load %arg12[%parallel_loop3A_598, %parallel_loop3A_599, %parallel_loop3A_600] {strides = array<i32>} : memref<2x128x128xf32, #tpu.memory_space<vmem>>, vector<16xf32>,
        %parallel_loop3A_602 = arith.mulf %parallel_loop3A_596, %parallel_loop3A_601 : vector<16xf32>
        %parallel_loop3A_603 = arith.addf %parallel_loop3A_579, %parallel_loop3A_602 : vector<16xf32>
        %parallel_loop3A_604 = arith.constant 0 : i32
        %parallel_loop3A_605 = arith.index_cast %parallel_loop3A_604 : i32 to index
        %parallel_loop3A_606 = arith.index_cast %parallel_loop3A_521 : i32 to index
        %parallel_loop3A_607 = arith.constant 112 : index
        %parallel_loop3A_608 = tpu.vector_load %arg11[%parallel_loop3A_605, %parallel_loop3A_606, %parallel_loop3A_607] {strides = array<i32>} : memref<2x128x128xf32, #tpu.memory_space<vmem>>, vector<16xf32>,
        %parallel_loop3A_609 = arith.constant 0 : i32
        %parallel_loop3A_610 = arith.index_cast %parallel_loop3A_609 : i32 to index
        %parallel_loop3A_611 = arith.index_cast %parallel_loop3A_521 : i32 to index
        %parallel_loop3A_612 = arith.constant 112 : index
        %parallel_loop3A_613 = tpu.vector_load %arg12[%parallel_loop3A_610, %parallel_loop3A_611, %parallel_loop3A_612] {strides = array<i32>} : memref<2x128x128xf32, #tpu.memory_space<vmem>>, vector<16xf32>,
        %parallel_loop3A_614 = arith.mulf %parallel_loop3A_608, %parallel_loop3A_613 : vector<16xf32>
        %parallel_loop3A_615 = arith.addf %parallel_loop3A_591, %parallel_loop3A_614 : vector<16xf32>
        %parallel_loop3A_616 = arith.addf %parallel_loop3A_603, %parallel_loop3A_615 : vector<16xf32>
        %parallel_loop3A_617 = arith.constant true
        %parallel_loop3A_618 = vector.broadcast %parallel_loop3A_617 : i1 to vector<16xi1>
        %parallel_loop3A_619 = tpu.scan <sum>, %parallel_loop3A_616 masked %parallel_loop3A_618 : vector<16xf32>, vector<16xi1> -> vector<16xf32>
        %parallel_loop3A_620 = vector.extract %parallel_loop3A_619[15] : f32 from vector<16xf32>
        %parallel_loop3A_621 = arith.constant 2 : i32
        %parallel_loop3A_622 = arith.muli %parallel_loop3A_621, %scan3A : i32
        %parallel_loop3A_623 = vector.broadcast %parallel_loop3A_622 : i32 to vector<16xi32>
        %parallel_loop3A_624 = arith.cmpi eq, %iota3A, %parallel_loop3A_623 : vector<16xi32>
        %parallel_loop3A_625 = vector.broadcast %parallel_loop3A_519 : f32 to vector<16xf32>
        %parallel_loop3A_626 = arith.select %parallel_loop3A_624, %parallel_loop3A_625, %scan3A_415 : vector<16xi1>, vector<16xf32>
        %parallel_loop3A_627 = arith.constant 2 : i32
        %parallel_loop3A_628 = arith.muli %parallel_loop3A_627, %scan3A : i32
        %parallel_loop3A_629 = arith.constant 1 : i32
        %parallel_loop3A_630 = arith.addi %parallel_loop3A_628, %parallel_loop3A_629 : i32
        %parallel_loop3A_631 = vector.broadcast %parallel_loop3A_630 : i32 to vector<16xi32>
        %parallel_loop3A_632 = arith.cmpi eq, %iota3A, %parallel_loop3A_631 : vector<16xi32>
        %parallel_loop3A_633 = vector.broadcast %parallel_loop3A_620 : f32 to vector<16xf32>
        %parallel_loop3A_634 = arith.select %parallel_loop3A_632, %parallel_loop3A_633, %parallel_loop3A_626 : vector<16xi1>, vector<16xf32>
        scf.yield %parallel_loop3A_634 : vector<16xf32>
      }
      %parallel_loop3A_388 = arith.constant 8 : i32
      %parallel_loop3A_389 = arith.constant 16 : i32
      %parallel_loop3A_390 = arith.muli %parallel_loop3A_380, %parallel_loop3A_389 : i32
      %parallel_loop3A_391 = arith.constant 0 : i32
      %parallel_loop3A_392 = arith.index_cast %parallel_loop3A_391 : i32 to index
      %parallel_loop3A_393 = arith.index_cast %parallel_loop3A_390 : i32 to index
      %parallel_loop3A_394 = tpu.vector_load %arg13[%parallel_loop3A_392, %parallel_loop3A_393] {strides = array<i32>} : memref<2x128xf32, #tpu.memory_space<vmem>>, vector<16xf32>,
      %parallel_loop3A_395 = arith.addf %parallel_loop3A_387, %parallel_loop3A_394 : vector<16xf32>
      %parallel_loop3A_396 = arith.constant 0 : i32
      %parallel_loop3A_397 = arith.index_cast %parallel_loop3A_396 : i32 to index
      %parallel_loop3A_398 = arith.index_cast %parallel_loop3A_390 : i32 to index
      %parallel_loop3A_399 = tpu.vector_load %arg14[%parallel_loop3A_397, %parallel_loop3A_398] {strides = array<i32>} : memref<2x128xf32, #tpu.memory_space<vmem>>, vector<16xf32>,
      %parallel_loop3A_400 = arith.addf %parallel_loop3A_395, %parallel_loop3A_399 : vector<16xf32>
      %parallel_loop3A_401 = arith.constant 0.000000e+00 : f32
      %parallel_loop3A_402 = vector.broadcast %parallel_loop3A_401 : f32 to vector<16xf32>
      %parallel_loop3A_403 = arith.subf %parallel_loop3A_402, %parallel_loop3A_400 : vector<16xf32>
      %parallel_loop3A_404 = math.exp %parallel_loop3A_403 : vector<16xf32>
      %parallel_loop3A_405 = arith.constant 1.000000e+00 : f32
      %parallel_loop3A_406 = vector.broadcast %parallel_loop3A_405 : f32 to vector<16xf32>
      %parallel_loop3A_407 = arith.addf %parallel_loop3A_406, %parallel_loop3A_404 : vector<16xf32>
      %parallel_loop3A_408 = arith.constant 1.000000e+00 : f32
      %parallel_loop3A_409 = vector.broadcast %parallel_loop3A_408 : f32 to vector<16xf32>
      %parallel_loop3A_410 = arith.divf %parallel_loop3A_409, %parallel_loop3A_407 : vector<16xf32>
      %parallel_loop3A_411 = arith.constant 2 : i32
      %parallel_loop3A_412 = arith.index_cast %parallel_loop3A_411 : i32 to index
      %parallel_loop3A_413 = arith.index_cast %parallel_loop3A_390 : i32 to index
      %parallel_loop3A_414 = tpu.vector_load %arg15[%parallel_loop3A_412, %parallel_loop3A_413] {strides = array<i32>} : memref<4x128xf32, #tpu.memory_space<vmem>>, vector<16xf32>,
      tpu.vector_store %arg15[%parallel_loop3A_412, %parallel_loop3A_413], %parallel_loop3A_410 {strides = array<i32>} : memref<4x128xf32, #tpu.memory_space<vmem>>, vector<16xf32>,
    } {sc.loop_unroll_factor = 1 : i64, sc.parallel_access}
    %add3A_283 = arith.constant 256 : i32
    %add3A_284 = arith.addi %mul3A_2, %add3A_283 : i32
    %dma_start3A_285 = arith.constant 2 : i32
    %dma_start3A_286 = arith.constant 0 : i32
    %dma_start3A_287 = tpu.memref_slice %arg15[%dma_start3A_285, %dma_start3A_286] : memref<4x128xf32, #tpu.memory_space<vmem>> -> memref<1x128xf32, #tpu.memory_space<vmem>>
    %dma_start3A_288 = tpu.memref_squeeze %dma_start3A_287 : memref<1x128xf32, #tpu.memory_space<vmem>> -> memref<128xf32, #tpu.memory_space<vmem>>
    %dma_start3A_289 = tpu.memref_slice %arg8[%add3A_284] : memref<16384xf32, #tpu.memory_space<hbm>> -> memref<128xf32, #tpu.memory_space<hbm>>
    %dma_start3A_290 = tpu.memref_slice %arg8[%add3A_284] : memref<16384xf32, #tpu.memory_space<hbm>> -> memref<128xf32, #tpu.memory_space<hbm>>
    %dma_start3A_291 = arith.constant 0 : i32
    %dma_start3A_292 = tpu.memref_slice %arg15[%dma_start3A_285, %dma_start3A_291] : memref<4x128xf32, #tpu.memory_space<vmem>> -> memref<1x128xf32, #tpu.memory_space<vmem>>
    %dma_start3A_293 = tpu.memref_squeeze %dma_start3A_292 : memref<1x128xf32, #tpu.memory_space<vmem>> -> memref<128xf32, #tpu.memory_space<vmem>>
    tpu.enqueue_dma source(%dma_start3A_293 : memref<128xf32, #tpu.memory_space<vmem>>) target(%dma_start3A_290 : memref<128xf32, #tpu.memory_space<hbm>>) target_semaphore(%arg18 : memref<!tpu.dma_semaphore, #tpu.memory_space<semaphore_mem>>)
    %dma_wait3A_294 = arith.constant 1 : i32
    %dma_wait3A_295 = arith.constant 0 : i32
    %dma_wait3A_296 = arith.constant 0 : i32
    %dma_wait3A_297 = tpu.memref_slice %arg11[%dma_wait3A_294, %dma_wait3A_295, %dma_wait3A_296] : memref<2x128x128xf32, #tpu.memory_space<vmem>> -> memref<1x128x128xf32, #tpu.memory_space<vmem>>
    %dma_wait3A_298 = tpu.memref_squeeze %dma_wait3A_297 : memref<1x128x128xf32, #tpu.memory_space<vmem>> -> memref<128x128xf32, #tpu.memory_space<vmem>>
    %dma_wait3A_299 = arith.constant 384 : i32
    %dma_wait3A_300 = tpu.memref_slice %arg9[%dma_wait3A_299] : memref<512xi32, #tpu.memory_space<vmem>> -> memref<128xi32, #tpu.memory_space<vmem>>
    %dma_wait3A_301 = arith.constant 0 : i32
    %dma_wait3A_302 = arith.constant 0 : i32
    %dma_wait3A_303 = tpu.memref_slice %arg4[%dma_wait3A_301, %dma_wait3A_302] : memref<1000000x128xf32, #tpu.memory_space<hbm>> -> memref<1000000x128xf32, #tpu.memory_space<hbm>>
    tpu.wait_indirect_dma semaphore(%arg17 : memref<!tpu.dma_semaphore, #tpu.memory_space<semaphore_mem>>) src(%dma_wait3A_303 : memref<1000000x128xf32, #tpu.memory_space<hbm>>) dst(%dma_wait3A_298 : memref<128x128xf32, #tpu.memory_space<vmem>>)
    %dma_wait3A_304 = arith.constant 1 : i32
    %dma_wait3A_305 = arith.constant 0 : i32
    %dma_wait3A_306 = arith.constant 0 : i32
    %dma_wait3A_307 = tpu.memref_slice %arg12[%dma_wait3A_304, %dma_wait3A_305, %dma_wait3A_306] : memref<2x128x128xf32, #tpu.memory_space<vmem>> -> memref<1x128x128xf32, #tpu.memory_space<vmem>>
    %dma_wait3A_308 = tpu.memref_squeeze %dma_wait3A_307 : memref<1x128x128xf32, #tpu.memory_space<vmem>> -> memref<128x128xf32, #tpu.memory_space<vmem>>
    %dma_wait3A_309 = arith.constant 384 : i32
    %dma_wait3A_310 = tpu.memref_slice %arg10[%dma_wait3A_309] : memref<512xi32, #tpu.memory_space<vmem>> -> memref<128xi32, #tpu.memory_space<vmem>>
    %dma_wait3A_311 = arith.constant 0 : i32
    %dma_wait3A_312 = arith.constant 0 : i32
    %dma_wait3A_313 = tpu.memref_slice %arg5[%dma_wait3A_311, %dma_wait3A_312] : memref<100000x128xf32, #tpu.memory_space<hbm>> -> memref<100000x128xf32, #tpu.memory_space<hbm>>
    tpu.wait_indirect_dma semaphore(%arg17 : memref<!tpu.dma_semaphore, #tpu.memory_space<semaphore_mem>>) src(%dma_wait3A_313 : memref<100000x128xf32, #tpu.memory_space<hbm>>) dst(%dma_wait3A_308 : memref<128x128xf32, #tpu.memory_space<vmem>>)
    %dma_wait3A_314 = arith.constant 1 : i32
    %dma_wait3A_315 = arith.constant 0 : i32
    %dma_wait3A_316 = tpu.memref_slice %arg13[%dma_wait3A_314, %dma_wait3A_315] : memref<2x128xf32, #tpu.memory_space<vmem>> -> memref<1x128xf32, #tpu.memory_space<vmem>>
    %dma_wait3A_317 = tpu.memref_squeeze %dma_wait3A_316 : memref<1x128xf32, #tpu.memory_space<vmem>> -> memref<128xf32, #tpu.memory_space<vmem>>
    %dma_wait3A_318 = arith.constant 384 : i32
    %dma_wait3A_319 = tpu.memref_slice %arg9[%dma_wait3A_318] : memref<512xi32, #tpu.memory_space<vmem>> -> memref<128xi32, #tpu.memory_space<vmem>>
    %dma_wait3A_320 = arith.constant 0 : i32
    %dma_wait3A_321 = tpu.memref_slice %arg6[%dma_wait3A_320] : memref<1000448xf32, #tpu.memory_space<hbm>> -> memref<1000448xf32, #tpu.memory_space<hbm>>
    tpu.wait_indirect_dma semaphore(%arg17 : memref<!tpu.dma_semaphore, #tpu.memory_space<semaphore_mem>>) src(%dma_wait3A_321 : memref<1000448xf32, #tpu.memory_space<hbm>>) dst(%dma_wait3A_317 : memref<128xf32, #tpu.memory_space<vmem>>)
    %dma_wait3A_322 = arith.constant 1 : i32
    %dma_wait3A_323 = arith.constant 0 : i32
    %dma_wait3A_324 = tpu.memref_slice %arg14[%dma_wait3A_322, %dma_wait3A_323] : memref<2x128xf32, #tpu.memory_space<vmem>> -> memref<1x128xf32, #tpu.memory_space<vmem>>
    %dma_wait3A_325 = tpu.memref_squeeze %dma_wait3A_324 : memref<1x128xf32, #tpu.memory_space<vmem>> -> memref<128xf32, #tpu.memory_space<vmem>>
    %dma_wait3A_326 = arith.constant 384 : i32
    %dma_wait3A_327 = tpu.memref_slice %arg10[%dma_wait3A_326] : memref<512xi32, #tpu.memory_space<vmem>> -> memref<128xi32, #tpu.memory_space<vmem>>
    %dma_wait3A_328 = arith.constant 0 : i32
    %dma_wait3A_329 = tpu.memref_slice %arg7[%dma_wait3A_328] : memref<100352xf32, #tpu.memory_space<hbm>> -> memref<100352xf32, #tpu.memory_space<hbm>>
    tpu.wait_indirect_dma semaphore(%arg17 : memref<!tpu.dma_semaphore, #tpu.memory_space<semaphore_mem>>) src(%dma_wait3A_329 : memref<100352xf32, #tpu.memory_space<hbm>>) dst(%dma_wait3A_325 : memref<128xf32, #tpu.memory_space<vmem>>)
    %parallel_loop3A_330 = arith.constant 0 : i32
    %parallel_loop3A_331 = arith.constant 8 : i32
    %parallel_loop3A_332 = arith.constant 1 : i32
    scf.for %parallel_loop3A_380 = %parallel_loop3A_330 to %parallel_loop3A_331 step %parallel_loop3A_332  : i32 {
      %parallel_loop3A_381 = arith.constant 0.000000e+00 : f32
      %parallel_loop3A_382 = vector.broadcast %parallel_loop3A_381 : f32 to vector<16xf32>
      %parallel_loop3A_383 = arith.constant 0 : i32
      %parallel_loop3A_384 = arith.constant 8 : i32
      %parallel_loop3A_385 = arith.addi %parallel_loop3A_383, %parallel_loop3A_384 : i32
      %parallel_loop3A_386 = arith.constant 1 : i32
      %parallel_loop3A_387 = scf.for %scan3A = %parallel_loop3A_383 to %parallel_loop3A_385 step %parallel_loop3A_386 iter_args(%scan3A_415 = %parallel_loop3A_382) -> (vector<16xf32>)  : i32 {
        %parallel_loop3A_416 = arith.constant 16 : i32
        %parallel_loop3A_417 = arith.muli %parallel_loop3A_380, %parallel_loop3A_416 : i32
        %parallel_loop3A_418 = arith.constant 2 : i32
        %parallel_loop3A_419 = arith.muli %parallel_loop3A_418, %scan3A : i32
        %parallel_loop3A_420 = arith.addi %parallel_loop3A_417, %parallel_loop3A_419 : i32
        %parallel_loop3A_421 = arith.constant 1 : i32
        %parallel_loop3A_422 = arith.index_cast %parallel_loop3A_421 : i32 to index
        %parallel_loop3A_423 = arith.index_cast %parallel_loop3A_420 : i32 to index
        %parallel_loop3A_424 = arith.constant 0 : index
        %parallel_loop3A_425 = tpu.vector_load %arg11[%parallel_loop3A_422, %parallel_loop3A_423, %parallel_loop3A_424] {strides = array<i32>} : memref<2x128x128xf32, #tpu.memory_space<vmem>>, vector<16xf32>,
        %parallel_loop3A_426 = arith.constant 1 : i32
        %parallel_loop3A_427 = arith.index_cast %parallel_loop3A_426 : i32 to index
        %parallel_loop3A_428 = arith.index_cast %parallel_loop3A_420 : i32 to index
        %parallel_loop3A_429 = arith.constant 0 : index
        %parallel_loop3A_430 = tpu.vector_load %arg12[%parallel_loop3A_427, %parallel_loop3A_428, %parallel_loop3A_429] {strides = array<i32>} : memref<2x128x128xf32, #tpu.memory_space<vmem>>, vector<16xf32>,
        %parallel_loop3A_431 = arith.mulf %parallel_loop3A_425, %parallel_loop3A_430 : vector<16xf32>
        %parallel_loop3A_432 = arith.constant 1 : i32
        %parallel_loop3A_433 = arith.index_cast %parallel_loop3A_432 : i32 to index
        %parallel_loop3A_434 = arith.index_cast %parallel_loop3A_420 : i32 to index
        %parallel_loop3A_435 = arith.constant 16 : index
        %parallel_loop3A_436 = tpu.vector_load %arg11[%parallel_loop3A_433, %parallel_loop3A_434, %parallel_loop3A_435] {strides = array<i32>} : memref<2x128x128xf32, #tpu.memory_space<vmem>>, vector<16xf32>,
        %parallel_loop3A_437 = arith.constant 1 : i32
        %parallel_loop3A_438 = arith.index_cast %parallel_loop3A_437 : i32 to index
        %parallel_loop3A_439 = arith.index_cast %parallel_loop3A_420 : i32 to index
        %parallel_loop3A_440 = arith.constant 16 : index
        %parallel_loop3A_441 = tpu.vector_load %arg12[%parallel_loop3A_438, %parallel_loop3A_439, %parallel_loop3A_440] {strides = array<i32>} : memref<2x128x128xf32, #tpu.memory_space<vmem>>, vector<16xf32>,
        %parallel_loop3A_442 = arith.mulf %parallel_loop3A_436, %parallel_loop3A_441 : vector<16xf32>
        %parallel_loop3A_443 = arith.constant 1 : i32
        %parallel_loop3A_444 = arith.index_cast %parallel_loop3A_443 : i32 to index
        %parallel_loop3A_445 = arith.index_cast %parallel_loop3A_420 : i32 to index
        %parallel_loop3A_446 = arith.constant 32 : index
        %parallel_loop3A_447 = tpu.vector_load %arg11[%parallel_loop3A_444, %parallel_loop3A_445, %parallel_loop3A_446] {strides = array<i32>} : memref<2x128x128xf32, #tpu.memory_space<vmem>>, vector<16xf32>,
        %parallel_loop3A_448 = arith.constant 1 : i32
        %parallel_loop3A_449 = arith.index_cast %parallel_loop3A_448 : i32 to index
        %parallel_loop3A_450 = arith.index_cast %parallel_loop3A_420 : i32 to index
        %parallel_loop3A_451 = arith.constant 32 : index
        %parallel_loop3A_452 = tpu.vector_load %arg12[%parallel_loop3A_449, %parallel_loop3A_450, %parallel_loop3A_451] {strides = array<i32>} : memref<2x128x128xf32, #tpu.memory_space<vmem>>, vector<16xf32>,
        %parallel_loop3A_453 = arith.mulf %parallel_loop3A_447, %parallel_loop3A_452 : vector<16xf32>
        %parallel_loop3A_454 = arith.addf %parallel_loop3A_431, %parallel_loop3A_453 : vector<16xf32>
        %parallel_loop3A_455 = arith.constant 1 : i32
        %parallel_loop3A_456 = arith.index_cast %parallel_loop3A_455 : i32 to index
        %parallel_loop3A_457 = arith.index_cast %parallel_loop3A_420 : i32 to index
        %parallel_loop3A_458 = arith.constant 48 : index
        %parallel_loop3A_459 = tpu.vector_load %arg11[%parallel_loop3A_456, %parallel_loop3A_457, %parallel_loop3A_458] {strides = array<i32>} : memref<2x128x128xf32, #tpu.memory_space<vmem>>, vector<16xf32>,
        %parallel_loop3A_460 = arith.constant 1 : i32
        %parallel_loop3A_461 = arith.index_cast %parallel_loop3A_460 : i32 to index
        %parallel_loop3A_462 = arith.index_cast %parallel_loop3A_420 : i32 to index
        %parallel_loop3A_463 = arith.constant 48 : index
        %parallel_loop3A_464 = tpu.vector_load %arg12[%parallel_loop3A_461, %parallel_loop3A_462, %parallel_loop3A_463] {strides = array<i32>} : memref<2x128x128xf32, #tpu.memory_space<vmem>>, vector<16xf32>,
        %parallel_loop3A_465 = arith.mulf %parallel_loop3A_459, %parallel_loop3A_464 : vector<16xf32>
        %parallel_loop3A_466 = arith.addf %parallel_loop3A_442, %parallel_loop3A_465 : vector<16xf32>
        %parallel_loop3A_467 = arith.constant 1 : i32
        %parallel_loop3A_468 = arith.index_cast %parallel_loop3A_467 : i32 to index
        %parallel_loop3A_469 = arith.index_cast %parallel_loop3A_420 : i32 to index
        %parallel_loop3A_470 = arith.constant 64 : index
        %parallel_loop3A_471 = tpu.vector_load %arg11[%parallel_loop3A_468, %parallel_loop3A_469, %parallel_loop3A_470] {strides = array<i32>} : memref<2x128x128xf32, #tpu.memory_space<vmem>>, vector<16xf32>,
        %parallel_loop3A_472 = arith.constant 1 : i32
        %parallel_loop3A_473 = arith.index_cast %parallel_loop3A_472 : i32 to index
        %parallel_loop3A_474 = arith.index_cast %parallel_loop3A_420 : i32 to index
        %parallel_loop3A_475 = arith.constant 64 : index
        %parallel_loop3A_476 = tpu.vector_load %arg12[%parallel_loop3A_473, %parallel_loop3A_474, %parallel_loop3A_475] {strides = array<i32>} : memref<2x128x128xf32, #tpu.memory_space<vmem>>, vector<16xf32>,
        %parallel_loop3A_477 = arith.mulf %parallel_loop3A_471, %parallel_loop3A_476 : vector<16xf32>
        %parallel_loop3A_478 = arith.addf %parallel_loop3A_454, %parallel_loop3A_477 : vector<16xf32>
        %parallel_loop3A_479 = arith.constant 1 : i32
        %parallel_loop3A_480 = arith.index_cast %parallel_loop3A_479 : i32 to index
        %parallel_loop3A_481 = arith.index_cast %parallel_loop3A_420 : i32 to index
        %parallel_loop3A_482 = arith.constant 80 : index
        %parallel_loop3A_483 = tpu.vector_load %arg11[%parallel_loop3A_480, %parallel_loop3A_481, %parallel_loop3A_482] {strides = array<i32>} : memref<2x128x128xf32, #tpu.memory_space<vmem>>, vector<16xf32>,
        %parallel_loop3A_484 = arith.constant 1 : i32
        %parallel_loop3A_485 = arith.index_cast %parallel_loop3A_484 : i32 to index
        %parallel_loop3A_486 = arith.index_cast %parallel_loop3A_420 : i32 to index
        %parallel_loop3A_487 = arith.constant 80 : index
        %parallel_loop3A_488 = tpu.vector_load %arg12[%parallel_loop3A_485, %parallel_loop3A_486, %parallel_loop3A_487] {strides = array<i32>} : memref<2x128x128xf32, #tpu.memory_space<vmem>>, vector<16xf32>,
        %parallel_loop3A_489 = arith.mulf %parallel_loop3A_483, %parallel_loop3A_488 : vector<16xf32>
        %parallel_loop3A_490 = arith.addf %parallel_loop3A_466, %parallel_loop3A_489 : vector<16xf32>
        %parallel_loop3A_491 = arith.constant 1 : i32
        %parallel_loop3A_492 = arith.index_cast %parallel_loop3A_491 : i32 to index
        %parallel_loop3A_493 = arith.index_cast %parallel_loop3A_420 : i32 to index
        %parallel_loop3A_494 = arith.constant 96 : index
        %parallel_loop3A_495 = tpu.vector_load %arg11[%parallel_loop3A_492, %parallel_loop3A_493, %parallel_loop3A_494] {strides = array<i32>} : memref<2x128x128xf32, #tpu.memory_space<vmem>>, vector<16xf32>,
        %parallel_loop3A_496 = arith.constant 1 : i32
        %parallel_loop3A_497 = arith.index_cast %parallel_loop3A_496 : i32 to index
        %parallel_loop3A_498 = arith.index_cast %parallel_loop3A_420 : i32 to index
        %parallel_loop3A_499 = arith.constant 96 : index
        %parallel_loop3A_500 = tpu.vector_load %arg12[%parallel_loop3A_497, %parallel_loop3A_498, %parallel_loop3A_499] {strides = array<i32>} : memref<2x128x128xf32, #tpu.memory_space<vmem>>, vector<16xf32>,
        %parallel_loop3A_501 = arith.mulf %parallel_loop3A_495, %parallel_loop3A_500 : vector<16xf32>
        %parallel_loop3A_502 = arith.addf %parallel_loop3A_478, %parallel_loop3A_501 : vector<16xf32>
        %parallel_loop3A_503 = arith.constant 1 : i32
        %parallel_loop3A_504 = arith.index_cast %parallel_loop3A_503 : i32 to index
        %parallel_loop3A_505 = arith.index_cast %parallel_loop3A_420 : i32 to index
        %parallel_loop3A_506 = arith.constant 112 : index
        %parallel_loop3A_507 = tpu.vector_load %arg11[%parallel_loop3A_504, %parallel_loop3A_505, %parallel_loop3A_506] {strides = array<i32>} : memref<2x128x128xf32, #tpu.memory_space<vmem>>, vector<16xf32>,
        %parallel_loop3A_508 = arith.constant 1 : i32
        %parallel_loop3A_509 = arith.index_cast %parallel_loop3A_508 : i32 to index
        %parallel_loop3A_510 = arith.index_cast %parallel_loop3A_420 : i32 to index
        %parallel_loop3A_511 = arith.constant 112 : index
        %parallel_loop3A_512 = tpu.vector_load %arg12[%parallel_loop3A_509, %parallel_loop3A_510, %parallel_loop3A_511] {strides = array<i32>} : memref<2x128x128xf32, #tpu.memory_space<vmem>>, vector<16xf32>,
        %parallel_loop3A_513 = arith.mulf %parallel_loop3A_507, %parallel_loop3A_512 : vector<16xf32>
        %parallel_loop3A_514 = arith.addf %parallel_loop3A_490, %parallel_loop3A_513 : vector<16xf32>
        %parallel_loop3A_515 = arith.addf %parallel_loop3A_502, %parallel_loop3A_514 : vector<16xf32>
        %parallel_loop3A_516 = arith.constant true
        %parallel_loop3A_517 = vector.broadcast %parallel_loop3A_516 : i1 to vector<16xi1>
        %parallel_loop3A_518 = tpu.scan <sum>, %parallel_loop3A_515 masked %parallel_loop3A_517 : vector<16xf32>, vector<16xi1> -> vector<16xf32>
        %parallel_loop3A_519 = vector.extract %parallel_loop3A_518[15] : f32 from vector<16xf32>
        %parallel_loop3A_520 = arith.constant 1 : i32
        %parallel_loop3A_521 = arith.addi %parallel_loop3A_420, %parallel_loop3A_520 : i32
        %parallel_loop3A_522 = arith.constant 1 : i32
        %parallel_loop3A_523 = arith.index_cast %parallel_loop3A_522 : i32 to index
        %parallel_loop3A_524 = arith.index_cast %parallel_loop3A_521 : i32 to index
        %parallel_loop3A_525 = arith.constant 0 : index
        %parallel_loop3A_526 = tpu.vector_load %arg11[%parallel_loop3A_523, %parallel_loop3A_524, %parallel_loop3A_525] {strides = array<i32>} : memref<2x128x128xf32, #tpu.memory_space<vmem>>, vector<16xf32>,
        %parallel_loop3A_527 = arith.constant 1 : i32
        %parallel_loop3A_528 = arith.index_cast %parallel_loop3A_527 : i32 to index
        %parallel_loop3A_529 = arith.index_cast %parallel_loop3A_521 : i32 to index
        %parallel_loop3A_530 = arith.constant 0 : index
        %parallel_loop3A_531 = tpu.vector_load %arg12[%parallel_loop3A_528, %parallel_loop3A_529, %parallel_loop3A_530] {strides = array<i32>} : memref<2x128x128xf32, #tpu.memory_space<vmem>>, vector<16xf32>,
        %parallel_loop3A_532 = arith.mulf %parallel_loop3A_526, %parallel_loop3A_531 : vector<16xf32>
        %parallel_loop3A_533 = arith.constant 1 : i32
        %parallel_loop3A_534 = arith.index_cast %parallel_loop3A_533 : i32 to index
        %parallel_loop3A_535 = arith.index_cast %parallel_loop3A_521 : i32 to index
        %parallel_loop3A_536 = arith.constant 16 : index
        %parallel_loop3A_537 = tpu.vector_load %arg11[%parallel_loop3A_534, %parallel_loop3A_535, %parallel_loop3A_536] {strides = array<i32>} : memref<2x128x128xf32, #tpu.memory_space<vmem>>, vector<16xf32>,
        %parallel_loop3A_538 = arith.constant 1 : i32
        %parallel_loop3A_539 = arith.index_cast %parallel_loop3A_538 : i32 to index
        %parallel_loop3A_540 = arith.index_cast %parallel_loop3A_521 : i32 to index
        %parallel_loop3A_541 = arith.constant 16 : index
        %parallel_loop3A_542 = tpu.vector_load %arg12[%parallel_loop3A_539, %parallel_loop3A_540, %parallel_loop3A_541] {strides = array<i32>} : memref<2x128x128xf32, #tpu.memory_space<vmem>>, vector<16xf32>,
        %parallel_loop3A_543 = arith.mulf %parallel_loop3A_537, %parallel_loop3A_542 : vector<16xf32>
        %parallel_loop3A_544 = arith.constant 1 : i32
        %parallel_loop3A_545 = arith.index_cast %parallel_loop3A_544 : i32 to index
        %parallel_loop3A_546 = arith.index_cast %parallel_loop3A_521 : i32 to index
        %parallel_loop3A_547 = arith.constant 32 : index
        %parallel_loop3A_548 = tpu.vector_load %arg11[%parallel_loop3A_545, %parallel_loop3A_546, %parallel_loop3A_547] {strides = array<i32>} : memref<2x128x128xf32, #tpu.memory_space<vmem>>, vector<16xf32>,
        %parallel_loop3A_549 = arith.constant 1 : i32
        %parallel_loop3A_550 = arith.index_cast %parallel_loop3A_549 : i32 to index
        %parallel_loop3A_551 = arith.index_cast %parallel_loop3A_521 : i32 to index
        %parallel_loop3A_552 = arith.constant 32 : index
        %parallel_loop3A_553 = tpu.vector_load %arg12[%parallel_loop3A_550, %parallel_loop3A_551, %parallel_loop3A_552] {strides = array<i32>} : memref<2x128x128xf32, #tpu.memory_space<vmem>>, vector<16xf32>,
        %parallel_loop3A_554 = arith.mulf %parallel_loop3A_548, %parallel_loop3A_553 : vector<16xf32>
        %parallel_loop3A_555 = arith.addf %parallel_loop3A_532, %parallel_loop3A_554 : vector<16xf32>
        %parallel_loop3A_556 = arith.constant 1 : i32
        %parallel_loop3A_557 = arith.index_cast %parallel_loop3A_556 : i32 to index
        %parallel_loop3A_558 = arith.index_cast %parallel_loop3A_521 : i32 to index
        %parallel_loop3A_559 = arith.constant 48 : index
        %parallel_loop3A_560 = tpu.vector_load %arg11[%parallel_loop3A_557, %parallel_loop3A_558, %parallel_loop3A_559] {strides = array<i32>} : memref<2x128x128xf32, #tpu.memory_space<vmem>>, vector<16xf32>,
        %parallel_loop3A_561 = arith.constant 1 : i32
        %parallel_loop3A_562 = arith.index_cast %parallel_loop3A_561 : i32 to index
        %parallel_loop3A_563 = arith.index_cast %parallel_loop3A_521 : i32 to index
        %parallel_loop3A_564 = arith.constant 48 : index
        %parallel_loop3A_565 = tpu.vector_load %arg12[%parallel_loop3A_562, %parallel_loop3A_563, %parallel_loop3A_564] {strides = array<i32>} : memref<2x128x128xf32, #tpu.memory_space<vmem>>, vector<16xf32>,
        %parallel_loop3A_566 = arith.mulf %parallel_loop3A_560, %parallel_loop3A_565 : vector<16xf32>
        %parallel_loop3A_567 = arith.addf %parallel_loop3A_543, %parallel_loop3A_566 : vector<16xf32>
        %parallel_loop3A_568 = arith.constant 1 : i32
        %parallel_loop3A_569 = arith.index_cast %parallel_loop3A_568 : i32 to index
        %parallel_loop3A_570 = arith.index_cast %parallel_loop3A_521 : i32 to index
        %parallel_loop3A_571 = arith.constant 64 : index
        %parallel_loop3A_572 = tpu.vector_load %arg11[%parallel_loop3A_569, %parallel_loop3A_570, %parallel_loop3A_571] {strides = array<i32>} : memref<2x128x128xf32, #tpu.memory_space<vmem>>, vector<16xf32>,
        %parallel_loop3A_573 = arith.constant 1 : i32
        %parallel_loop3A_574 = arith.index_cast %parallel_loop3A_573 : i32 to index
        %parallel_loop3A_575 = arith.index_cast %parallel_loop3A_521 : i32 to index
        %parallel_loop3A_576 = arith.constant 64 : index
        %parallel_loop3A_577 = tpu.vector_load %arg12[%parallel_loop3A_574, %parallel_loop3A_575, %parallel_loop3A_576] {strides = array<i32>} : memref<2x128x128xf32, #tpu.memory_space<vmem>>, vector<16xf32>,
        %parallel_loop3A_578 = arith.mulf %parallel_loop3A_572, %parallel_loop3A_577 : vector<16xf32>
        %parallel_loop3A_579 = arith.addf %parallel_loop3A_555, %parallel_loop3A_578 : vector<16xf32>
        %parallel_loop3A_580 = arith.constant 1 : i32
        %parallel_loop3A_581 = arith.index_cast %parallel_loop3A_580 : i32 to index
        %parallel_loop3A_582 = arith.index_cast %parallel_loop3A_521 : i32 to index
        %parallel_loop3A_583 = arith.constant 80 : index
        %parallel_loop3A_584 = tpu.vector_load %arg11[%parallel_loop3A_581, %parallel_loop3A_582, %parallel_loop3A_583] {strides = array<i32>} : memref<2x128x128xf32, #tpu.memory_space<vmem>>, vector<16xf32>,
        %parallel_loop3A_585 = arith.constant 1 : i32
        %parallel_loop3A_586 = arith.index_cast %parallel_loop3A_585 : i32 to index
        %parallel_loop3A_587 = arith.index_cast %parallel_loop3A_521 : i32 to index
        %parallel_loop3A_588 = arith.constant 80 : index
        %parallel_loop3A_589 = tpu.vector_load %arg12[%parallel_loop3A_586, %parallel_loop3A_587, %parallel_loop3A_588] {strides = array<i32>} : memref<2x128x128xf32, #tpu.memory_space<vmem>>, vector<16xf32>,
        %parallel_loop3A_590 = arith.mulf %parallel_loop3A_584, %parallel_loop3A_589 : vector<16xf32>
        %parallel_loop3A_591 = arith.addf %parallel_loop3A_567, %parallel_loop3A_590 : vector<16xf32>
        %parallel_loop3A_592 = arith.constant 1 : i32
        %parallel_loop3A_593 = arith.index_cast %parallel_loop3A_592 : i32 to index
        %parallel_loop3A_594 = arith.index_cast %parallel_loop3A_521 : i32 to index
        %parallel_loop3A_595 = arith.constant 96 : index
        %parallel_loop3A_596 = tpu.vector_load %arg11[%parallel_loop3A_593, %parallel_loop3A_594, %parallel_loop3A_595] {strides = array<i32>} : memref<2x128x128xf32, #tpu.memory_space<vmem>>, vector<16xf32>,
        %parallel_loop3A_597 = arith.constant 1 : i32
        %parallel_loop3A_598 = arith.index_cast %parallel_loop3A_597 : i32 to index
        %parallel_loop3A_599 = arith.index_cast %parallel_loop3A_521 : i32 to index
        %parallel_loop3A_600 = arith.constant 96 : index
        %parallel_loop3A_601 = tpu.vector_load %arg12[%parallel_loop3A_598, %parallel_loop3A_599, %parallel_loop3A_600] {strides = array<i32>} : memref<2x128x128xf32, #tpu.memory_space<vmem>>, vector<16xf32>,
        %parallel_loop3A_602 = arith.mulf %parallel_loop3A_596, %parallel_loop3A_601 : vector<16xf32>
        %parallel_loop3A_603 = arith.addf %parallel_loop3A_579, %parallel_loop3A_602 : vector<16xf32>
        %parallel_loop3A_604 = arith.constant 1 : i32
        %parallel_loop3A_605 = arith.index_cast %parallel_loop3A_604 : i32 to index
        %parallel_loop3A_606 = arith.index_cast %parallel_loop3A_521 : i32 to index
        %parallel_loop3A_607 = arith.constant 112 : index
        %parallel_loop3A_608 = tpu.vector_load %arg11[%parallel_loop3A_605, %parallel_loop3A_606, %parallel_loop3A_607] {strides = array<i32>} : memref<2x128x128xf32, #tpu.memory_space<vmem>>, vector<16xf32>,
        %parallel_loop3A_609 = arith.constant 1 : i32
        %parallel_loop3A_610 = arith.index_cast %parallel_loop3A_609 : i32 to index
        %parallel_loop3A_611 = arith.index_cast %parallel_loop3A_521 : i32 to index
        %parallel_loop3A_612 = arith.constant 112 : index
        %parallel_loop3A_613 = tpu.vector_load %arg12[%parallel_loop3A_610, %parallel_loop3A_611, %parallel_loop3A_612] {strides = array<i32>} : memref<2x128x128xf32, #tpu.memory_space<vmem>>, vector<16xf32>,
        %parallel_loop3A_614 = arith.mulf %parallel_loop3A_608, %parallel_loop3A_613 : vector<16xf32>
        %parallel_loop3A_615 = arith.addf %parallel_loop3A_591, %parallel_loop3A_614 : vector<16xf32>
        %parallel_loop3A_616 = arith.addf %parallel_loop3A_603, %parallel_loop3A_615 : vector<16xf32>
        %parallel_loop3A_617 = arith.constant true
        %parallel_loop3A_618 = vector.broadcast %parallel_loop3A_617 : i1 to vector<16xi1>
        %parallel_loop3A_619 = tpu.scan <sum>, %parallel_loop3A_616 masked %parallel_loop3A_618 : vector<16xf32>, vector<16xi1> -> vector<16xf32>
        %parallel_loop3A_620 = vector.extract %parallel_loop3A_619[15] : f32 from vector<16xf32>
        %parallel_loop3A_621 = arith.constant 2 : i32
        %parallel_loop3A_622 = arith.muli %parallel_loop3A_621, %scan3A : i32
        %parallel_loop3A_623 = vector.broadcast %parallel_loop3A_622 : i32 to vector<16xi32>
        %parallel_loop3A_624 = arith.cmpi eq, %iota3A, %parallel_loop3A_623 : vector<16xi32>
        %parallel_loop3A_625 = vector.broadcast %parallel_loop3A_519 : f32 to vector<16xf32>
        %parallel_loop3A_626 = arith.select %parallel_loop3A_624, %parallel_loop3A_625, %scan3A_415 : vector<16xi1>, vector<16xf32>
        %parallel_loop3A_627 = arith.constant 2 : i32
        %parallel_loop3A_628 = arith.muli %parallel_loop3A_627, %scan3A : i32
        %parallel_loop3A_629 = arith.constant 1 : i32
        %parallel_loop3A_630 = arith.addi %parallel_loop3A_628, %parallel_loop3A_629 : i32
        %parallel_loop3A_631 = vector.broadcast %parallel_loop3A_630 : i32 to vector<16xi32>
        %parallel_loop3A_632 = arith.cmpi eq, %iota3A, %parallel_loop3A_631 : vector<16xi32>
        %parallel_loop3A_633 = vector.broadcast %parallel_loop3A_620 : f32 to vector<16xf32>
        %parallel_loop3A_634 = arith.select %parallel_loop3A_632, %parallel_loop3A_633, %parallel_loop3A_626 : vector<16xi1>, vector<16xf32>
        scf.yield %parallel_loop3A_634 : vector<16xf32>
      }
      %parallel_loop3A_388 = arith.constant 8 : i32
      %parallel_loop3A_389 = arith.constant 16 : i32
      %parallel_loop3A_390 = arith.muli %parallel_loop3A_380, %parallel_loop3A_389 : i32
      %parallel_loop3A_391 = arith.constant 1 : i32
      %parallel_loop3A_392 = arith.index_cast %parallel_loop3A_391 : i32 to index
      %parallel_loop3A_393 = arith.index_cast %parallel_loop3A_390 : i32 to index
      %parallel_loop3A_394 = tpu.vector_load %arg13[%parallel_loop3A_392, %parallel_loop3A_393] {strides = array<i32>} : memref<2x128xf32, #tpu.memory_space<vmem>>, vector<16xf32>,
      %parallel_loop3A_395 = arith.addf %parallel_loop3A_387, %parallel_loop3A_394 : vector<16xf32>
      %parallel_loop3A_396 = arith.constant 1 : i32
      %parallel_loop3A_397 = arith.index_cast %parallel_loop3A_396 : i32 to index
      %parallel_loop3A_398 = arith.index_cast %parallel_loop3A_390 : i32 to index
      %parallel_loop3A_399 = tpu.vector_load %arg14[%parallel_loop3A_397, %parallel_loop3A_398] {strides = array<i32>} : memref<2x128xf32, #tpu.memory_space<vmem>>, vector<16xf32>,
      %parallel_loop3A_400 = arith.addf %parallel_loop3A_395, %parallel_loop3A_399 : vector<16xf32>
      %parallel_loop3A_401 = arith.constant 0.000000e+00 : f32
      %parallel_loop3A_402 = vector.broadcast %parallel_loop3A_401 : f32 to vector<16xf32>
      %parallel_loop3A_403 = arith.subf %parallel_loop3A_402, %parallel_loop3A_400 : vector<16xf32>
      %parallel_loop3A_404 = math.exp %parallel_loop3A_403 : vector<16xf32>
      %parallel_loop3A_405 = arith.constant 1.000000e+00 : f32
      %parallel_loop3A_406 = vector.broadcast %parallel_loop3A_405 : f32 to vector<16xf32>
      %parallel_loop3A_407 = arith.addf %parallel_loop3A_406, %parallel_loop3A_404 : vector<16xf32>
      %parallel_loop3A_408 = arith.constant 1.000000e+00 : f32
      %parallel_loop3A_409 = vector.broadcast %parallel_loop3A_408 : f32 to vector<16xf32>
      %parallel_loop3A_410 = arith.divf %parallel_loop3A_409, %parallel_loop3A_407 : vector<16xf32>
      %parallel_loop3A_411 = arith.constant 3 : i32
      %parallel_loop3A_412 = arith.index_cast %parallel_loop3A_411 : i32 to index
      %parallel_loop3A_413 = arith.index_cast %parallel_loop3A_390 : i32 to index
      %parallel_loop3A_414 = tpu.vector_load %arg15[%parallel_loop3A_412, %parallel_loop3A_413] {strides = array<i32>} : memref<4x128xf32, #tpu.memory_space<vmem>>, vector<16xf32>,
      tpu.vector_store %arg15[%parallel_loop3A_412, %parallel_loop3A_413], %parallel_loop3A_410 {strides = array<i32>} : memref<4x128xf32, #tpu.memory_space<vmem>>, vector<16xf32>,
    } {sc.loop_unroll_factor = 1 : i64, sc.parallel_access}
    %add3A_333 = arith.constant 384 : i32
    %add3A_334 = arith.addi %mul3A_2, %add3A_333 : i32
    %dma_start3A_335 = arith.constant 3 : i32
    %dma_start3A_336 = arith.constant 0 : i32
    %dma_start3A_337 = tpu.memref_slice %arg15[%dma_start3A_335, %dma_start3A_336] : memref<4x128xf32, #tpu.memory_space<vmem>> -> memref<1x128xf32, #tpu.memory_space<vmem>>
    %dma_start3A_338 = tpu.memref_squeeze %dma_start3A_337 : memref<1x128xf32, #tpu.memory_space<vmem>> -> memref<128xf32, #tpu.memory_space<vmem>>
    %dma_start3A_339 = tpu.memref_slice %arg8[%add3A_334] : memref<16384xf32, #tpu.memory_space<hbm>> -> memref<128xf32, #tpu.memory_space<hbm>>
    %dma_start3A_340 = tpu.memref_slice %arg8[%add3A_334] : memref<16384xf32, #tpu.memory_space<hbm>> -> memref<128xf32, #tpu.memory_space<hbm>>
    %dma_start3A_341 = arith.constant 0 : i32
    %dma_start3A_342 = tpu.memref_slice %arg15[%dma_start3A_335, %dma_start3A_341] : memref<4x128xf32, #tpu.memory_space<vmem>> -> memref<1x128xf32, #tpu.memory_space<vmem>>
    %dma_start3A_343 = tpu.memref_squeeze %dma_start3A_342 : memref<1x128xf32, #tpu.memory_space<vmem>> -> memref<128xf32, #tpu.memory_space<vmem>>
    tpu.enqueue_dma source(%dma_start3A_343 : memref<128xf32, #tpu.memory_space<vmem>>) target(%dma_start3A_340 : memref<128xf32, #tpu.memory_space<hbm>>) target_semaphore(%arg18 : memref<!tpu.dma_semaphore, #tpu.memory_space<semaphore_mem>>)
    %dma_wait3A_344 = arith.constant 0 : i32
    %dma_wait3A_345 = arith.constant 0 : i32
    %dma_wait3A_346 = tpu.memref_slice %arg15[%dma_wait3A_344, %dma_wait3A_345] : memref<4x128xf32, #tpu.memory_space<vmem>> -> memref<1x128xf32, #tpu.memory_space<vmem>>
    %dma_wait3A_347 = tpu.memref_squeeze %dma_wait3A_346 : memref<1x128xf32, #tpu.memory_space<vmem>> -> memref<128xf32, #tpu.memory_space<vmem>>
    %dma_wait3A_348 = tpu.memref_slice %arg8[%add3A_112] : memref<16384xf32, #tpu.memory_space<hbm>> -> memref<128xf32, #tpu.memory_space<hbm>>
    %dma_wait3A_349 = tpu.memref_slice %arg8[%add3A_112] : memref<16384xf32, #tpu.memory_space<hbm>> -> memref<128xf32, #tpu.memory_space<hbm>>
    %dma_wait3A_350 = arith.constant 0 : i32
    %dma_wait3A_351 = tpu.memref_slice %arg15[%dma_wait3A_344, %dma_wait3A_350] : memref<4x128xf32, #tpu.memory_space<vmem>> -> memref<1x128xf32, #tpu.memory_space<vmem>>
    %dma_wait3A_352 = tpu.memref_squeeze %dma_wait3A_351 : memref<1x128xf32, #tpu.memory_space<vmem>> -> memref<128xf32, #tpu.memory_space<vmem>>
    tpu.wait_dma2 semaphore(%arg18 : memref<!tpu.dma_semaphore, #tpu.memory_space<semaphore_mem>>) src(%dma_wait3A_352 : memref<128xf32, #tpu.memory_space<vmem>>) dst(%dma_wait3A_349 : memref<128xf32, #tpu.memory_space<hbm>>)
    %dma_wait3A_353 = arith.constant 1 : i32
    %dma_wait3A_354 = arith.constant 0 : i32
    %dma_wait3A_355 = tpu.memref_slice %arg15[%dma_wait3A_353, %dma_wait3A_354] : memref<4x128xf32, #tpu.memory_space<vmem>> -> memref<1x128xf32, #tpu.memory_space<vmem>>
    %dma_wait3A_356 = tpu.memref_squeeze %dma_wait3A_355 : memref<1x128xf32, #tpu.memory_space<vmem>> -> memref<128xf32, #tpu.memory_space<vmem>>
    %dma_wait3A_357 = tpu.memref_slice %arg8[%add3A_198] : memref<16384xf32, #tpu.memory_space<hbm>> -> memref<128xf32, #tpu.memory_space<hbm>>
    %dma_wait3A_358 = tpu.memref_slice %arg8[%add3A_198] : memref<16384xf32, #tpu.memory_space<hbm>> -> memref<128xf32, #tpu.memory_space<hbm>>
    %dma_wait3A_359 = arith.constant 0 : i32
    %dma_wait3A_360 = tpu.memref_slice %arg15[%dma_wait3A_353, %dma_wait3A_359] : memref<4x128xf32, #tpu.memory_space<vmem>> -> memref<1x128xf32, #tpu.memory_space<vmem>>
    %dma_wait3A_361 = tpu.memref_squeeze %dma_wait3A_360 : memref<1x128xf32, #tpu.memory_space<vmem>> -> memref<128xf32, #tpu.memory_space<vmem>>
    tpu.wait_dma2 semaphore(%arg18 : memref<!tpu.dma_semaphore, #tpu.memory_space<semaphore_mem>>) src(%dma_wait3A_361 : memref<128xf32, #tpu.memory_space<vmem>>) dst(%dma_wait3A_358 : memref<128xf32, #tpu.memory_space<hbm>>)
    %dma_wait3A_362 = arith.constant 2 : i32
    %dma_wait3A_363 = arith.constant 0 : i32
    %dma_wait3A_364 = tpu.memref_slice %arg15[%dma_wait3A_362, %dma_wait3A_363] : memref<4x128xf32, #tpu.memory_space<vmem>> -> memref<1x128xf32, #tpu.memory_space<vmem>>
    %dma_wait3A_365 = tpu.memref_squeeze %dma_wait3A_364 : memref<1x128xf32, #tpu.memory_space<vmem>> -> memref<128xf32, #tpu.memory_space<vmem>>
    %dma_wait3A_366 = tpu.memref_slice %arg8[%add3A_284] : memref<16384xf32, #tpu.memory_space<hbm>> -> memref<128xf32, #tpu.memory_space<hbm>>
    %dma_wait3A_367 = tpu.memref_slice %arg8[%add3A_284] : memref<16384xf32, #tpu.memory_space<hbm>> -> memref<128xf32, #tpu.memory_space<hbm>>
    %dma_wait3A_368 = arith.constant 0 : i32
    %dma_wait3A_369 = tpu.memref_slice %arg15[%dma_wait3A_362, %dma_wait3A_368] : memref<4x128xf32, #tpu.memory_space<vmem>> -> memref<1x128xf32, #tpu.memory_space<vmem>>
    %dma_wait3A_370 = tpu.memref_squeeze %dma_wait3A_369 : memref<1x128xf32, #tpu.memory_space<vmem>> -> memref<128xf32, #tpu.memory_space<vmem>>
    tpu.wait_dma2 semaphore(%arg18 : memref<!tpu.dma_semaphore, #tpu.memory_space<semaphore_mem>>) src(%dma_wait3A_370 : memref<128xf32, #tpu.memory_space<vmem>>) dst(%dma_wait3A_367 : memref<128xf32, #tpu.memory_space<hbm>>)
    %dma_wait3A_371 = arith.constant 3 : i32
    %dma_wait3A_372 = arith.constant 0 : i32
    %dma_wait3A_373 = tpu.memref_slice %arg15[%dma_wait3A_371, %dma_wait3A_372] : memref<4x128xf32, #tpu.memory_space<vmem>> -> memref<1x128xf32, #tpu.memory_space<vmem>>
    %dma_wait3A_374 = tpu.memref_squeeze %dma_wait3A_373 : memref<1x128xf32, #tpu.memory_space<vmem>> -> memref<128xf32, #tpu.memory_space<vmem>>
    %dma_wait3A_375 = tpu.memref_slice %arg8[%add3A_334] : memref<16384xf32, #tpu.memory_space<hbm>> -> memref<128xf32, #tpu.memory_space<hbm>>
    %dma_wait3A_376 = tpu.memref_slice %arg8[%add3A_334] : memref<16384xf32, #tpu.memory_space<hbm>> -> memref<128xf32, #tpu.memory_space<hbm>>
    %dma_wait3A_377 = arith.constant 0 : i32
    %dma_wait3A_378 = tpu.memref_slice %arg15[%dma_wait3A_371, %dma_wait3A_377] : memref<4x128xf32, #tpu.memory_space<vmem>> -> memref<1x128xf32, #tpu.memory_space<vmem>>
    %dma_wait3A_379 = tpu.memref_squeeze %dma_wait3A_378 : memref<1x128xf32, #tpu.memory_space<vmem>> -> memref<128xf32, #tpu.memory_space<vmem>>
    tpu.wait_dma2 semaphore(%arg18 : memref<!tpu.dma_semaphore, #tpu.memory_space<semaphore_mem>>) src(%dma_wait3A_379 : memref<128xf32, #tpu.memory_space<vmem>>) dst(%dma_wait3A_376 : memref<128xf32, #tpu.memory_space<hbm>>)
    return
  }
}

</mosaic_0001>

<sc_bundles>
// kernel: kernel.3.cloned.1.call-start
scs
__scs_entry_jumppad:
0x0: {  	(pc) =	sbr.rel $0x88, $3  }
0x1: {  	(tag) =	ssettag $0x0;
	lr =	simm.s32 $0x1  }
0x2: {  	[smem:$0x3F9B] =	sst lr;
	_ =	strace $0xD0000000  }
0x3: {  	_ = 	snop  }
0x4: {  	_ = 	snop  }
0x5: {  	_ = 	snop  }
0x6: {  	_ = 	snop  }
0x7: {  	_ = 	snop  }
__scs_overlays_trampoline_lowered:
0x8: {  	[smem:$0x3FAA] =	sst s0  }
0x9: {  	[smem:$0x3FAB] =	sst s1  }
0xa: {  	[smem:$0x3FAC] =	sst s2  }
0xb: {  	[smem:$0x3FAD] =	sst s3  }
0xc: {  	[smem:$0x3FAE] =	sst s4  }
0xd: {  	[smem:$0x3FAF] =	sst s5  }
0xe: {  	[smem:$0x3FB0] =	sst s6  }
0xf: {  	[smem:$0x3FB1] =	sst s7  }
0x10: {  	[smem:$0x3FB2] =	sst s8  }
0x11: {  	[smem:$0x3FB3] =	sst s9;
	s0 =	simm.s32 @!p0 $0x0  }
0x12: {  	s1 =	sld [smem:$0x3F99];
	s0 =	simm.s32 @p0 $0x1  }
0x13: {  	[smem:$0x3FB4] =	sst s0;
	s0 =	simm.s32 @!p1 $0x0  }
0x14: {  	s2 =	sld [smem:$0x3F98];
	s0 =	simm.s32 @p1 $0x1  }
0x15: {  	[smem:$0x3FB5] =	sst s0;
	s0 =	simm.s32 @!p2 $0x0  }
0x16: {  	s3 =	sld [smem:$0x3FDB];
	s0 =	simm.s32 @p2 $0x1  }
0x17: {  	s4 =	simm.s32 $0x1BF5;
	[smem:$0x3FB7] =	sst s0  }
0x18: {  	s0 =	sld [smem:$0x3F9A];
	_ =	swait.ge [sflag:s4], $0x0  }
0x19: {  	s7 =	sld [smem:$0x3F9B]  }
0x1a: {  	s8 =	sadd.s32 $0xFFFFE003, lr  }
0x1b: {  	s9 =	sadd.s32 $0xFFFFFEF7, lr;
	s5 =	simm.s32 $0xFFFFFFFF;
	p2 =	slt.u32 s8, $0xFFFFF086  }
0x1c: {  	p1 =	slt.u32 s9, $0xF7A;
	s5 =	simm.s32 @!p2 $0x0  }
0x1d: {  	s5 =	simm.s32 @p1 $0x1;
	p0 =	seq.s32 s7, s2  }
0x1e: {  	s7 =	smul.u32 @!p0 $0xF7A, s2;
	p2 =	seq.s32 @!p0 s5, $0x0  }
0x1f: {  	s9 =	smul.u32 $0xF7A, s1;
	s8 =	simm.s32 @!p0 $0x1BF5;
	p2 =	por !p2, p0  }
0x20: {  	[sflag:s8] =	ssyncset.s32 @!p0 $0xFFFFF086;
	s6 =	sadd.s32 @!p0 s3, s7;
	s7 =	simm.s32 @!p0 $0x108  }
0x21: {  	s3 =	sadd.s32 s3, s9;
	s6 =	sadd.s32 @!p0 $0x88, s6;
	s7 =	simm.s32 @p2 $0x1082  }
0x22: {  	[simem:s7], [sflag:s8] =	dma.local @!p0 [hbm:s6], $0xF7A  }
0x23: {  	s9 =	sor.u32 $0xD0000000, s2;
	s6 =	simm.s32 $0x108;
	_ =	swait.ge @!p0 [sflag:s8], $0x0  }
0x24: {  	s3 =	sadd.s32 $0x88, s3;
	s6 =	simm.s32 @!p1 $0x1082;
	[sflag:s4] =	ssyncset.s32 $0xFFFFF086  }
0x25: {  	[simem:s6], [sflag:s4] =	dma.local [hbm:s3], $0xF7A  }
0x26: {  	[smem:$0x3F9B] =	sst s1;
	(tag) =	ssettag s2;
	_ =	strace s9  }
0x27: {  	s1 =	sld [smem:$0x3FAB]  }
0x28: {  	s2 =	sld [smem:$0x3FAC]  }
0x29: {  	s4 =	sld [smem:$0x3FAE]  }
0x2a: {  	p0 =	seq.s32 s5, $0x0;
	s5 =	sld [smem:$0x3FAF]  }
0x2b: {  	s6 =	sld [smem:$0x3FB0]  }
0x2c: {  	s7 =	sld [smem:$0x3FB1]  }
0x2d: {  	s3 =	simm.s32 $0x108;
	s8 =	sld [smem:$0x3FB2]  }
0x2e: {  	s3 =	simm.s32 @!p0 $0x1082;
	s9 =	sld [smem:$0x3FB3]  }
0x2f: {  	lr =	sadd.s32 s0, s3;
	s0 =	sld [smem:$0x3FAA]  }
0x30: {  	s3 =	sld [smem:$0x3FAD]  }
0x31: {  	[smem:$0x3FB6] =	sst s10  }
0x32: {  	s10 =	sld [smem:$0x3FB4];
	_ =	sdelay $0x3  }
0x33: {  	p0 =	seq.s32 s10, $0x1;
	s10 =	sld [smem:$0x3FB6];
	_ =	sdelay $0x3  }
0x34: {  	[smem:$0x3FB6] =	sst s10  }
0x35: {  	s10 =	sld [smem:$0x3FB5];
	_ =	sdelay $0x3  }
0x36: {  	p1 =	seq.s32 s10, $0x1;
	s10 =	sld [smem:$0x3FB6];
	_ =	sdelay $0x3  }
0x37: {  	[smem:$0x3FB6] =	sst s10  }
0x38: {  	s10 =	sld [smem:$0x3FB7]  }
0x39: {  	_ = 	snop;
	(pc) =	sbr.ind lr, $3  }
0x3a: {  	_ = 	snop  }
0x3b: {  	_ = 	snop  }
0x3c: {  	p2 =	seq.s32 s10, $0x1;
	s10 =	sld [smem:$0x3FB6]  }
0x3d: {  	_ =	shalt  }
0x3e: {  	_ =	shalt  }
0x3f: {  	_ =	shalt  }
0x40: {  	_ =	shalt  }
0x41: {  	_ =	shalt  }
0x42: {  	_ =	shalt  }
0x43: {  	_ =	shalt  }
0x44: {  	_ =	shalt  }
0x45: {  	_ =	shalt  }
0x46: {  	_ =	shalt  }
0x47: {  	_ =	shalt  }
0x48: {  	_ =	shalt  }
0x49: {  	_ =	shalt  }
0x4a: {  	_ =	shalt  }
0x4b: {  	_ =	shalt  }
0x4c: {  	_ =	shalt  }
0x4d: {  	_ =	shalt  }
0x4e: {  	_ =	shalt  }
0x4f: {  	_ =	shalt  }
0x50: {  	_ =	shalt  }
0x51: {  	_ =	shalt  }
0x52: {  	_ =	shalt  }
0x53: {  	_ =	shalt  }
0x54: {  	_ =	shalt  }
0x55: {  	_ =	shalt  }
0x56: {  	_ =	shalt  }
0x57: {  	_ =	shalt  }
0x58: {  	_ =	shalt  }
0x59: {  	_ =	shalt  }
0x5a: {  	_ =	shalt  }
0x5b: {  	_ =	shalt  }
0x5c: {  	_ =	shalt  }
0x5d: {  	_ =	shalt  }
0x5e: {  	_ =	shalt  }
0x5f: {  	_ =	shalt  }
0x60: {  	_ =	shalt  }
0x61: {  	_ =	shalt  }
0x62: {  	_ =	shalt  }
0x63: {  	_ =	shalt  }
0x64: {  	_ =	shalt  }
0x65: {  	_ =	shalt  }
0x66: {  	_ =	shalt  }
0x67: {  	_ =	shalt  }
0x68: {  	_ =	shalt  }
0x69: {  	_ =	shalt  }
0x6a: {  	_ =	shalt  }
0x6b: {  	_ =	shalt  }
0x6c: {  	_ =	shalt  }
0x6d: {  	_ =	shalt  }
0x6e: {  	_ =	shalt  }
0x6f: {  	_ =	shalt  }
0x70: {  	_ =	shalt  }
0x71: {  	_ =	shalt  }
0x72: {  	_ =	shalt  }
0x73: {  	_ =	shalt  }
0x74: {  	_ =	shalt  }
0x75: {  	_ =	shalt  }
0x76: {  	_ =	shalt  }
0x77: {  	_ =	shalt  }
0x78: {  	_ =	shalt  }
0x79: {  	_ =	shalt  }
0x7a: {  	_ =	shalt  }
0x7b: {  	_ =	shalt  }
0x7c: {  	_ =	shalt  }
0x7d: {  	_ =	shalt  }
0x7e: {  	_ =	shalt  }
0x7f: {  	_ =	shalt  }
0x80: {  	_ =	shalt  }
0x81: {  	_ =	shalt  }
0x82: {  	_ =	shalt  }
0x83: {  	_ =	shalt  }
0x84: {  	_ =	shalt  }
0x85: {  	_ =	shalt  }
0x86: {  	_ =	shalt  }
0x87: {  	_ =	shalt  }
.Lfunc_end0:
.L_simem_size_0:
called_computation_lowered:
.L_overlay_start_0:
0x88: {  	s2 =	sld [smem:$0x3FD9]  }
0x89: {  	s3 =	sld [smem:$0x3FFE];
	_ =	sdelay $0x1  }
0x8a: {  	s1 =	srdreg.scid  }
0x8b: {  	s0 =	sand.u32 $0x1, s1  }
0x8c: {  	s17 =	sshll.u32 s0, $0xA;
	s2 =	sadd.s32 s3, s2  }
0x8d: {  	s2 =	sadd.s32 s2, s17  }
0x8e: {  	[smem:$0x3FC2] =	sst s2  }
0x8f: {  	_ = 	snop  }
0x90: {  	s2 =	sld [smem:$0x3FC9]  }
0x91: {  	s18 =	sld [smem:$0x3FC8]  }
0x92: {  	s4 =	sld [smem:$0x3FC7]  }
0x93: {  	s5 =	sld [smem:$0x3FC6]  }
0x94: {  	s6 =	sld [smem:$0x3FD0];
	(tm) =	ssettm $0x1  }
0x95: {  	s7 =	sld [smem:$0x3FFB];
	_ =	sdelay $0x3  }
0x96: {  	_ =	strace s7  }
0x97: {  	s7 =	sld [smem:$0x3FFC];
	_ =	sdelay $0x3  }
0x98: {  	_ =	strace s7  }
0x99: {  	s7 =	sld [smem:$0x3FFD];
	_ =	sdelay $0x3  }
0x9a: {  	_ =	strace s7  }
0x9b: {  	_ =	strace $0x8FFFFFFF  }
0x9c: {  	s19 =	sld [smem:$0x3FDB];
	_ =	sdelay $0x1  }
0x9d: {  	s8 =	simm.s32 $_scs_section_size  }
0x9e: {  	s9 =	simm.s32 $_size__tile_overlayer_lowered;
	s10 =	simm.s32 $_tile_overlayer_lowered  }
0x9f: {  	s22 =	simm.s32 $0x1BFF;
	s21 =	sshll.u32 s10, $0x1;
	s7 =	sadd.s32 s8, s19  }
0xa0: {  	s11 =	simm.s32 $0x0;
	s20 =	sshll.u32 s9, $0x1;
	s9 =	sadd.s32 s21, s7  }
0xa1: {  	[timem:s11], [sflag:s22] =	dma.local [hbm:s9], s20  }
0xa2: {  	_ =	swait.ge [sflag:s22], s20  }
0xa3: {  	s8 =	ssub.s32 $0x0, s20;
	[sflag:s22] =	ssyncset.done $0x0  }
0xa4: {  	[sflag:s22] =	ssyncadd.s32 s8;
	_ =	sdelay $0x1  }
0xa5: {  	s23 =	simm.s32 $0x1B8B  }
0xa6: {  	_ =	swait.ge [sflag:s23], $0x1  }
0xa7: {  	[sflag:s23] =	ssyncset.done $0x0  }
0xa8: {  	s25 =	simm.s32 $0x1B8E;
	s24 =	sld [smem:$0x3FFE];
	[sflag:s23] =	ssyncadd.s32 $0xFFFFFFFF  }
0xa9: {  	s26 =	simm.s32 $execute0_lowered;
	[smem:$0x3FD2] =	sst s25  }
0xaa: {  	s9 =	sshll.u32 s26, $0x1;
	_ =	strace $0x80000046;
	[dreg:$0x1] =	wrdreg $0xFFFFFFFF  }
0xab: {  	s28 =	simm.s32 $_size_execute0_lowered;
	s7 =	sadd.s32 s7, s9;
	[dreg:$0x0] =	wrdreg $0x0  }
0xac: {  	s9 =	sshll.u32 s28, $0x1;
	[dreg:$0x2] =	wrdreg s7  }
0xad: {  	[dreg:$0x3] =	wrdreg s9  }
0xae: {  	[dreg:$0x4] =	wrdreg $0xC0  }
0xaf: {  	_ =	task [dreg:s11], $0x5FFFF  }
0xb0: {  	[dreg:$0x1] =	wrdreg $0xFFFFFFFF  }
0xb1: {  	[dreg:$0x0] =	wrdreg $0x60  }
0xb2: {  	[dreg:$0x2] =	wrdreg s2  }
0xb3: {  	[dreg:$0x3] =	wrdreg s18  }
0xb4: {  	[dreg:$0x4] =	wrdreg s4  }
0xb5: {  	[dreg:$0x5] =	wrdreg s5  }
0xb6: {  	[dreg:$0x6] =	wrdreg s24  }
0xb7: {  	[dreg:$0x7] =	wrdreg s6  }
0xb8: {  	[dreg:$0x8] =	wrdreg $0x9  }
0xb9: {  	_ =	task.clear_ibuf [dreg:s11], $0x9FFFF;
	_ =	strace $0x90000046  }
0xba: {  	s29 =	simm.s32 $0x9;
	_ =	strace $0x80000048  }
0xbb: {  	_ =	swait.ge [sflag:s29], $0x1  }
0xbc: {  	[sflag:s29] =	ssyncadd.s32 $0xFFFFFFFF  }
0xbd: {  	_ =	strace $0x90000048  }
0xbe: {  	_ =	sfence  }
0xbf: {  	s30 =	sld [smem:$0x0];
	_ =	sdelay $0x2  }
0xc0: {  	s31 =	sshll.u32 s1, $0xD;
	s1 =	sshrl.u32 s1, $0x2  }
0xc1: {  	s3 =	sand.u32 $0x4000, s31;
	s1 =	sadd.s32 s1, s30  }
0xc2: {  	s0 =	sor.u32 s3, s0;
	s1 =	sshll.u32 s1, $0x11  }
0xc3: {  	s0 =	sor.u32 s1, s0  }
0xc4: {  	s0 =	sadd.s32 $0x8F2B, s0  }
0xc5: {  	[sflag:s0] =	ssyncadd.remote.s32 $0x1  }
0xc6: {  	_ =	sfence.sel $0xFFFF  }
0xc7: {  	[dreg:$0x0] =	wrdreg $0xFFFFFFFF;
	(pc) =	sbr.abs _section_cstart, $3  }
0xc8: {  	[dreg:$0x1] =	wrdreg $0xFFFFFFFF  }
0xc9: {  	_ =	task.clear_ibuf [dreg:s11], $0x2FFFF;
	_ =	strace $0x9FFFFFFF  }
0xca: {  	(tm) =	ssettm $0x7FFFFFFF  }
0xcb: {  	_ =	shalt  }
tec
execute0_lowered:
.L_overlay_start_1:
0x0: {  	(tag) =	ssettag $0x1  }
0x1: {  	s0 =	rddreg [dreg:$0x0]  }
0x2: {  	s3 =	rddreg [dreg:$0x1]  }
0x3: {  	s1 =	rddreg [dreg:$0x2]  }
0x4: {  	s2 =	rddreg [dreg:$0x3]  }
0x5: {  	s6 =	rddreg [dreg:$0x4]  }
0x6: {  	s7 =	rddreg [dreg:$0x5];
	s4 =	simm.s32 $0x0;
	s5 =	srdreg.scid  }
0x7: {  	s9 =	stileid.u32;
	s14 =	simm.s32 $0x4;
	s15 =	simm.s32 $0x200  }
0x8: {  	s16 =	simm.s32 $0x80;
	s26 =	simm.s32 $0x1;
	s29 =	simm.s32 $0x100  }
0x9: {  	s30 =	simm.s32 $0x300;
	s31 =	simm.s32 $0x2;
	s17 =	simm.s32 $0x380  }
0xa: {  	s18 =	simm.s32 $0x0;
	[smem:$0x7FF] =	sst s4;
	s5 =	sand.u32 $0x1, s5  }
0xb: {  	s9 =	sshll.u32 s9, $0x7;
	_ =	strace $0x80000047;
	s8 =	ssub.s32 $0x2, s5  }
0xc: {  	s10 =	sshll.u32 s5, $0x6;
	s5 =	sadd.s32 $0x3600, s6;
	s11 =	sshrl.u32 s8, $0x1  }
0xd: {  	s6 =	sadd.s32 $0x400, s6;
	s9 =	sor.u32 s10, s9;
	s13 =	ssub.s32 s8, s11  }
0xe: {  	s7 =	sadd.s32 s7, s9;
	s8 =	sadd.s32 s0, s9;
	s9 =	sadd.s32 s3, s9  }
0xf: {  	s3 =	simm.s32 $0x180;
	s0 =	simm.s32 $0x3;
	s10 =	sadd.s32 $0x10, s7  }
0x10: {  	v0 =	vlaneseq.u32;
	s11 =	sadd.s32 $0x20, s7;
	s12 =	sadd.s32 $0x30, s7;
	s13 =	smax.u32 s13, $0x1  }
.LBB2_1:
0x11: {  	[tilespmem:s4], [sflag:$0x4] =	stream.linear.gather [hbm4b:s8+s4], $0x200, $0x38;
	[tilespmem:$0x10800] =	vst v63  }
0x12: {  	_ =	swait.ge [sflag:s14], $0x200  }
0x13: {  	[sflag:s14] =	ssyncset.done $0x0  }
0x14: {  	[sflag:s14] =	ssyncadd.s32 $0xFFFFFE00  }
0x15: {  	[tilespmem:s15], [sflag:$0x4] =	stream.linear.gather [hbm4b:s9+s4], $0x200, $0x38;
	[tilespmem:$0x10800] =	vst v63  }
0x16: {  	_ =	swait.ge [sflag:s14], $0x200  }
0x17: {  	[sflag:s14] =	ssyncset.done $0x0  }
0x18: {  	s19 =	simm.s32 $0x400;
	[sflag:s14] =	ssyncadd.s32 $0xFFFFFE00  }
0x19: {  	[tilespmem:s19], [sflag:$0x1] =	stream.indirect.gather [hbm4b:s1+s16], $0x80, s4, s16, $0xb8;
	[tilespmem:$0x10800] =	vst v63  }
0x1a: {  	s25 =	simm.s32 $0x8400  }
0x1b: {  	[tilespmem:s25], [sflag:$0x1] =	stream.indirect.gather [hbm4b:s2+s16], $0x80, s15, s16, $0xb8;
	[tilespmem:$0x10800] =	vst v63  }
0x1c: {  	s20 =	simm.s32 $0x10400  }
0x1d: {  	[tilespmem:s20], [sflag:$0x1] =	stream.indirect.gather [hbm4b:s5+s16], $0x1, s4, s16, $0xb8;
	[tilespmem:$0x10800] =	vst v63  }
0x1e: {  	s21 =	simm.s32 $0x10500  }
0x1f: {  	[tilespmem:s21], [sflag:$0x1] =	stream.indirect.gather [hbm4b:s6+s16], $0x1, s15, s16, $0xb8;
	[tilespmem:$0x10800] =	vst v63  }
0x20: {  	s22 =	simm.s32 $0x4400  }
0x21: {  	[tilespmem:s22], [sflag:$0x2] =	stream.indirect.gather [hbm4b:s1+s16], $0x80, s16, s16, $0xb8;
	[tilespmem:$0x10800] =	vst v63  }
0x22: {  	s23 =	simm.s32 $0x280;
	s20 =	simm.s32 $0xC400  }
0x23: {  	[tilespmem:s20], [sflag:$0x2] =	stream.indirect.gather [hbm4b:s2+s16], $0x80, s23, s16, $0xb8;
	[tilespmem:$0x10800] =	vst v63  }
0x24: {  	s24 =	simm.s32 $0x10480  }
0x25: {  	[tilespmem:s24], [sflag:$0x2] =	stream.indirect.gather [hbm4b:s5+s16], $0x1, s16, s16, $0xb8;
	[tilespmem:$0x10800] =	vst v63  }
0x26: {  	s25 =	simm.s32 $0x10580  }
0x27: {  	[tilespmem:s25], [sflag:$0x2] =	stream.indirect.gather [hbm4b:s6+s16], $0x1, s23, s16, $0xb8;
	[tilespmem:$0x10800] =	vst v63  }
0x28: {  	_ =	swait.ge [sflag:s26], $0x4000  }
0x29: {  	[sflag:s26] =	ssyncset.done $0x0  }
0x2a: {  	[sflag:s26] =	ssyncadd.s32 $0xFFFFC000  }
0x2b: {  	_ =	swait.ge [sflag:s26], $0x4000  }
0x2c: {  	[sflag:s26] =	ssyncset.done $0x0  }
0x2d: {  	[sflag:s26] =	ssyncadd.s32 $0xFFFFC000  }
0x2e: {  	_ =	swait.ge [sflag:s26], $0x80  }
0x2f: {  	[sflag:s26] =	ssyncset.done $0x0  }
0x30: {  	[sflag:s26] =	ssyncadd.s32 $0xFFFFFF80  }
0x31: {  	_ =	swait.ge [sflag:s26], $0x80  }
0x32: {  	s28 =	simm.s32 $0x0;
	[sflag:s26] =	ssyncset.done $0x0  }
0x33: {  	s19 =	simm.s32 $0x8480;
	s20 =	simm.s32 $0x480;
	[sflag:s26] =	ssyncadd.s32 $0xFFFFFF80  }
.LBB2_2:
0x34: {  	v2 =	vld [tilespmem:s20+$0x60]  }
0x35: {  	v8 =	vld [tilespmem:s19+$0x60]  }
0x36: {  	v13 =	vld [tilespmem:s20+$0x70]  }
0x37: {  	v27 =	vld [tilespmem:s19+$0x70]  }
0x38: {  	v1 =	vld [tilespmem:s20+$0xFFFFFFE0]  }
0x39: {  	v3 =	vld [tilespmem:s19+$0xFFFFFFE0]  }
0x3a: {  	v22 =	vld [tilespmem:s20+$0x40]  }
0x3b: {  	v28 =	vld [tilespmem:s19+$0x40]  }
0x3c: {  	v6 =	vld [tilespmem:s20+$0x50]  }
0x3d: {  	v7 =	vld [tilespmem:s19+$0x50]  }
0x3e: {  	v4 =	vld [tilespmem:s20+$0xFFFFFFC0]  }
0x3f: {  	v5 =	vld [tilespmem:s19+$0xFFFFFFC0]  }
0x40: {  	v9 =	vld [tilespmem:s20+$0x0]  }
0x41: {  	v10 =	vld [tilespmem:s19+$0x0]  }
0x42: {  	v11 =	vld [tilespmem:s20+$0x10]  }
0x43: {  	v14 =	vld [tilespmem:s19+$0x10]  }
0x44: {  	v12 =	vld [tilespmem:s20+$0x20]  }
0x45: {  	v15 =	vld [tilespmem:s19+$0x20]  }
0x46: {  	v16 =	vld [tilespmem:s20+$0x30]  }
0x47: {  	v17 =	vld [tilespmem:s19+$0x30]  }
0x48: {  	v18 =	vld [tilespmem:s20+$0xFFFFFF80]  }
0x49: {  	v19 =	vld [tilespmem:s19+$0xFFFFFF80]  }
0x4a: {  	v20 =	vld [tilespmem:s20+$0xFFFFFF90]  }
0x4b: {  	v23 =	vld [tilespmem:s19+$0xFFFFFF90]  }
0x4c: {  	v21 =	vld [tilespmem:s20+$0xFFFFFFA0]  }
0x4d: {  	v24 =	vld [tilespmem:s19+$0xFFFFFFA0]  }
0x4e: {  	v25 =	vld [tilespmem:s20+$0xFFFFFFB0];
	s21 =	simm.s32 $0x0;
	v8 =	vmul.f32 v8, v2  }
0x4f: {  	v26 =	vld [tilespmem:s19+$0xFFFFFFB0];
	s24 =	simm.s32 $0x2;
	s23 =	smov.u32 s20;
	s22 =	smov.u32 s19;
	v2 =	vimm.f32 $0.0e+00;
	v22 =	vmul.f32 v28, v22;
	v13 =	vmul.f32 v27, v13  }
.LBB2_3:
0x50: {  	p0 =	sne.s32 s24, $0xE;
	v27 =	vld [tilespmem:s23+$0xFFFFFFD0];
	v9 =	vmul.f32 v10, v9;
	v10 =	vmul.f32 v14, v11  }
0x51: {  	v12 =	vmul.f32 v15, v12;
	v14 =	vmul.f32 v17, v16;
	v11 =	vld [tilespmem:s22+$0xFFFFFFD0]  }
0x52: {  	v15 =	vmul.f32 v19, v18;
	v6 =	vmul.f32 v7, v6;
	v16 =	vld [tilespmem:s23+$0xFFFFFFF0]  }
0x53: {  	v7 =	vmul.f32 v23, v20;
	v9 =	vadd.f32 v12, v9;
	v10 =	vadd.f32 v14, v10;
	s23 =	sadd.s32 $0x100, s23;
	v17 =	vld [tilespmem:s22+$0xFFFFFFF0]  }
0x54: {  	v12 =	vmul.f32 v24, v21;
	s22 =	sadd.s32 $0x100, s22;
	v28 =	vld [tilespmem:s23+$0x60];
	v14 =	vmul.f32 v26, v25  }
0x55: {  	v4 =	vmul.f32 v5, v4;
	v5 =	vadd.f32 v22, v9;
	v6 =	vadd.f32 v6, v10;
	v26 =	vld [tilespmem:s22+$0x60]  }
0x56: {  	v9 =	vadd.f32 v12, v15;
	v29 =	vld [tilespmem:s23+$0x70];
	v7 =	vadd.f32 v14, v7;
	v10 =	vmul.f32 v11, v27  }
0x57: {  	v11 =	vmul.f32 v3, v1;
	v5 =	vadd.f32 v8, v5;
	v6 =	vadd.f32 v13, v6;
	v27 =	vld [tilespmem:s22+$0x70]  }
0x58: {  	v4 =	vadd.f32 v4, v9;
	v1 =	vld [tilespmem:s23+$0xFFFFFFE0];
	v7 =	vadd.f32 v10, v7;
	v8 =	vmul.f32 v17, v16  }
0x59: {  	v5 =	vadd.f32 v6, v5;
	v3 =	vld [tilespmem:s22+$0xFFFFFFE0]  }
0x5a: {  	v4 =	vadd.f32 v11, v4;
	v13 =	vld [tilespmem:s23+$0x40];
	v7 =	vadd.f32 v8, v7  }
0x5b: {  	v22 =	vld [tilespmem:s22+$0x40];
	(xrf2) =	vadd.scan.msk.f32 $0xffff, v5  }
0x5c: {  	v6 =	vld [tilespmem:s23+$0x50];
	v5 =	vadd.f32 v7, v4  }
0x5d: {  	v7 =	vld [tilespmem:s22+$0x50]  }
0x5e: {  	v4 =	vld [tilespmem:s23+$0xFFFFFFC0];
	(xrf2) =	vadd.scan.msk.f32 $0xffff, v5  }
0x5f: {  	v5 =	vld [tilespmem:s22+$0xFFFFFFC0]  }
0x60: {  	v9 =	vld [tilespmem:s23+$0x0]  }
0x61: {  	v10 =	vld [tilespmem:s22+$0x0]  }
0x62: {  	v11 =	vld [tilespmem:s23+$0x10]  }
0x63: {  	v14 =	vld [tilespmem:s22+$0x10]  }
0x64: {  	v12 =	vld [tilespmem:s23+$0x20]  }
0x65: {  	v15 =	vld [tilespmem:s22+$0x20];
	v8, _, _ =	vpop (xrf2)  }
0x66: {  	v16 =	vld [tilespmem:s23+$0x30]  }
0x67: {  	v17 =	vld [tilespmem:s22+$0x30]  }
0x68: {  	v18 =	vld [tilespmem:s23+$0xFFFFFF80];
	v20, _, _ =	vpop (xrf2)  }
0x69: {  	s25 =	sadd.s32 $0x1, s21;
	v21 =	vmov s21;
	s21 =	smov.u32 s24;
	v19 =	vld [tilespmem:s22+$0xFFFFFF80];
	v24 =	vbroadcast v20, $0xF  }
0x6a: {  	vm0 =	veq.s32 v21, v0;
	v21 =	vmov s25;
	v8 =	vbroadcast v8, $0xF;
	v20 =	vld [tilespmem:s23+$0xFFFFFF90]  }
.Ltmp0:
0x6b: {  	v23 =	vld [tilespmem:s22+$0xFFFFFF90];
	v2 =	vsel vm0, v24, v2;
	vm0 =	veq.s32 v21, v0;
	(pc) =	sbr.rel @p0 .LBB2_3-.Ltmp0, $4  }
0x6c: {  	v21 =	vld [tilespmem:s23+$0xFFFFFFA0];
	v2 =	vsel vm0, v8, v2  }
0x6d: {  	v24 =	vld [tilespmem:s22+$0xFFFFFFA0]  }
0x6e: {  	v8 =	vmul.f32 v26, v28;
	v25 =	vld [tilespmem:s23+$0xFFFFFFB0]  }
0x6f: {  	s24 =	sadd.s32 $0x2, s24;
	v22 =	vmul.f32 v22, v13;
	v13 =	vmul.f32 v27, v29;
	v26 =	vld [tilespmem:s22+$0xFFFFFFB0]  }
0x70: {  	v27 =	vld [tilespmem:s23+$0xFFFFFFD0];
	v9 =	vmul.f32 v10, v9  }
0x71: {  	v46 =	vmul.f32 v14, v11;
	v47 =	vld [tilespmem:s22+$0xFFFFFFD0];
	v12 =	vmul.f32 v15, v12  }
0x72: {  	v48 =	vmul.f32 v17, v16;
	v49 =	vmul.f32 v19, v18;
	v50 =	vld [tilespmem:s23+$0xFFFFFFF0]  }
0x73: {  	v6 =	vmul.f32 v7, v6;
	v51 =	vmul.f32 v23, v20;
	v52 =	vld [tilespmem:s22+$0xFFFFFFF0]  }
0x74: {  	v53 =	vmul.f32 v24, v21;
	v54 =	vmul.f32 v26, v25  }
0x75: {  	v4 =	vmul.f32 v5, v4;
	v9 =	vadd.f32 v12, v9;
	v10 =	vadd.f32 v48, v46  }
0x76: {  	v55 =	vadd.f32 v53, v49;
	v11 =	vmul.f32 v47, v27;
	v7 =	vadd.f32 v54, v51  }
0x77: {  	v1 =	vmul.f32 v3, v1;
	v9 =	vadd.f32 v22, v9;
	v6 =	vadd.f32 v6, v10  }
0x78: {  	v57 =	vmul.f32 v52, v50;
	v3 =	vadd.f32 v4, v55;
	v56 =	vadd.f32 v11, v7  }
0x79: {  	v58 =	vadd.f32 v8, v9;
	v6 =	vadd.f32 v13, v6  }
0x7a: {  	v1 =	vadd.f32 v1, v3;
	v3 =	vadd.f32 v57, v56  }
0x7b: {  	v59 =	vadd.f32 v6, v58  }
0x7c: {  	v1 =	vadd.f32 v3, v1  }
0x7d: {  	(xrf2) =	vadd.scan.msk.f32 $0xffff, v59  }
0x7e: {  	(xrf2) =	vadd.scan.msk.f32 $0xffff, v1;
	_ =	sdelay $0x8  }
0x7f: {  	s24 =	sshll.u32 s28, $0x4;
	v1, _, _ =	vpop (xrf2)  }
0x80: {  	v60 =	vld [tilespmem:s24+$0x10400];
	v3, _, _ =	vpop (xrf2)  }
0x81: {  	v61 =	vmov s21;
	s25 =	sadd.s32 $0x1, s21;
	v3 =	vbroadcast v3, $0xF  }
0x82: {  	vm0 =	veq.s32 v61, v0;
	v62 =	vmov s25;
	v63 =	vld [tilespmem:s24+$0x10500];
	v1 =	vbroadcast v1, $0xF  }
0x83: {  	vm15 =	veq.s32 v62, v0;
	v2 =	vsel vm0, v3, v2  }
0x84: {  	v1 =	vsel vm15, v1, v2  }
0x85: {  	v1 =	vadd.f32 v60, v1;
	_ =	sdelay $0x1  }
0x86: {  	v1 =	vadd.f32 v63, v1;
	_ =	sdelay $0x1  }
0x87: {  	v1 =	vsub.f32 $0.0e+00, v1;
	_ =	sdelay $0x1  }
0x88: {  	v1 =	vmul.f32 $1.442695020e+00, v1;
	_ =	sdelay $0x1  }
0x89: {  	(erf) = vpow2.f32 v1;
	_ =	sdelay $0x8  }
0x8a: {  	v1 =	vpop (erf)  }
0x8b: {  	v1 =	vadd.f32 $1.000000000e+00, v1;
	_ =	sdelay $0x1  }
0x8c: {  	(erf) = vrcp.f32 v1;
	_ =	sdelay $0x3  }
0x8d: {  	s28 =	sadd.s32 $0x1, s28  }
0x8e: {  	p0 =	sne.s32 s28, $0x8  }
.Ltmp1:
0x8f: {  	_ = 	snop;
	(pc) =	sbr.rel @p0 .LBB2_2-.Ltmp1, $3  }
0x90: {  	_ =	sdelay $0x1  }
0x91: {  	v1 =	vpop (erf)  }
0x92: {  	s19 =	sadd.s32 $0x800, s19;
	s20 =	sadd.s32 $0x800, s20;
	[tilespmem:s24+$0x10600] =	vst v1  }
0x93: {  	s28 =	simm.s32 $0x0;
	s19 =	simm.s32 $0x10600  }
0x94: {  	[hbm4b:s7+s28] =	stream.linear.scatter [tilespmem:s19], [sflag:$0x3], $0x80, $0x38;
	[tilespmem:$0x10800] =	vst v63  }
0x95: {  	s19 =	simm.s32 $0x400  }
0x96: {  	[tilespmem:s19], [sflag:$0x1] =	stream.indirect.gather [hbm4b:s1+s16], $0x80, s29, s16, $0xb8;
	[tilespmem:$0x10800] =	vst v63  }
0x97: {  	s20 =	simm.s32 $0x8400  }
0x98: {  	[tilespmem:s20], [sflag:$0x1] =	stream.indirect.gather [hbm4b:s2+s16], $0x80, s30, s16, $0xb8;
	[tilespmem:$0x10800] =	vst v63  }
0x99: {  	s21 =	simm.s32 $0x10400  }
0x9a: {  	[tilespmem:s21], [sflag:$0x1] =	stream.indirect.gather [hbm4b:s5+s16], $0x1, s29, s16, $0xb8;
	[tilespmem:$0x10800] =	vst v63  }
0x9b: {  	s25 =	simm.s32 $0x10500  }
0x9c: {  	[tilespmem:s25], [sflag:$0x1] =	stream.indirect.gather [hbm4b:s6+s16], $0x1, s30, s16, $0xb8;
	[tilespmem:$0x10800] =	vst v63  }
0x9d: {  	_ =	swait.ge [sflag:s31], $0x4000  }
0x9e: {  	[sflag:s31] =	ssyncset.done $0x0  }
0x9f: {  	[sflag:s31] =	ssyncadd.s32 $0xFFFFC000  }
0xa0: {  	_ =	swait.ge [sflag:s31], $0x4000  }
0xa1: {  	[sflag:s31] =	ssyncset.done $0x0  }
0xa2: {  	[sflag:s31] =	ssyncadd.s32 $0xFFFFC000  }
0xa3: {  	_ =	swait.ge [sflag:s31], $0x80  }
0xa4: {  	[sflag:s31] =	ssyncset.done $0x0  }
0xa5: {  	[sflag:s31] =	ssyncadd.s32 $0xFFFFFF80  }
0xa6: {  	_ =	swait.ge [sflag:s31], $0x80  }
0xa7: {  	[sflag:s31] =	ssyncset.done $0x0  }
0xa8: {  	[sflag:s31] =	ssyncadd.s32 $0xFFFFFF80  }
.LBB2_6:
0xa9: {  	v2 =	vmov s19  }
0xaa: {  	v1 =	vmov s20;
	_ =	sdelay $0x2  }
0xab: {  	s22 =	simm.s32 $0x0  }
0xac: {  	v3 =	vld.idx.msk [tilespmem:v2+s22+$0x40E0 ss:$0x1], $0xffff  }
0xad: {  	v4 =	vld.idx.msk [tilespmem:v1+s22+$0x40E0 ss:$0x1], $0xffff  }
0xae: {  	v5 =	vld.idx.msk [tilespmem:v2+s22+$0x40F0 ss:$0x1], $0xffff  }
0xaf: {  	v6 =	vld.idx.msk [tilespmem:v1+s22+$0x40F0 ss:$0x1], $0xffff  }
0xb0: {  	v10 =	vld.idx.msk [tilespmem:v2+s22+$0x4060 ss:$0x1], $0xffff  }
0xb1: {  	v11 =	vld.idx.msk [tilespmem:v1+s22+$0x4060 ss:$0x1], $0xffff  }
0xb2: {  	v7 =	vld.idx.msk [tilespmem:v2+s22+$0x40C0 ss:$0x1], $0xffff  }
0xb3: {  	v8 =	vld.idx.msk [tilespmem:v1+s22+$0x40C0 ss:$0x1], $0xffff  }
0xb4: {  	v9 =	vld.idx.msk [tilespmem:v2+s22+$0x40D0 ss:$0x1], $0xffff  }
0xb5: {  	v12 =	vld.idx.msk [tilespmem:v1+s22+$0x40D0 ss:$0x1], $0xffff  }
0xb6: {  	v13 =	vld.idx.msk [tilespmem:v2+s22+$0x4040 ss:$0x1], $0xffff  }
0xb7: {  	v14 =	vld.idx.msk [tilespmem:v1+s22+$0x4040 ss:$0x1], $0xffff  }
0xb8: {  	v15 =	vld.idx.msk [tilespmem:v2+s22+$0x4080 ss:$0x1], $0xffff  }
0xb9: {  	v16 =	vld.idx.msk [tilespmem:v1+s22+$0x4080 ss:$0x1], $0xffff  }
0xba: {  	v17 =	vld.idx.msk [tilespmem:v2+s22+$0x4090 ss:$0x1], $0xffff  }
0xbb: {  	v18 =	vld.idx.msk [tilespmem:v1+s22+$0x4090 ss:$0x1], $0xffff  }
0xbc: {  	v19 =	vld.idx.msk [tilespmem:v2+s22+$0x40A0 ss:$0x1], $0xffff  }
0xbd: {  	v20 =	vld.idx.msk [tilespmem:v1+s22+$0x40A0 ss:$0x1], $0xffff  }
0xbe: {  	v21 =	vld.idx.msk [tilespmem:v2+s22+$0x40B0 ss:$0x1], $0xffff  }
0xbf: {  	v22 =	vld.idx.msk [tilespmem:v1+s22+$0x40B0 ss:$0x1], $0xffff  }
0xc0: {  	v23 =	vld.idx.msk [tilespmem:v2+s22+$0x4000 ss:$0x1], $0xffff  }
0xc1: {  	v24 =	vld.idx.msk [tilespmem:v1+s22+$0x4000 ss:$0x1], $0xffff  }
0xc2: {  	v25 =	vld.idx.msk [tilespmem:v2+s22+$0x4010 ss:$0x1], $0xffff  }
0xc3: {  	v26 =	vld.idx.msk [tilespmem:v1+s22+$0x4010 ss:$0x1], $0xffff  }
0xc4: {  	v27 =	vld.idx.msk [tilespmem:v2+s22+$0x4020 ss:$0x1], $0xffff  }
0xc5: {  	v28 =	vld.idx.msk [tilespmem:v1+s22+$0x4020 ss:$0x1], $0xffff  }
0xc6: {  	v29 =	vld.idx.msk [tilespmem:v2+s22+$0x4030 ss:$0x1], $0xffff  }
0xc7: {  	v30 =	vld.idx.msk [tilespmem:v1+s22+$0x4030 ss:$0x1], $0xffff  }
0xc8: {  	v31 =	vld.idx.msk [tilespmem:v2+s22+$0x4050 ss:$0x1], $0xffff;
	v32 =	vmul.f32 v4, v3;
	v4 =	vmul.f32 v8, v7  }
0xc9: {  	v3 =	vld.idx.msk [tilespmem:v1+s22+$0x4050 ss:$0x1], $0xffff;
	v5 =	vmul.f32 v6, v5;
	v15 =	vmul.f32 v16, v15  }
0xca: {  	v16 =	vld.idx.msk [tilespmem:v2+s22+$0x4070 ss:$0x1], $0xffff;
	v17 =	vmul.f32 v18, v17;
	v18 =	vmul.f32 v20, v19  }
0xcb: {  	s21 =	simm.s32 $0x100;
	v19 =	vld.idx.msk [tilespmem:v1+s22+$0x4070 ss:$0x1], $0xffff;
	v20 =	vmul.f32 v22, v21;
	v21 =	vmul.f32 v24, v23  }
0xcc: {  	v6 =	vld.idx.msk [tilespmem:v2+s21+$0x40E0 ss:$0x1], $0xffff;
	v12 =	vmul.f32 v12, v9;
	v22 =	vmul.f32 v26, v25  }
0xcd: {  	v7 =	vld.idx.msk [tilespmem:v1+s21+$0x40E0 ss:$0x1], $0xffff;
	v23 =	vmul.f32 v28, v27;
	v24 =	vmul.f32 v30, v29  }
0xce: {  	s23 =	simm.s32 $0x0;
	v8 =	vld.idx.msk [tilespmem:v2+s21+$0x40F0 ss:$0x1], $0xffff;
	v13 =	vmul.f32 v14, v13;
	v10 =	vmul.f32 v11, v10  }
0xcf: {  	v9 =	vld.idx.msk [tilespmem:v1+s21+$0x40F0 ss:$0x1], $0xffff;
	v28 =	vmov s23;
	v15 =	vadd.f32 v18, v15;
	v17 =	vadd.f32 v20, v17  }
0xd0: {  	v26 =	vld.idx.msk [tilespmem:v1+s21+$0x4000 ss:$0x1], $0xffff;
	v14 =	vadd.f32 v23, v21;
	v18 =	vadd.f32 v24, v22;
	v20 =	vmul.f32 v3, v31  }
0xd1: {  	v25 =	vld.idx.msk [tilespmem:v2+s21+$0x4010 ss:$0x1], $0xffff;
	vm0 =	veq.s32 v28, v0;
	v15 =	vadd.f32 v4, v15;
	v12 =	vadd.f32 v12, v17  }
0xd2: {  	v28 =	vld.idx.msk [tilespmem:v2+s21+$0x4020 ss:$0x1], $0xffff;
	v11 =	vadd.f32 v13, v14;
	v16 =	vmul.f32 v19, v16;
	v13 =	vadd.f32 v20, v18  }
0xd3: {  	v21 =	vld.idx.msk [tilespmem:v1+s21+$0x40A0 ss:$0x1], $0xffff;
	v17 =	vadd.f32 v32, v15;
	v5 =	vadd.f32 v5, v12  }
0xd4: {  	v22 =	vld.idx.msk [tilespmem:v2+s21+$0x40B0 ss:$0x1], $0xffff;
	v10 =	vadd.f32 v10, v11;
	v11 =	vadd.f32 v16, v13  }
0xd5: {  	v23 =	vld.idx.msk [tilespmem:v1+s21+$0x40B0 ss:$0x1], $0xffff;
	v5 =	vadd.f32 v5, v17  }
0xd6: {  	v24 =	vld.idx.msk [tilespmem:v2+s21+$0x4000 ss:$0x1], $0xffff;
	v16 =	vadd.f32 v11, v10  }
0xd7: {  	v4 =	vld.idx.msk [tilespmem:v1+s21+$0x4060 ss:$0x1], $0xffff;
	(xrf2) =	vadd.scan.msk.f32 $0xffff, v5  }
0xd8: {  	v14 =	vld.idx.msk [tilespmem:v2+s21+$0x40C0 ss:$0x1], $0xffff;
	(xrf2) =	vadd.scan.msk.f32 $0xffff, v16  }
0xd9: {  	v3 =	vld.idx.msk [tilespmem:v2+s21+$0x4060 ss:$0x1], $0xffff  }
0xda: {  	v19 =	vld.idx.msk [tilespmem:v2+s21+$0x40A0 ss:$0x1], $0xffff  }
0xdb: {  	v15 =	vld.idx.msk [tilespmem:v1+s21+$0x40C0 ss:$0x1], $0xffff  }
0xdc: {  	v12 =	vld.idx.msk [tilespmem:v2+s21+$0x40D0 ss:$0x1], $0xffff  }
0xdd: {  	v18 =	vld.idx.msk [tilespmem:v2+s21+$0x4090 ss:$0x1], $0xffff  }
0xde: {  	v20 =	vld.idx.msk [tilespmem:v1+s21+$0x4090 ss:$0x1], $0xffff  }
0xdf: {  	v17 =	vld.idx.msk [tilespmem:v1+s21+$0x4080 ss:$0x1], $0xffff  }
0xe0: {  	v13 =	vld.idx.msk [tilespmem:v1+s21+$0x40D0 ss:$0x1], $0xffff  }
0xe1: {  	v10 =	vld.idx.msk [tilespmem:v2+s21+$0x4040 ss:$0x1], $0xffff;
	v5, _, _ =	vpop (xrf2)  }
0xe2: {  	v11 =	vld.idx.msk [tilespmem:v1+s21+$0x4040 ss:$0x1], $0xffff;
	v27, _, _ =	vpop (xrf2)  }
0xe3: {  	s22 =	simm.s32 $0x1;
	v16 =	vld.idx.msk [tilespmem:v2+s21+$0x4080 ss:$0x1], $0xffff;
	v30 =	vbroadcast v27, $0xF  }
0xe4: {  	v29 =	vimm.f32 $0.0e+00;
	v31 =	vmov s22;
	v5 =	vbroadcast v5, $0xF;
	v27 =	vld.idx.msk [tilespmem:v1+s21+$0x4010 ss:$0x1], $0xffff  }
0xe5: {  	vm15 =	veq.s32 v31, v0;
	v30 =	vsel vm0, v30, v29;
	v29 =	vld.idx.msk [tilespmem:v1+s21+$0x4020 ss:$0x1], $0xffff  }
0xe6: {  	s23 =	simm.s32 $0x800;
	v5 =	vsel vm15, v5, v30;
	v30 =	vld.idx.msk [tilespmem:v2+s21+$0x4030 ss:$0x1], $0xffff  }
.LBB2_7:
0xe7: {  	p0 =	sne.s32 s23, $0x1C00;
	v31 =	vld.idx.msk [tilespmem:v1+s21+$0x4030 ss:$0x1], $0xffff;
	v32 =	vmul.f32 v7, v6  }
0xe8: {  	v14 =	vmul.f32 v15, v14;
	v15 =	vmul.f32 v9, v8;
	v33 =	vld.idx.msk [tilespmem:v2+s21+$0x4050 ss:$0x1], $0xffff  }
0xe9: {  	v7 =	vmul.f32 v17, v16;
	v8 =	vmul.f32 v20, v18;
	v34 =	vld.idx.msk [tilespmem:v1+s21+$0x4050 ss:$0x1], $0xffff  }
0xea: {  	v9 =	vmul.f32 v21, v19;
	v17 =	vmul.f32 v23, v22;
	v16 =	vld.idx.msk [tilespmem:v2+s21+$0x4070 ss:$0x1], $0xffff  }
0xeb: {  	v18 =	vmul.f32 v26, v24;
	v12 =	vmul.f32 v13, v12;
	v19 =	vld.idx.msk [tilespmem:v1+s21+$0x4070 ss:$0x1], $0xffff;
	s21 =	sshra.s32 s23, $0x2  }
0xec: {  	v13 =	vmul.f32 v27, v25;
	v9 =	vadd.f32 v9, v7;
	v17 =	vadd.f32 v17, v8;
	v6 =	vld.idx.msk [tilespmem:v2+s21+$0x40E0 ss:$0x1], $0xffff  }
0xed: {  	v20 =	vmul.f32 v29, v28;
	v21 =	vmul.f32 v31, v30;
	v7 =	vld.idx.msk [tilespmem:v1+s21+$0x40E0 ss:$0x1], $0xffff  }
0xee: {  	v10 =	vmul.f32 v11, v10;
	v11 =	vadd.f32 v14, v9;
	v12 =	vadd.f32 v12, v17;
	v8 =	vld.idx.msk [tilespmem:v2+s21+$0x40F0 ss:$0x1], $0xffff  }
0xef: {  	v14 =	vadd.f32 v20, v18;
	v13 =	vadd.f32 v21, v13;
	v17 =	vmul.f32 v34, v33;
	v9 =	vld.idx.msk [tilespmem:v1+s21+$0x40F0 ss:$0x1], $0xffff  }
0xf0: {  	v18 =	vmul.f32 v4, v3;
	v11 =	vadd.f32 v32, v11;
	v12 =	vadd.f32 v15, v12;
	v3 =	vld.idx.msk [tilespmem:v2+s21+$0x4060 ss:$0x1], $0xffff  }
0xf1: {  	v10 =	vadd.f32 v10, v14;
	v13 =	vadd.f32 v17, v13;
	v16 =	vmul.f32 v19, v16;
	v4 =	vld.idx.msk [tilespmem:v1+s21+$0x4060 ss:$0x1], $0xffff  }
0xf2: {  	v11 =	vadd.f32 v12, v11;
	v14 =	vld.idx.msk [tilespmem:v2+s21+$0x40C0 ss:$0x1], $0xffff  }
0xf3: {  	v10 =	vadd.f32 v18, v10;
	v16 =	vadd.f32 v16, v13;
	v15 =	vld.idx.msk [tilespmem:v1+s21+$0x40C0 ss:$0x1], $0xffff  }
0xf4: {  	v12 =	vld.idx.msk [tilespmem:v2+s21+$0x40D0 ss:$0x1], $0xffff;
	(xrf2) =	vadd.scan.msk.f32 $0xffff, v11  }
0xf5: {  	v16 =	vadd.f32 v16, v10;
	v13 =	vld.idx.msk [tilespmem:v1+s21+$0x40D0 ss:$0x1], $0xffff  }
0xf6: {  	v10 =	vld.idx.msk [tilespmem:v2+s21+$0x4040 ss:$0x1], $0xffff  }
0xf7: {  	v11 =	vld.idx.msk [tilespmem:v1+s21+$0x4040 ss:$0x1], $0xffff;
	(xrf2) =	vadd.scan.msk.f32 $0xffff, v16  }
0xf8: {  	v16 =	vld.idx.msk [tilespmem:v2+s21+$0x4080 ss:$0x1], $0xffff  }
0xf9: {  	v17 =	vld.idx.msk [tilespmem:v1+s21+$0x4080 ss:$0x1], $0xffff  }
0xfa: {  	v18 =	vld.idx.msk [tilespmem:v2+s21+$0x4090 ss:$0x1], $0xffff  }
0xfb: {  	v20 =	vld.idx.msk [tilespmem:v1+s21+$0x4090 ss:$0x1], $0xffff  }
0xfc: {  	v19 =	vld.idx.msk [tilespmem:v2+s21+$0x40A0 ss:$0x1], $0xffff  }
0xfd: {  	v21 =	vld.idx.msk [tilespmem:v1+s21+$0x40A0 ss:$0x1], $0xffff  }
0xfe: {  	v22 =	vld.idx.msk [tilespmem:v2+s21+$0x40B0 ss:$0x1], $0xffff;
	v28, _, _ =	vpop (xrf2)  }
0xff: {  	v23 =	vld.idx.msk [tilespmem:v1+s21+$0x40B0 ss:$0x1], $0xffff  }
0x100: {  	s22 =	sadd.s32 $0x2, s22;
	v24 =	vld.idx.msk [tilespmem:v2+s21+$0x4000 ss:$0x1], $0xffff  }
0x101: {  	s24 =	sadd.s32 $0xFFFFFFFF, s22;
	v26 =	vld.idx.msk [tilespmem:v1+s21+$0x4000 ss:$0x1], $0xffff;
	v27, _, _ =	vpop (xrf2)  }
.Ltmp2:
0x102: {  	v29 =	vmov s24;
	v25 =	vld.idx.msk [tilespmem:v2+s21+$0x4010 ss:$0x1], $0xffff;
	v30 =	vbroadcast v27, $0xF;
	(pc) =	sbr.rel @p0 .LBB2_7-.Ltmp2, $4  }
0x103: {  	vm0 =	veq.s32 v29, v0;
	v29 =	vmov s22;
	v31 =	vbroadcast v28, $0xF;
	v27 =	vld.idx.msk [tilespmem:v1+s21+$0x4010 ss:$0x1], $0xffff  }
0x104: {  	v28 =	vld.idx.msk [tilespmem:v2+s21+$0x4020 ss:$0x1], $0xffff;
	v5 =	vsel vm0, v30, v5;
	vm0 =	veq.s32 v29, v0  }
0x105: {  	v29 =	vld.idx.msk [tilespmem:v1+s21+$0x4020 ss:$0x1], $0xffff;
	v5 =	vsel vm0, v31, v5  }
0x106: {  	s23 =	sadd.s32 $0x400, s23;
	v30 =	vld.idx.msk [tilespmem:v2+s21+$0x4030 ss:$0x1], $0xffff  }
0x107: {  	_ =	sdelay $0x3  }
0x108: {  	v31 =	vld.idx.msk [tilespmem:v1+s21+$0x4030 ss:$0x1], $0xffff;
	v6 =	vmul.f32 v7, v6;
	v45 =	vmul.f32 v15, v14  }
0x109: {  	v46 =	vld.idx.msk [tilespmem:v2+s21+$0x4050 ss:$0x1], $0xffff;
	v8 =	vmul.f32 v9, v8;
	v47 =	vmul.f32 v17, v16  }
0x10a: {  	v48 =	vld.idx.msk [tilespmem:v1+s21+$0x4050 ss:$0x1], $0xffff;
	v49 =	vmul.f32 v20, v18;
	v50 =	vmul.f32 v21, v19  }
0x10b: {  	v2 =	vld.idx.msk [tilespmem:v2+s21+$0x4070 ss:$0x1], $0xffff;
	v51 =	vmul.f32 v23, v22;
	v52 =	vmul.f32 v26, v24  }
0x10c: {  	v1 =	vld.idx.msk [tilespmem:v1+s21+$0x4070 ss:$0x1], $0xffff;
	v12 =	vmul.f32 v13, v12;
	v53 =	vmul.f32 v27, v25  }
0x10d: {  	v54 =	vmul.f32 v29, v28;
	v55 =	vmul.f32 v31, v30  }
0x10e: {  	v10 =	vmul.f32 v11, v10;
	v9 =	vadd.f32 v50, v47;
	v16 =	vadd.f32 v51, v49  }
0x10f: {  	v56 =	vadd.f32 v54, v52;
	v14 =	vmul.f32 v48, v46;
	v13 =	vadd.f32 v55, v53  }
0x110: {  	v3 =	vmul.f32 v4, v3;
	v7 =	vadd.f32 v45, v9;
	v57 =	vadd.f32 v12, v16  }
0x111: {  	v1 =	vmul.f32 v1, v2;
	v58 =	vadd.f32 v10, v56;
	v59 =	vadd.f32 v14, v13  }
0x112: {  	v2 =	vadd.f32 v6, v7;
	v60 =	vadd.f32 v8, v57  }
0x113: {  	v3 =	vadd.f32 v3, v58;
	v1 =	vadd.f32 v1, v59  }
0x114: {  	v2 =	vadd.f32 v60, v2  }
0x115: {  	v1 =	vadd.f32 v1, v3  }
0x116: {  	(xrf2) =	vadd.scan.msk.f32 $0xffff, v2  }
0x117: {  	(xrf2) =	vadd.scan.msk.f32 $0xffff, v1;
	_ =	sdelay $0x8  }
0x118: {  	s24 =	sadd.s32 $0x2, s22;
	s25 =	sshll.u32 s28, $0x4;
	v1, _, _ =	vpop (xrf2)  }
0x119: {  	s23 =	sadd.s32 $0xFFFFFFFF, s24;
	v3 =	vld [tilespmem:s25+$0x10480];
	v2, _, _ =	vpop (xrf2)  }
0x11a: {  	v61 =	vmov s23;
	v2 =	vbroadcast v2, $0xF  }
0x11b: {  	v62 =	vmov s24;
	v63 =	vld [tilespmem:s25+$0x10580];
	vm0 =	veq.s32 v61, v0;
	v1 =	vbroadcast v1, $0xF  }
0x11c: {  	vm15 =	veq.s32 v62, v0;
	v2 =	vsel vm0, v2, v5  }
0x11d: {  	v1 =	vsel vm15, v1, v2  }
0x11e: {  	v1 =	vadd.f32 v3, v1;
	_ =	sdelay $0x1  }
0x11f: {  	v1 =	vadd.f32 v63, v1;
	_ =	sdelay $0x1  }
0x120: {  	v1 =	vsub.f32 $0.0e+00, v1;
	_ =	sdelay $0x1  }
0x121: {  	v1 =	vmul.f32 $1.442695020e+00, v1;
	_ =	sdelay $0x1  }
0x122: {  	(erf) = vpow2.f32 v1;
	_ =	sdelay $0x8  }
0x123: {  	v1 =	vpop (erf)  }
0x124: {  	v1 =	vadd.f32 $1.000000000e+00, v1;
	_ =	sdelay $0x1  }
0x125: {  	(erf) = vrcp.f32 v1;
	_ =	sdelay $0x3  }
0x126: {  	s28 =	sadd.s32 $0x1, s28  }
0x127: {  	p0 =	sne.s32 s28, $0x8  }
.Ltmp3:
0x128: {  	_ = 	snop;
	(pc) =	sbr.rel @p0 .LBB2_6-.Ltmp3, $3  }
0x129: {  	_ =	sdelay $0x1  }
0x12a: {  	v1 =	vpop (erf)  }
0x12b: {  	s20 =	sadd.s32 $0x800, s20;
	s19 =	sadd.s32 $0x800, s19;
	[tilespmem:s25+$0x10680] =	vst v1  }
0x12c: {  	s19 =	simm.s32 $0x0;
	s20 =	simm.s32 $0x10680  }
0x12d: {  	[hbm4b:s10+s19] =	stream.linear.scatter [tilespmem:s20], [sflag:$0x3], $0x80, $0x38;
	[tilespmem:$0x10800] =	vst v63  }
0x12e: {  	s23 =	simm.s32 $0x4400  }
0x12f: {  	[tilespmem:s23], [sflag:$0x2] =	stream.indirect.gather [hbm4b:s1+s16], $0x80, s3, s16, $0xb8;
	[tilespmem:$0x10800] =	vst v63  }
0x130: {  	s24 =	simm.s32 $0xC400  }
0x131: {  	[tilespmem:s24], [sflag:$0x2] =	stream.indirect.gather [hbm4b:s2+s16], $0x80, s17, s16, $0xb8;
	[tilespmem:$0x10800] =	vst v63  }
0x132: {  	s25 =	simm.s32 $0x10480  }
0x133: {  	[tilespmem:s25], [sflag:$0x2] =	stream.indirect.gather [hbm4b:s5+s16], $0x1, s3, s16, $0xb8;
	[tilespmem:$0x10800] =	vst v63  }
0x134: {  	s28 =	simm.s32 $0x10580  }
0x135: {  	[tilespmem:s28], [sflag:$0x2] =	stream.indirect.gather [hbm4b:s6+s16], $0x1, s17, s16, $0xb8;
	[tilespmem:$0x10800] =	vst v63  }
0x136: {  	_ =	swait.ge [sflag:s26], $0x4000  }
0x137: {  	[sflag:s26] =	ssyncset.done $0x0  }
0x138: {  	[sflag:s26] =	ssyncadd.s32 $0xFFFFC000  }
0x139: {  	_ =	swait.ge [sflag:s26], $0x4000  }
0x13a: {  	[sflag:s26] =	ssyncset.done $0x0  }
0x13b: {  	[sflag:s26] =	ssyncadd.s32 $0xFFFFC000  }
0x13c: {  	_ =	swait.ge [sflag:s26], $0x80  }
0x13d: {  	[sflag:s26] =	ssyncset.done $0x0  }
0x13e: {  	[sflag:s26] =	ssyncadd.s32 $0xFFFFFF80  }
0x13f: {  	_ =	swait.ge [sflag:s26], $0x80  }
0x140: {  	[sflag:s26] =	ssyncset.done $0x0  }
0x141: {  	s20 =	simm.s32 $0x8480;
	s23 =	simm.s32 $0x480;
	[sflag:s26] =	ssyncadd.s32 $0xFFFFFF80  }
.LBB2_10:
0x142: {  	v2 =	vld [tilespmem:s23+$0x60]  }
0x143: {  	v8 =	vld [tilespmem:s20+$0x60]  }
0x144: {  	v12 =	vld [tilespmem:s23+$0x70]  }
0x145: {  	v27 =	vld [tilespmem:s20+$0x70]  }
0x146: {  	v1 =	vld [tilespmem:s23+$0xFFFFFFE0]  }
0x147: {  	v3 =	vld [tilespmem:s20+$0xFFFFFFE0]  }
0x148: {  	v22 =	vld [tilespmem:s23+$0x40]  }
0x149: {  	v28 =	vld [tilespmem:s20+$0x40]  }
0x14a: {  	v6 =	vld [tilespmem:s23+$0x50]  }
0x14b: {  	v7 =	vld [tilespmem:s20+$0x50]  }
0x14c: {  	v4 =	vld [tilespmem:s23+$0xFFFFFFC0]  }
0x14d: {  	v5 =	vld [tilespmem:s20+$0xFFFFFFC0]  }
0x14e: {  	v9 =	vld [tilespmem:s23+$0x0]  }
0x14f: {  	v10 =	vld [tilespmem:s20+$0x0]  }
0x150: {  	v11 =	vld [tilespmem:s23+$0x10]  }
0x151: {  	v14 =	vld [tilespmem:s20+$0x10]  }
0x152: {  	v13 =	vld [tilespmem:s23+$0x20]  }
0x153: {  	v15 =	vld [tilespmem:s20+$0x20]  }
0x154: {  	v16 =	vld [tilespmem:s23+$0x30]  }
0x155: {  	v17 =	vld [tilespmem:s20+$0x30]  }
0x156: {  	v18 =	vld [tilespmem:s23+$0xFFFFFF80]  }
0x157: {  	v19 =	vld [tilespmem:s20+$0xFFFFFF80]  }
0x158: {  	v20 =	vld [tilespmem:s23+$0xFFFFFF90]  }
0x159: {  	v23 =	vld [tilespmem:s20+$0xFFFFFF90]  }
0x15a: {  	v21 =	vld [tilespmem:s23+$0xFFFFFFA0]  }
0x15b: {  	v24 =	vld [tilespmem:s20+$0xFFFFFFA0]  }
0x15c: {  	v25 =	vld [tilespmem:s23+$0xFFFFFFB0];
	s24 =	simm.s32 $0x2;
	v8 =	vmul.f32 v8, v2  }
0x15d: {  	v26 =	vld [tilespmem:s20+$0xFFFFFFB0];
	s28 =	smov.u32 s23;
	s22 =	smov.u32 s20;
	s21 =	simm.s32 $0x0;
	v2 =	vimm.f32 $0.0e+00;
	v22 =	vmul.f32 v28, v22;
	v12 =	vmul.f32 v27, v12  }
.LBB2_11:
0x15e: {  	p0 =	sne.s32 s24, $0xE;
	v27 =	vld [tilespmem:s28+$0xFFFFFFD0];
	v9 =	vmul.f32 v10, v9;
	v10 =	vmul.f32 v14, v11  }
0x15f: {  	v13 =	vmul.f32 v15, v13;
	v14 =	vmul.f32 v17, v16;
	v11 =	vld [tilespmem:s22+$0xFFFFFFD0]  }
0x160: {  	v15 =	vmul.f32 v19, v18;
	v6 =	vmul.f32 v7, v6;
	v16 =	vld [tilespmem:s28+$0xFFFFFFF0]  }
0x161: {  	v7 =	vmul.f32 v23, v20;
	v9 =	vadd.f32 v13, v9;
	v10 =	vadd.f32 v14, v10;
	s28 =	sadd.s32 $0x100, s28;
	v17 =	vld [tilespmem:s22+$0xFFFFFFF0]  }
0x162: {  	v13 =	vmul.f32 v24, v21;
	s22 =	sadd.s32 $0x100, s22;
	v28 =	vld [tilespmem:s28+$0x60];
	v14 =	vmul.f32 v26, v25  }
0x163: {  	v4 =	vmul.f32 v5, v4;
	v5 =	vadd.f32 v22, v9;
	v6 =	vadd.f32 v6, v10;
	v26 =	vld [tilespmem:s22+$0x60]  }
0x164: {  	v9 =	vadd.f32 v13, v15;
	v29 =	vld [tilespmem:s28+$0x70];
	v7 =	vadd.f32 v14, v7;
	v10 =	vmul.f32 v11, v27  }
0x165: {  	v11 =	vmul.f32 v3, v1;
	v5 =	vadd.f32 v8, v5;
	v6 =	vadd.f32 v12, v6;
	v27 =	vld [tilespmem:s22+$0x70]  }
0x166: {  	v4 =	vadd.f32 v4, v9;
	v1 =	vld [tilespmem:s28+$0xFFFFFFE0];
	v7 =	vadd.f32 v10, v7;
	v8 =	vmul.f32 v17, v16  }
0x167: {  	v5 =	vadd.f32 v6, v5;
	v3 =	vld [tilespmem:s22+$0xFFFFFFE0]  }
0x168: {  	v4 =	vadd.f32 v11, v4;
	v12 =	vld [tilespmem:s28+$0x40];
	v7 =	vadd.f32 v8, v7  }
0x169: {  	v22 =	vld [tilespmem:s22+$0x40];
	(xrf2) =	vadd.scan.msk.f32 $0xffff, v5  }
0x16a: {  	v6 =	vld [tilespmem:s28+$0x50];
	v5 =	vadd.f32 v7, v4  }
0x16b: {  	v7 =	vld [tilespmem:s22+$0x50]  }
0x16c: {  	v4 =	vld [tilespmem:s28+$0xFFFFFFC0];
	(xrf2) =	vadd.scan.msk.f32 $0xffff, v5  }
0x16d: {  	v5 =	vld [tilespmem:s22+$0xFFFFFFC0]  }
0x16e: {  	v9 =	vld [tilespmem:s28+$0x0]  }
0x16f: {  	v10 =	vld [tilespmem:s22+$0x0]  }
0x170: {  	v11 =	vld [tilespmem:s28+$0x10]  }
0x171: {  	v14 =	vld [tilespmem:s22+$0x10]  }
0x172: {  	v13 =	vld [tilespmem:s28+$0x20]  }
0x173: {  	v15 =	vld [tilespmem:s22+$0x20];
	v8, _, _ =	vpop (xrf2)  }
0x174: {  	v16 =	vld [tilespmem:s28+$0x30]  }
0x175: {  	v17 =	vld [tilespmem:s22+$0x30]  }
0x176: {  	v18 =	vld [tilespmem:s28+$0xFFFFFF80];
	v20, _, _ =	vpop (xrf2)  }
0x177: {  	s25 =	sadd.s32 $0x1, s21;
	v21 =	vmov s21;
	s21 =	smov.u32 s24;
	v19 =	vld [tilespmem:s22+$0xFFFFFF80];
	v24 =	vbroadcast v20, $0xF  }
0x178: {  	vm0 =	veq.s32 v21, v0;
	v21 =	vmov s25;
	v8 =	vbroadcast v8, $0xF;
	v20 =	vld [tilespmem:s28+$0xFFFFFF90]  }
.Ltmp4:
0x179: {  	v23 =	vld [tilespmem:s22+$0xFFFFFF90];
	v2 =	vsel vm0, v24, v2;
	vm0 =	veq.s32 v21, v0;
	(pc) =	sbr.rel @p0 .LBB2_11-.Ltmp4, $4  }
0x17a: {  	v21 =	vld [tilespmem:s28+$0xFFFFFFA0];
	v2 =	vsel vm0, v8, v2  }
0x17b: {  	v24 =	vld [tilespmem:s22+$0xFFFFFFA0]  }
0x17c: {  	v8 =	vmul.f32 v26, v28;
	v25 =	vld [tilespmem:s28+$0xFFFFFFB0]  }
0x17d: {  	s24 =	sadd.s32 $0x2, s24;
	v22 =	vmul.f32 v22, v12;
	v12 =	vmul.f32 v27, v29;
	v26 =	vld [tilespmem:s22+$0xFFFFFFB0]  }
0x17e: {  	v27 =	vld [tilespmem:s28+$0xFFFFFFD0];
	v9 =	vmul.f32 v10, v9  }
0x17f: {  	v46 =	vmul.f32 v14, v11;
	v47 =	vld [tilespmem:s22+$0xFFFFFFD0];
	v13 =	vmul.f32 v15, v13  }
0x180: {  	v48 =	vmul.f32 v17, v16;
	v49 =	vmul.f32 v19, v18;
	v50 =	vld [tilespmem:s28+$0xFFFFFFF0]  }
0x181: {  	v6 =	vmul.f32 v7, v6;
	v51 =	vmul.f32 v23, v20;
	v52 =	vld [tilespmem:s22+$0xFFFFFFF0]  }
0x182: {  	v53 =	vmul.f32 v24, v21;
	v54 =	vmul.f32 v26, v25  }
0x183: {  	v4 =	vmul.f32 v5, v4;
	v9 =	vadd.f32 v13, v9;
	v10 =	vadd.f32 v48, v46  }
0x184: {  	v55 =	vadd.f32 v53, v49;
	v11 =	vmul.f32 v47, v27;
	v7 =	vadd.f32 v54, v51  }
0x185: {  	v1 =	vmul.f32 v3, v1;
	v9 =	vadd.f32 v22, v9;
	v6 =	vadd.f32 v6, v10  }
0x186: {  	v57 =	vmul.f32 v52, v50;
	v3 =	vadd.f32 v4, v55;
	v56 =	vadd.f32 v11, v7  }
0x187: {  	v58 =	vadd.f32 v8, v9;
	v6 =	vadd.f32 v12, v6  }
0x188: {  	v1 =	vadd.f32 v1, v3;
	v3 =	vadd.f32 v57, v56  }
0x189: {  	v59 =	vadd.f32 v6, v58  }
0x18a: {  	v1 =	vadd.f32 v3, v1  }
0x18b: {  	(xrf2) =	vadd.scan.msk.f32 $0xffff, v59  }
0x18c: {  	(xrf2) =	vadd.scan.msk.f32 $0xffff, v1;
	_ =	sdelay $0x8  }
0x18d: {  	s25 =	sshll.u32 s19, $0x4;
	v1, _, _ =	vpop (xrf2)  }
0x18e: {  	v60 =	vld [tilespmem:s25+$0x10400];
	v3, _, _ =	vpop (xrf2)  }
0x18f: {  	v61 =	vmov s21;
	s28 =	sadd.s32 $0x1, s21;
	v3 =	vbroadcast v3, $0xF  }
0x190: {  	vm0 =	veq.s32 v61, v0;
	v62 =	vmov s28;
	v63 =	vld [tilespmem:s25+$0x10500];
	v1 =	vbroadcast v1, $0xF  }
0x191: {  	vm15 =	veq.s32 v62, v0;
	v2 =	vsel vm0, v3, v2  }
0x192: {  	v1 =	vsel vm15, v1, v2  }
0x193: {  	v1 =	vadd.f32 v60, v1;
	_ =	sdelay $0x1  }
0x194: {  	v1 =	vadd.f32 v63, v1;
	_ =	sdelay $0x1  }
0x195: {  	v1 =	vsub.f32 $0.0e+00, v1;
	_ =	sdelay $0x1  }
0x196: {  	v1 =	vmul.f32 $1.442695020e+00, v1;
	_ =	sdelay $0x1  }
0x197: {  	(erf) = vpow2.f32 v1;
	_ =	sdelay $0x8  }
0x198: {  	v1 =	vpop (erf)  }
0x199: {  	v1 =	vadd.f32 $1.000000000e+00, v1;
	_ =	sdelay $0x1  }
0x19a: {  	(erf) = vrcp.f32 v1;
	_ =	sdelay $0x3  }
0x19b: {  	s19 =	sadd.s32 $0x1, s19  }
0x19c: {  	p0 =	sne.s32 s19, $0x8  }
.Ltmp5:
0x19d: {  	_ = 	snop;
	(pc) =	sbr.rel @p0 .LBB2_10-.Ltmp5, $3  }
0x19e: {  	_ =	sdelay $0x1  }
0x19f: {  	v1 =	vpop (erf)  }
0x1a0: {  	s20 =	sadd.s32 $0x800, s20;
	s23 =	sadd.s32 $0x800, s23;
	[tilespmem:s25+$0x10700] =	vst v1  }
0x1a1: {  	s19 =	simm.s32 $0x0;
	s20 =	simm.s32 $0x10700  }
0x1a2: {  	[hbm4b:s11+s19] =	stream.linear.scatter [tilespmem:s20], [sflag:$0x3], $0x80, $0x38;
	[tilespmem:$0x10800] =	vst v63  }
0x1a3: {  	_ =	swait.ge [sflag:s31], $0x4000  }
0x1a4: {  	[sflag:s31] =	ssyncset.done $0x0  }
0x1a5: {  	[sflag:s31] =	ssyncadd.s32 $0xFFFFC000  }
0x1a6: {  	_ =	swait.ge [sflag:s31], $0x4000  }
0x1a7: {  	[sflag:s31] =	ssyncset.done $0x0  }
0x1a8: {  	[sflag:s31] =	ssyncadd.s32 $0xFFFFC000  }
0x1a9: {  	_ =	swait.ge [sflag:s31], $0x80  }
0x1aa: {  	[sflag:s31] =	ssyncset.done $0x0  }
0x1ab: {  	[sflag:s31] =	ssyncadd.s32 $0xFFFFFF80  }
0x1ac: {  	_ =	swait.ge [sflag:s31], $0x80  }
0x1ad: {  	[sflag:s31] =	ssyncset.done $0x0  }
0x1ae: {  	s28 =	simm.s32 $0x400;
	s20 =	simm.s32 $0x8400;
	[sflag:s31] =	ssyncadd.s32 $0xFFFFFF80  }
.LBB2_14:
0x1af: {  	v2 =	vmov s28  }
0x1b0: {  	v1 =	vmov s20;
	_ =	sdelay $0x2  }
0x1b1: {  	s22 =	simm.s32 $0x0  }
0x1b2: {  	v3 =	vld.idx.msk [tilespmem:v2+s22+$0x40E0 ss:$0x1], $0xffff  }
0x1b3: {  	v4 =	vld.idx.msk [tilespmem:v1+s22+$0x40E0 ss:$0x1], $0xffff  }
0x1b4: {  	v5 =	vld.idx.msk [tilespmem:v2+s22+$0x40F0 ss:$0x1], $0xffff  }
0x1b5: {  	v6 =	vld.idx.msk [tilespmem:v1+s22+$0x40F0 ss:$0x1], $0xffff  }
0x1b6: {  	v10 =	vld.idx.msk [tilespmem:v2+s22+$0x4060 ss:$0x1], $0xffff  }
0x1b7: {  	v11 =	vld.idx.msk [tilespmem:v1+s22+$0x4060 ss:$0x1], $0xffff  }
0x1b8: {  	v7 =	vld.idx.msk [tilespmem:v2+s22+$0x40C0 ss:$0x1], $0xffff  }
0x1b9: {  	v8 =	vld.idx.msk [tilespmem:v1+s22+$0x40C0 ss:$0x1], $0xffff  }
0x1ba: {  	v9 =	vld.idx.msk [tilespmem:v2+s22+$0x40D0 ss:$0x1], $0xffff  }
0x1bb: {  	v12 =	vld.idx.msk [tilespmem:v1+s22+$0x40D0 ss:$0x1], $0xffff  }
0x1bc: {  	v13 =	vld.idx.msk [tilespmem:v2+s22+$0x4040 ss:$0x1], $0xffff  }
0x1bd: {  	v14 =	vld.idx.msk [tilespmem:v1+s22+$0x4040 ss:$0x1], $0xffff  }
0x1be: {  	v15 =	vld.idx.msk [tilespmem:v2+s22+$0x4080 ss:$0x1], $0xffff  }
0x1bf: {  	v16 =	vld.idx.msk [tilespmem:v1+s22+$0x4080 ss:$0x1], $0xffff  }
0x1c0: {  	v17 =	vld.idx.msk [tilespmem:v2+s22+$0x4090 ss:$0x1], $0xffff  }
0x1c1: {  	v18 =	vld.idx.msk [tilespmem:v1+s22+$0x4090 ss:$0x1], $0xffff  }
0x1c2: {  	v19 =	vld.idx.msk [tilespmem:v2+s22+$0x40A0 ss:$0x1], $0xffff  }
0x1c3: {  	v20 =	vld.idx.msk [tilespmem:v1+s22+$0x40A0 ss:$0x1], $0xffff  }
0x1c4: {  	v21 =	vld.idx.msk [tilespmem:v2+s22+$0x40B0 ss:$0x1], $0xffff  }
0x1c5: {  	v22 =	vld.idx.msk [tilespmem:v1+s22+$0x40B0 ss:$0x1], $0xffff  }
0x1c6: {  	v23 =	vld.idx.msk [tilespmem:v2+s22+$0x4000 ss:$0x1], $0xffff  }
0x1c7: {  	v24 =	vld.idx.msk [tilespmem:v1+s22+$0x4000 ss:$0x1], $0xffff  }
0x1c8: {  	v25 =	vld.idx.msk [tilespmem:v2+s22+$0x4010 ss:$0x1], $0xffff  }
0x1c9: {  	v26 =	vld.idx.msk [tilespmem:v1+s22+$0x4010 ss:$0x1], $0xffff  }
0x1ca: {  	v27 =	vld.idx.msk [tilespmem:v2+s22+$0x4020 ss:$0x1], $0xffff  }
0x1cb: {  	v28 =	vld.idx.msk [tilespmem:v1+s22+$0x4020 ss:$0x1], $0xffff  }
0x1cc: {  	v29 =	vld.idx.msk [tilespmem:v2+s22+$0x4030 ss:$0x1], $0xffff  }
0x1cd: {  	v30 =	vld.idx.msk [tilespmem:v1+s22+$0x4030 ss:$0x1], $0xffff  }
0x1ce: {  	v31 =	vld.idx.msk [tilespmem:v2+s22+$0x4050 ss:$0x1], $0xffff;
	v32 =	vmul.f32 v4, v3;
	v4 =	vmul.f32 v8, v7  }
0x1cf: {  	v3 =	vld.idx.msk [tilespmem:v1+s22+$0x4050 ss:$0x1], $0xffff;
	v5 =	vmul.f32 v6, v5;
	v15 =	vmul.f32 v16, v15  }
0x1d0: {  	v16 =	vld.idx.msk [tilespmem:v2+s22+$0x4070 ss:$0x1], $0xffff;
	v17 =	vmul.f32 v18, v17;
	v18 =	vmul.f32 v20, v19  }
0x1d1: {  	s21 =	simm.s32 $0x100;
	v19 =	vld.idx.msk [tilespmem:v1+s22+$0x4070 ss:$0x1], $0xffff;
	v20 =	vmul.f32 v22, v21;
	v21 =	vmul.f32 v24, v23  }
0x1d2: {  	v6 =	vld.idx.msk [tilespmem:v2+s21+$0x40E0 ss:$0x1], $0xffff;
	v12 =	vmul.f32 v12, v9;
	v22 =	vmul.f32 v26, v25  }
0x1d3: {  	v7 =	vld.idx.msk [tilespmem:v1+s21+$0x40E0 ss:$0x1], $0xffff;
	v23 =	vmul.f32 v28, v27;
	v24 =	vmul.f32 v30, v29  }
0x1d4: {  	s23 =	simm.s32 $0x0;
	v8 =	vld.idx.msk [tilespmem:v2+s21+$0x40F0 ss:$0x1], $0xffff;
	v13 =	vmul.f32 v14, v13;
	v10 =	vmul.f32 v11, v10  }
0x1d5: {  	v9 =	vld.idx.msk [tilespmem:v1+s21+$0x40F0 ss:$0x1], $0xffff;
	v28 =	vmov s23;
	v15 =	vadd.f32 v18, v15;
	v17 =	vadd.f32 v20, v17  }
0x1d6: {  	v26 =	vld.idx.msk [tilespmem:v1+s21+$0x4000 ss:$0x1], $0xffff;
	v14 =	vadd.f32 v23, v21;
	v18 =	vadd.f32 v24, v22;
	v20 =	vmul.f32 v3, v31  }
0x1d7: {  	v25 =	vld.idx.msk [tilespmem:v2+s21+$0x4010 ss:$0x1], $0xffff;
	vm0 =	veq.s32 v28, v0;
	v15 =	vadd.f32 v4, v15;
	v12 =	vadd.f32 v12, v17  }
0x1d8: {  	v28 =	vld.idx.msk [tilespmem:v2+s21+$0x4020 ss:$0x1], $0xffff;
	v11 =	vadd.f32 v13, v14;
	v16 =	vmul.f32 v19, v16;
	v13 =	vadd.f32 v20, v18  }
0x1d9: {  	v21 =	vld.idx.msk [tilespmem:v1+s21+$0x40A0 ss:$0x1], $0xffff;
	v17 =	vadd.f32 v32, v15;
	v5 =	vadd.f32 v5, v12  }
0x1da: {  	v22 =	vld.idx.msk [tilespmem:v2+s21+$0x40B0 ss:$0x1], $0xffff;
	v10 =	vadd.f32 v10, v11;
	v11 =	vadd.f32 v16, v13  }
0x1db: {  	v23 =	vld.idx.msk [tilespmem:v1+s21+$0x40B0 ss:$0x1], $0xffff;
	v5 =	vadd.f32 v5, v17  }
0x1dc: {  	v24 =	vld.idx.msk [tilespmem:v2+s21+$0x4000 ss:$0x1], $0xffff;
	v16 =	vadd.f32 v11, v10  }
0x1dd: {  	v4 =	vld.idx.msk [tilespmem:v1+s21+$0x4060 ss:$0x1], $0xffff;
	(xrf2) =	vadd.scan.msk.f32 $0xffff, v5  }
0x1de: {  	v14 =	vld.idx.msk [tilespmem:v2+s21+$0x40C0 ss:$0x1], $0xffff;
	(xrf2) =	vadd.scan.msk.f32 $0xffff, v16  }
0x1df: {  	v3 =	vld.idx.msk [tilespmem:v2+s21+$0x4060 ss:$0x1], $0xffff  }
0x1e0: {  	v19 =	vld.idx.msk [tilespmem:v2+s21+$0x40A0 ss:$0x1], $0xffff  }
0x1e1: {  	v15 =	vld.idx.msk [tilespmem:v1+s21+$0x40C0 ss:$0x1], $0xffff  }
0x1e2: {  	v12 =	vld.idx.msk [tilespmem:v2+s21+$0x40D0 ss:$0x1], $0xffff  }
0x1e3: {  	v18 =	vld.idx.msk [tilespmem:v2+s21+$0x4090 ss:$0x1], $0xffff  }
0x1e4: {  	v20 =	vld.idx.msk [tilespmem:v1+s21+$0x4090 ss:$0x1], $0xffff  }
0x1e5: {  	v17 =	vld.idx.msk [tilespmem:v1+s21+$0x4080 ss:$0x1], $0xffff  }
0x1e6: {  	v13 =	vld.idx.msk [tilespmem:v1+s21+$0x40D0 ss:$0x1], $0xffff  }
0x1e7: {  	v10 =	vld.idx.msk [tilespmem:v2+s21+$0x4040 ss:$0x1], $0xffff;
	v5, _, _ =	vpop (xrf2)  }
0x1e8: {  	v11 =	vld.idx.msk [tilespmem:v1+s21+$0x4040 ss:$0x1], $0xffff;
	v27, _, _ =	vpop (xrf2)  }
0x1e9: {  	s22 =	simm.s32 $0x1;
	v16 =	vld.idx.msk [tilespmem:v2+s21+$0x4080 ss:$0x1], $0xffff;
	v30 =	vbroadcast v27, $0xF  }
0x1ea: {  	v29 =	vimm.f32 $0.0e+00;
	v31 =	vmov s22;
	v5 =	vbroadcast v5, $0xF;
	v27 =	vld.idx.msk [tilespmem:v1+s21+$0x4010 ss:$0x1], $0xffff  }
0x1eb: {  	vm15 =	veq.s32 v31, v0;
	v30 =	vsel vm0, v30, v29;
	v29 =	vld.idx.msk [tilespmem:v1+s21+$0x4020 ss:$0x1], $0xffff  }
0x1ec: {  	s23 =	simm.s32 $0x800;
	v5 =	vsel vm15, v5, v30;
	v30 =	vld.idx.msk [tilespmem:v2+s21+$0x4030 ss:$0x1], $0xffff  }
.LBB2_15:
0x1ed: {  	p0 =	sne.s32 s23, $0x1C00;
	v31 =	vld.idx.msk [tilespmem:v1+s21+$0x4030 ss:$0x1], $0xffff;
	v32 =	vmul.f32 v7, v6  }
0x1ee: {  	v14 =	vmul.f32 v15, v14;
	v15 =	vmul.f32 v9, v8;
	v33 =	vld.idx.msk [tilespmem:v2+s21+$0x4050 ss:$0x1], $0xffff  }
0x1ef: {  	v7 =	vmul.f32 v17, v16;
	v8 =	vmul.f32 v20, v18;
	v34 =	vld.idx.msk [tilespmem:v1+s21+$0x4050 ss:$0x1], $0xffff  }
0x1f0: {  	v9 =	vmul.f32 v21, v19;
	v17 =	vmul.f32 v23, v22;
	v16 =	vld.idx.msk [tilespmem:v2+s21+$0x4070 ss:$0x1], $0xffff  }
0x1f1: {  	v18 =	vmul.f32 v26, v24;
	v12 =	vmul.f32 v13, v12;
	v19 =	vld.idx.msk [tilespmem:v1+s21+$0x4070 ss:$0x1], $0xffff;
	s21 =	sshra.s32 s23, $0x2  }
0x1f2: {  	v13 =	vmul.f32 v27, v25;
	v9 =	vadd.f32 v9, v7;
	v17 =	vadd.f32 v17, v8;
	v6 =	vld.idx.msk [tilespmem:v2+s21+$0x40E0 ss:$0x1], $0xffff  }
0x1f3: {  	v20 =	vmul.f32 v29, v28;
	v21 =	vmul.f32 v31, v30;
	v7 =	vld.idx.msk [tilespmem:v1+s21+$0x40E0 ss:$0x1], $0xffff  }
0x1f4: {  	v10 =	vmul.f32 v11, v10;
	v11 =	vadd.f32 v14, v9;
	v12 =	vadd.f32 v12, v17;
	v8 =	vld.idx.msk [tilespmem:v2+s21+$0x40F0 ss:$0x1], $0xffff  }
0x1f5: {  	v14 =	vadd.f32 v20, v18;
	v13 =	vadd.f32 v21, v13;
	v17 =	vmul.f32 v34, v33;
	v9 =	vld.idx.msk [tilespmem:v1+s21+$0x40F0 ss:$0x1], $0xffff  }
0x1f6: {  	v18 =	vmul.f32 v4, v3;
	v11 =	vadd.f32 v32, v11;
	v12 =	vadd.f32 v15, v12;
	v3 =	vld.idx.msk [tilespmem:v2+s21+$0x4060 ss:$0x1], $0xffff  }
0x1f7: {  	v10 =	vadd.f32 v10, v14;
	v13 =	vadd.f32 v17, v13;
	v16 =	vmul.f32 v19, v16;
	v4 =	vld.idx.msk [tilespmem:v1+s21+$0x4060 ss:$0x1], $0xffff  }
0x1f8: {  	v11 =	vadd.f32 v12, v11;
	v14 =	vld.idx.msk [tilespmem:v2+s21+$0x40C0 ss:$0x1], $0xffff  }
0x1f9: {  	v10 =	vadd.f32 v18, v10;
	v16 =	vadd.f32 v16, v13;
	v15 =	vld.idx.msk [tilespmem:v1+s21+$0x40C0 ss:$0x1], $0xffff  }
0x1fa: {  	v12 =	vld.idx.msk [tilespmem:v2+s21+$0x40D0 ss:$0x1], $0xffff;
	(xrf2) =	vadd.scan.msk.f32 $0xffff, v11  }
0x1fb: {  	v16 =	vadd.f32 v16, v10;
	v13 =	vld.idx.msk [tilespmem:v1+s21+$0x40D0 ss:$0x1], $0xffff  }
0x1fc: {  	v10 =	vld.idx.msk [tilespmem:v2+s21+$0x4040 ss:$0x1], $0xffff  }
0x1fd: {  	v11 =	vld.idx.msk [tilespmem:v1+s21+$0x4040 ss:$0x1], $0xffff;
	(xrf2) =	vadd.scan.msk.f32 $0xffff, v16  }
0x1fe: {  	v16 =	vld.idx.msk [tilespmem:v2+s21+$0x4080 ss:$0x1], $0xffff  }
0x1ff: {  	v17 =	vld.idx.msk [tilespmem:v1+s21+$0x4080 ss:$0x1], $0xffff  }
0x200: {  	v18 =	vld.idx.msk [tilespmem:v2+s21+$0x4090 ss:$0x1], $0xffff  }
0x201: {  	v20 =	vld.idx.msk [tilespmem:v1+s21+$0x4090 ss:$0x1], $0xffff  }
0x202: {  	v19 =	vld.idx.msk [tilespmem:v2+s21+$0x40A0 ss:$0x1], $0xffff  }
0x203: {  	v21 =	vld.idx.msk [tilespmem:v1+s21+$0x40A0 ss:$0x1], $0xffff  }
0x204: {  	v22 =	vld.idx.msk [tilespmem:v2+s21+$0x40B0 ss:$0x1], $0xffff;
	v28, _, _ =	vpop (xrf2)  }
0x205: {  	v23 =	vld.idx.msk [tilespmem:v1+s21+$0x40B0 ss:$0x1], $0xffff  }
0x206: {  	s22 =	sadd.s32 $0x2, s22;
	v24 =	vld.idx.msk [tilespmem:v2+s21+$0x4000 ss:$0x1], $0xffff  }
0x207: {  	s24 =	sadd.s32 $0xFFFFFFFF, s22;
	v26 =	vld.idx.msk [tilespmem:v1+s21+$0x4000 ss:$0x1], $0xffff;
	v27, _, _ =	vpop (xrf2)  }
.Ltmp6:
0x208: {  	v29 =	vmov s24;
	v25 =	vld.idx.msk [tilespmem:v2+s21+$0x4010 ss:$0x1], $0xffff;
	v30 =	vbroadcast v27, $0xF;
	(pc) =	sbr.rel @p0 .LBB2_15-.Ltmp6, $4  }
0x209: {  	vm0 =	veq.s32 v29, v0;
	v29 =	vmov s22;
	v31 =	vbroadcast v28, $0xF;
	v27 =	vld.idx.msk [tilespmem:v1+s21+$0x4010 ss:$0x1], $0xffff  }
0x20a: {  	v28 =	vld.idx.msk [tilespmem:v2+s21+$0x4020 ss:$0x1], $0xffff;
	v5 =	vsel vm0, v30, v5;
	vm0 =	veq.s32 v29, v0  }
0x20b: {  	v29 =	vld.idx.msk [tilespmem:v1+s21+$0x4020 ss:$0x1], $0xffff;
	v5 =	vsel vm0, v31, v5  }
0x20c: {  	s23 =	sadd.s32 $0x400, s23;
	v30 =	vld.idx.msk [tilespmem:v2+s21+$0x4030 ss:$0x1], $0xffff  }
0x20d: {  	_ =	sdelay $0x3  }
0x20e: {  	v31 =	vld.idx.msk [tilespmem:v1+s21+$0x4030 ss:$0x1], $0xffff;
	v6 =	vmul.f32 v7, v6;
	v45 =	vmul.f32 v15, v14  }
0x20f: {  	v46 =	vld.idx.msk [tilespmem:v2+s21+$0x4050 ss:$0x1], $0xffff;
	v8 =	vmul.f32 v9, v8;
	v47 =	vmul.f32 v17, v16  }
0x210: {  	v48 =	vld.idx.msk [tilespmem:v1+s21+$0x4050 ss:$0x1], $0xffff;
	v49 =	vmul.f32 v20, v18;
	v50 =	vmul.f32 v21, v19  }
0x211: {  	v2 =	vld.idx.msk [tilespmem:v2+s21+$0x4070 ss:$0x1], $0xffff;
	v51 =	vmul.f32 v23, v22;
	v52 =	vmul.f32 v26, v24  }
0x212: {  	v1 =	vld.idx.msk [tilespmem:v1+s21+$0x4070 ss:$0x1], $0xffff;
	v12 =	vmul.f32 v13, v12;
	v53 =	vmul.f32 v27, v25  }
0x213: {  	v54 =	vmul.f32 v29, v28;
	v55 =	vmul.f32 v31, v30  }
0x214: {  	v10 =	vmul.f32 v11, v10;
	v9 =	vadd.f32 v50, v47;
	v16 =	vadd.f32 v51, v49  }
0x215: {  	v56 =	vadd.f32 v54, v52;
	v14 =	vmul.f32 v48, v46;
	v13 =	vadd.f32 v55, v53  }
0x216: {  	v3 =	vmul.f32 v4, v3;
	v7 =	vadd.f32 v45, v9;
	v57 =	vadd.f32 v12, v16  }
0x217: {  	v1 =	vmul.f32 v1, v2;
	v58 =	vadd.f32 v10, v56;
	v59 =	vadd.f32 v14, v13  }
0x218: {  	v2 =	vadd.f32 v6, v7;
	v60 =	vadd.f32 v8, v57  }
0x219: {  	v3 =	vadd.f32 v3, v58;
	v1 =	vadd.f32 v1, v59  }
0x21a: {  	v2 =	vadd.f32 v60, v2  }
0x21b: {  	v1 =	vadd.f32 v1, v3  }
0x21c: {  	(xrf2) =	vadd.scan.msk.f32 $0xffff, v2  }
0x21d: {  	(xrf2) =	vadd.scan.msk.f32 $0xffff, v1;
	_ =	sdelay $0x8  }
0x21e: {  	s24 =	sadd.s32 $0x2, s22;
	s25 =	sshll.u32 s19, $0x4;
	v1, _, _ =	vpop (xrf2)  }
0x21f: {  	s23 =	sadd.s32 $0xFFFFFFFF, s24;
	v3 =	vld [tilespmem:s25+$0x10480];
	v2, _, _ =	vpop (xrf2)  }
0x220: {  	v61 =	vmov s23;
	v2 =	vbroadcast v2, $0xF  }
0x221: {  	v62 =	vmov s24;
	v63 =	vld [tilespmem:s25+$0x10580];
	vm0 =	veq.s32 v61, v0;
	v1 =	vbroadcast v1, $0xF  }
0x222: {  	vm15 =	veq.s32 v62, v0;
	v2 =	vsel vm0, v2, v5  }
0x223: {  	v1 =	vsel vm15, v1, v2  }
0x224: {  	v1 =	vadd.f32 v3, v1;
	_ =	sdelay $0x1  }
0x225: {  	v1 =	vadd.f32 v63, v1;
	_ =	sdelay $0x1  }
0x226: {  	v1 =	vsub.f32 $0.0e+00, v1;
	_ =	sdelay $0x1  }
0x227: {  	v1 =	vmul.f32 $1.442695020e+00, v1;
	_ =	sdelay $0x1  }
0x228: {  	(erf) = vpow2.f32 v1;
	_ =	sdelay $0x8  }
0x229: {  	v1 =	vpop (erf)  }
0x22a: {  	v1 =	vadd.f32 $1.000000000e+00, v1;
	_ =	sdelay $0x1  }
0x22b: {  	(erf) = vrcp.f32 v1;
	_ =	sdelay $0x3  }
0x22c: {  	s19 =	sadd.s32 $0x1, s19  }
0x22d: {  	p0 =	sne.s32 s19, $0x8  }
.Ltmp7:
0x22e: {  	_ = 	snop;
	(pc) =	sbr.rel @p0 .LBB2_14-.Ltmp7, $3  }
0x22f: {  	_ =	sdelay $0x1  }
0x230: {  	v1 =	vpop (erf)  }
0x231: {  	s20 =	sadd.s32 $0x800, s20;
	s28 =	sadd.s32 $0x800, s28;
	[tilespmem:s25+$0x10780] =	vst v1  }
0x232: {  	s19 =	simm.s32 $0x10780  }
0x233: {  	[hbm4b:s12+s4] =	stream.linear.scatter [tilespmem:s19], [sflag:$0x3], $0x80, $0x38;
	[tilespmem:$0x10800] =	vst v63  }
0x234: {  	_ =	swait.ge [sflag:s0], $0x80  }
0x235: {  	[sflag:s0] =	ssyncset.done $0x0  }
0x236: {  	[sflag:s0] =	ssyncadd.s32 $0xFFFFFF80  }
0x237: {  	_ =	swait.ge [sflag:s0], $0x80  }
0x238: {  	[sflag:s0] =	ssyncset.done $0x0  }
0x239: {  	s18 =	sadd.s32 $0x1, s18;
	[sflag:s0] =	ssyncadd.s32 $0xFFFFFF80  }
0x23a: {  	p0 =	sne.s32 s18, s13;
	_ =	swait.ge [sflag:s0], $0x80  }
.Ltmp8:
0x23b: {  	[sflag:s0] =	ssyncset.done $0x0;
	(pc) =	sbr.rel @p0 .LBB2_1-.Ltmp8, $4  }
0x23c: {  	[sflag:s0] =	ssyncadd.s32 $0xFFFFFF80  }
0x23d: {  	_ =	swait.ge [sflag:s0], $0x80  }
0x23e: {  	[sflag:s0] =	ssyncset.done $0x0  }
0x23f: {  	[sflag:s0] =	ssyncadd.s32 $0xFFFFFF80  }
0x240: {  	_ =	sfence.sel $0x180000  }
0x241: {  	[bflag:$0x0] =	sbarrier.arrive $0xFFFF  }
0x242: {  	_ =	strace $0x90000047  }
0x243: {  	s0 =	stileid.u32;
	[bflag:$0x2] =	sbarrier.arrive $0xFFFF  }
0x244: {  	p0 =	sne.s32 s0, $0x0;
	s0 =	rddreg [dreg:$0x6]  }
0x245: {  	s0 =	sadd.s32 @!p0 $0x100000, s0  }
0x246: {  	[sflag:s0] =	ssyncadd.tile.s32 @!p0 $0x1;
	_ =	shalt  }
.Lfunc_end2:
_tile_overlayer_lowered:
.L_overlay_start_2:
0x247: {  	(tag) =	ssettag $0x2  }
0x248: {  	s0 =	rddreg [dreg:$0x0];
	s2 =	stileid.u32  }
0x249: {  	s1 =	rddreg [dreg:$0x1];
	p0 =	sne.s32 s2, $0x0  }
0x24a: {  	s3 =	rddreg [dreg:$0x2];
	[bflag:$0x3] =	sbarrier.arrive $0xFFFF;
	s2 =	simm.s32 @!p0 $0x1C04  }
0x24b: {  	[timem:s3], [sflag:s2] =	dma.local @!p0 [hbm:s0], s1  }
0x24c: {  	s0 =	simm.s32 @!p0 $0x4  }
0x24d: {  	_ =	swait.ge @!p0 [sflag:s0], s1  }
0x24e: {  	s1 =	ssub.s32 @!p0 $0x0, s1;
	[sflag:s0] =	ssyncset.done @!p0 $0x0  }
0x24f: {  	[sflag:s0] =	ssyncadd.s32 @!p0 s1  }
0x250: {  	[bflag:$0x3] =	sbarrier.arrive $0xFFFF  }
0x251: {  	_ =	shalt  }

</sc_bundles>
